<compile_context>
chip_gen: v7x
topology: tpu7x:2x2x1
jax: 0.10.2.dev20260603
libtpu: 0.0.44.dev20260713+nightly
codegen_flags: <defaults>
</compile_context>

<pallas_src>
import jax
import jax.numpy as jnp
from jax import lax
from jax.experimental import pallas as pl
from jax.experimental.pallas import tpu as pltpu
from jax.experimental.pallas import tpu_sc as plsc

N_LANES = 16
NUM_CORES = 2
NUM_SUBCORES = 16
NUM_WORKERS = NUM_CORES * NUM_SUBCORES
BATCH = 16384
FACTORS = 64
PACKED_W = 2 * FACTORS
ROWS_PER_WORKER = BATCH // NUM_WORKERS
HALF = ROWS_PER_WORKER // 2
GROUPS_PER_HALF = HALF // N_LANES

N_ROWS = 1000000
SPLIT = 512000
REPACK_BN = 12800
REPACK_GRID = SPLIT // REPACK_BN
REPACK_LAST_BLK = (N_ROWS - 1) // REPACK_BN


def _repack_body(lo_ref, hi_ref, out_ref):
    out_ref[:, 0:FACTORS] = lo_ref[...].T
    out_ref[:, FACTORS:PACKED_W] = hi_ref[...].T


def _repack(table_t):
    return pl.pallas_call(
        _repack_body,
        out_shape=jax.ShapeDtypeStruct((SPLIT, PACKED_W), jnp.float32),
        grid=(REPACK_GRID,),
        in_specs=[
            pl.BlockSpec((FACTORS, REPACK_BN), lambda i: (0, i)),
            pl.BlockSpec((FACTORS, REPACK_BN),
                         lambda i: (0, jnp.minimum(i + REPACK_GRID,
                                                   REPACK_LAST_BLK))),
        ],
        out_specs=pl.BlockSpec((REPACK_BN, PACKED_W), lambda i: (i, 0)),
        compiler_params=pltpu.CompilerParams(
            fuse_transposed_lhs_in_matmul=True),
    )(table_t, table_t)


def _mf_body_a(uid2_hbm, uid_hbm, iid_hbm, pp_hbm, bu_hbm, bi_hbm,
               bsum_hbm, prows_hbm,
               u2_v, uidx_v, iidx_v, pd_v, bu_v, bi_v, sem):
    wid = lax.axis_index("s") * NUM_CORES + lax.axis_index("c")
    base = wid * ROWS_PER_WORKER

    pltpu.sync_copy(uid2_hbm.at[pl.ds(base, ROWS_PER_WORKER)], u2_v)
    pltpu.sync_copy(uid_hbm.at[pl.ds(base, ROWS_PER_WORKER)], uidx_v)
    pltpu.sync_copy(iid_hbm.at[pl.ds(base, ROWS_PER_WORKER)], iidx_v)

    cp_bu = pltpu.async_copy(bu_hbm.at[uidx_v], bu_v, sem)
    cp_bi = pltpu.async_copy(bi_hbm.at[iidx_v], bi_v, sem)
    cp_p = pltpu.async_copy(pp_hbm.at[u2_v], pd_v, sem)
    cp_bu.wait()
    cp_bi.wait()

    def bsum_chunk(k, _):
        bu_v[pl.ds(k * N_LANES, N_LANES)] = (
            bu_v[pl.ds(k * N_LANES, N_LANES)]
            + bi_v[pl.ds(k * N_LANES, N_LANES)])
        return None

    lax.fori_loop(0, ROWS_PER_WORKER // N_LANES, bsum_chunk, None)
    pltpu.sync_copy(bu_v, bsum_hbm.at[pl.ds(base, ROWS_PER_WORKER)])
    cp_p.wait()
    pltpu.sync_copy(pd_v, prows_hbm.at[pl.ds(base, ROWS_PER_WORKER)])


def _mf_body_b(iid2_hbm, uoff_hbm, ioff_hbm, qp_hbm, prows_hbm, bsum_hbm,
               out_hbm,
               i2_v, uoff_v, ioff_v, pd_v, qd_v, bs_v, out_v, stage_v, sem):
    wid = lax.axis_index("s") * NUM_CORES + lax.axis_index("c")
    base = wid * ROWS_PER_WORKER

    pltpu.sync_copy(iid2_hbm.at[pl.ds(base, ROWS_PER_WORKER)], i2_v)
    pltpu.sync_copy(uoff_hbm.at[pl.ds(base, ROWS_PER_WORKER)], uoff_v)
    pltpu.sync_copy(ioff_hbm.at[pl.ds(base, ROWS_PER_WORKER)], ioff_v)
    pltpu.sync_copy(bsum_hbm.at[pl.ds(base, ROWS_PER_WORKER)], bs_v)
    pltpu.sync_copy(prows_hbm.at[pl.ds(base, ROWS_PER_WORKER)], pd_v)

    lane = lax.iota(jnp.int32, N_LANES)

    for h in range(2):
        cp_q = pltpu.async_copy(
            qp_hbm.at[i2_v.at[pl.ds(h * HALF, HALF)]], qd_v, sem)
        cp_q.wait()

        def group(g, _):
            rbase = h * HALF + g * N_LANES
            uoff_chunk = uoff_v[pl.ds(rbase, N_LANES)]
            ioff_chunk = ioff_v[pl.ds(rbase, N_LANES)]
            for l in range(N_LANES):
                r = g * N_LANES + l
                po = uoff_chunk[l]
                qo = ioff_chunk[l]
                v = (pd_v[h * HALF + r, pl.ds(po, 16)]
                     * qd_v[r, pl.ds(qo, 16)])
                for j in range(1, FACTORS // N_LANES):
                    v = v + (pd_v[h * HALF + r, pl.ds(po + j * 16, 16)]
                             * qd_v[r, pl.ds(qo + j * 16, 16)])
                stage_v[pl.ds(l * N_LANES, N_LANES)] = v
            acc = bs_v[pl.ds(rbase, N_LANES)]
            for c in range(N_LANES):
                acc = acc + plsc.load_gather(stage_v, [lane * N_LANES + c])
            out_v[pl.ds(rbase, N_LANES)] = acc
            return None

        lax.fori_loop(0, GROUPS_PER_HALF, group, None)

    pltpu.sync_copy(out_v, out_hbm.at[pl.ds(base, ROWS_PER_WORKER)])


@jax.jit
def kernel(user_id, item_id, P, Q, user_bias, item_bias):
    uid = user_id.astype(jnp.int32)
    iid = item_id.astype(jnp.int32)
    mesh = plsc.VectorSubcoreMesh(
        core_axis_name="c", subcore_axis_name="s",
        num_cores=NUM_CORES, num_subcores=NUM_SUBCORES)
    run_a = pl.kernel(
        _mf_body_a,
        out_type=(jax.ShapeDtypeStruct((BATCH,), jnp.float32),
                  jax.ShapeDtypeStruct((BATCH, PACKED_W), jnp.float32)),
        mesh=mesh,
        scratch_types=[
            pltpu.VMEM((ROWS_PER_WORKER,), jnp.int32),
            pltpu.VMEM((ROWS_PER_WORKER,), jnp.int32),
            pltpu.VMEM((ROWS_PER_WORKER,), jnp.int32),
            pltpu.VMEM((ROWS_PER_WORKER, PACKED_W), jnp.float32),
            pltpu.VMEM((ROWS_PER_WORKER,), jnp.float32),
            pltpu.VMEM((ROWS_PER_WORKER,), jnp.float32),
            pltpu.SemaphoreType.DMA,
        ],
        compiler_params=pltpu.CompilerParams(
            needs_layout_passes=False, use_tc_tiling_on_sc=False),
    )
    run_b = pl.kernel(
        _mf_body_b,
        out_type=jax.ShapeDtypeStruct((BATCH,), jnp.float32),
        mesh=mesh,
        scratch_types=[
            pltpu.VMEM((ROWS_PER_WORKER,), jnp.int32),
            pltpu.VMEM((ROWS_PER_WORKER,), jnp.int32),
            pltpu.VMEM((ROWS_PER_WORKER,), jnp.int32),
            pltpu.VMEM((ROWS_PER_WORKER, PACKED_W), jnp.float32),
            pltpu.VMEM((HALF, PACKED_W), jnp.float32),
            pltpu.VMEM((ROWS_PER_WORKER,), jnp.float32),
            pltpu.VMEM((ROWS_PER_WORKER,), jnp.float32),
            pltpu.VMEM((N_LANES * N_LANES,), jnp.float32),
            pltpu.SemaphoreType.DMA,
        ],
        compiler_params=pltpu.CompilerParams(
            needs_layout_passes=False, use_tc_tiling_on_sc=False),
    )
    u_hi = uid >= SPLIT
    i_hi = iid >= SPLIT
    bsum, prows = run_a(jnp.where(u_hi, uid - SPLIT, uid), uid, iid,
                        _repack(P.T),
                        user_bias.reshape(-1), item_bias.reshape(-1))
    return run_b(jnp.where(i_hi, iid - SPLIT, iid),
                 u_hi.astype(jnp.int32) * FACTORS,
                 i_hi.astype(jnp.int32) * FACTORS,
                 _repack(Q.T), prows, bsum)

# --- scband reference (transcript-rebuilt; emitter-appended) ---
"""Pipeline reference for scband-mf-32495722561994 (READ-ONLY COPY).

The authoritative reference and input builder live on the scoring server;
editing this copy changes nothing except your own understanding.
"""

import jax, jax.numpy as jnp
import numpy as np

N_USER = 1000000
N_ITEM = 1000000
N_FACTOR = 64
BATCH = 16384


def setup_inputs(seed: int = 0) -> dict:
    key = jax.random.key(seed)
    k1, k2, k3, k4, k5, k6 = jax.random.split(key, 6)
    user_id = jax.random.randint(k1, (BATCH,), 0, N_USER, dtype=jnp.int64 if jax.config.jax_enable_x64 else jnp.int32)
    item_id = jax.random.randint(k2, (BATCH,), 0, N_ITEM, dtype=jnp.int64 if jax.config.jax_enable_x64 else jnp.int32)
    P = jax.random.normal(k3, (N_USER, N_FACTOR), dtype=jnp.float32)
    Q = jax.random.normal(k4, (N_ITEM, N_FACTOR), dtype=jnp.float32)
    user_bias = jax.random.normal(k5, (N_USER, 1), dtype=jnp.float32)
    item_bias = jax.random.normal(k6, (N_ITEM, 1), dtype=jnp.float32)
    return {"user_id": user_id, "item_id": item_id, "P": P, "Q": Q, "user_bias": user_bias, "item_bias": item_bias}


def reference(user_id, item_id, P, Q, user_bias, item_bias):
    P_u = jnp.take(P, user_id, axis=0)           # [B, F]
    Q_i = jnp.take(Q, item_id, axis=0)           # [B, F]
    b_u = jnp.take(user_bias, user_id, axis=0)   # [B, 1]
    b_i = jnp.take(item_bias, item_id, axis=0)   # [B, 1]
    out = jnp.sum(P_u * Q_i, axis=1) + jnp.squeeze(b_u) + jnp.squeeze(b_i)
    return out.reshape(-1)

if __name__ == "__main__":
    import jax
    _d = setup_inputs()
    print(jax.jit(kernel)(*tuple(_d.values())))

</pallas_src>

<mosaic_0001>
#map = affine_map<(d0, d1) -> (0)>
#map1 = affine_map<(d0, d1) -> (0, 0)>
module attributes {stable_mosaic.version = 14 : i64} {
  func.func @_mf_body_a(%arg0: i32, %arg1: i32, %arg2: memref<16384xi32, #tpu.memory_space<hbm>>, %arg3: memref<16384xi32, #tpu.memory_space<hbm>>, %arg4: memref<16384xi32, #tpu.memory_space<hbm>>, %arg5: memref<512000x128xf32, #tpu.memory_space<hbm>>, %arg6: memref<1000000xf32, #tpu.memory_space<hbm>>, %arg7: memref<1000000xf32, #tpu.memory_space<hbm>>, %arg8: memref<16384xf32, #tpu.memory_space<hbm>>, %arg9: memref<16384x128xf32, #tpu.memory_space<hbm>>, %arg10: memref<512xi32, #tpu.memory_space<vmem>>, %arg11: memref<512xi32, #tpu.memory_space<vmem>>, %arg12: memref<512xi32, #tpu.memory_space<vmem>>, %arg13: memref<512x128xf32, #tpu.memory_space<vmem>>, %arg14: memref<512xf32, #tpu.memory_space<vmem>>, %arg15: memref<512xf32, #tpu.memory_space<vmem>>, %arg16: memref<!tpu.dma_semaphore, #tpu.memory_space<semaphore_mem>>) attributes {dimension_semantics = [#tpu.dimension_semantics<core_parallel>, #tpu.dimension_semantics<subcore_parallel>], iteration_bounds = array<i64: 2, 16>, scalar_prefetch = 0 : i64, scratch_operands = 7 : i64, tpu.core_type = #tpu.core_type<sc_vector_subcore>, window_params = [{transform_indices = #map}, {transform_indices = #map}, {transform_indices = #map}, {transform_indices = #map1}, {transform_indices = #map}, {transform_indices = #map}, {transform_indices = #map}, {transform_indices = #map1}]} {
    %mul3A = arith.constant 2 : i32
    %mul3A_0 = arith.muli %arg1, %mul3A : i32
    %add3A = arith.addi %mul3A_0, %arg0 : i32
    %mul3A_1 = arith.constant 512 : i32
    %mul3A_2 = arith.muli %add3A, %mul3A_1 : i32
    "tpu.region"() ({
      %run_scoped3A = tpu.sem_alloc : memref<!tpu.dma_semaphore, #tpu.memory_space<semaphore_mem>>
      %dma_start3A_19 = tpu.memref_slice %arg2[%mul3A_2] : memref<16384xi32, #tpu.memory_space<hbm>> -> memref<512xi32, #tpu.memory_space<hbm>>
      %dma_start3A_20 = tpu.memref_slice %arg2[%mul3A_2] : memref<16384xi32, #tpu.memory_space<hbm>> -> memref<512xi32, #tpu.memory_space<hbm>>
      tpu.enqueue_dma source(%dma_start3A_20 : memref<512xi32, #tpu.memory_space<hbm>>) target(%arg10 : memref<512xi32, #tpu.memory_space<vmem>>) target_semaphore(%run_scoped3A : memref<!tpu.dma_semaphore, #tpu.memory_space<semaphore_mem>>)
      %dma_wait3A_21 = tpu.memref_slice %arg2[%mul3A_2] : memref<16384xi32, #tpu.memory_space<hbm>> -> memref<512xi32, #tpu.memory_space<hbm>>
      %dma_wait3A_22 = tpu.memref_slice %arg2[%mul3A_2] : memref<16384xi32, #tpu.memory_space<hbm>> -> memref<512xi32, #tpu.memory_space<hbm>>
      tpu.wait_dma2 semaphore(%run_scoped3A : memref<!tpu.dma_semaphore, #tpu.memory_space<semaphore_mem>>) src(%dma_wait3A_22 : memref<512xi32, #tpu.memory_space<hbm>>) dst(%arg10 : memref<512xi32, #tpu.memory_space<vmem>>)
      tpu.yield
    }) : () -> ()
    "tpu.region"() ({
      %run_scoped3A = tpu.sem_alloc : memref<!tpu.dma_semaphore, #tpu.memory_space<semaphore_mem>>
      %dma_start3A_19 = tpu.memref_slice %arg3[%mul3A_2] : memref<16384xi32, #tpu.memory_space<hbm>> -> memref<512xi32, #tpu.memory_space<hbm>>
      %dma_start3A_20 = tpu.memref_slice %arg3[%mul3A_2] : memref<16384xi32, #tpu.memory_space<hbm>> -> memref<512xi32, #tpu.memory_space<hbm>>
      tpu.enqueue_dma source(%dma_start3A_20 : memref<512xi32, #tpu.memory_space<hbm>>) target(%arg11 : memref<512xi32, #tpu.memory_space<vmem>>) target_semaphore(%run_scoped3A : memref<!tpu.dma_semaphore, #tpu.memory_space<semaphore_mem>>)
      %dma_wait3A_21 = tpu.memref_slice %arg3[%mul3A_2] : memref<16384xi32, #tpu.memory_space<hbm>> -> memref<512xi32, #tpu.memory_space<hbm>>
      %dma_wait3A_22 = tpu.memref_slice %arg3[%mul3A_2] : memref<16384xi32, #tpu.memory_space<hbm>> -> memref<512xi32, #tpu.memory_space<hbm>>
      tpu.wait_dma2 semaphore(%run_scoped3A : memref<!tpu.dma_semaphore, #tpu.memory_space<semaphore_mem>>) src(%dma_wait3A_22 : memref<512xi32, #tpu.memory_space<hbm>>) dst(%arg11 : memref<512xi32, #tpu.memory_space<vmem>>)
      tpu.yield
    }) : () -> ()
    "tpu.region"() ({
      %run_scoped3A = tpu.sem_alloc : memref<!tpu.dma_semaphore, #tpu.memory_space<semaphore_mem>>
      %dma_start3A_19 = tpu.memref_slice %arg4[%mul3A_2] : memref<16384xi32, #tpu.memory_space<hbm>> -> memref<512xi32, #tpu.memory_space<hbm>>
      %dma_start3A_20 = tpu.memref_slice %arg4[%mul3A_2] : memref<16384xi32, #tpu.memory_space<hbm>> -> memref<512xi32, #tpu.memory_space<hbm>>
      tpu.enqueue_dma source(%dma_start3A_20 : memref<512xi32, #tpu.memory_space<hbm>>) target(%arg12 : memref<512xi32, #tpu.memory_space<vmem>>) target_semaphore(%run_scoped3A : memref<!tpu.dma_semaphore, #tpu.memory_space<semaphore_mem>>)
      %dma_wait3A_21 = tpu.memref_slice %arg4[%mul3A_2] : memref<16384xi32, #tpu.memory_space<hbm>> -> memref<512xi32, #tpu.memory_space<hbm>>
      %dma_wait3A_22 = tpu.memref_slice %arg4[%mul3A_2] : memref<16384xi32, #tpu.memory_space<hbm>> -> memref<512xi32, #tpu.memory_space<hbm>>
      tpu.wait_dma2 semaphore(%run_scoped3A : memref<!tpu.dma_semaphore, #tpu.memory_space<semaphore_mem>>) src(%dma_wait3A_22 : memref<512xi32, #tpu.memory_space<hbm>>) dst(%arg12 : memref<512xi32, #tpu.memory_space<vmem>>)
      tpu.yield
    }) : () -> ()
    %dma_start3A = arith.constant 0 : i32
    %dma_start3A_3 = tpu.memref_slice %arg6[%dma_start3A] : memref<1000000xf32, #tpu.memory_space<hbm>> -> memref<1000000xf32, #tpu.memory_space<hbm>>
    tpu.enqueue_indirect_dma source(%dma_start3A_3 : memref<1000000xf32, #tpu.memory_space<hbm>>) target(%arg14 : memref<512xf32, #tpu.memory_space<vmem>>) offsets(%arg11 : memref<512xi32, #tpu.memory_space<vmem>>) semaphore(%arg16 : memref<!tpu.dma_semaphore, #tpu.memory_space<semaphore_mem>>)
    %dma_start3A_4 = arith.constant 0 : i32
    %dma_start3A_5 = tpu.memref_slice %arg7[%dma_start3A_4] : memref<1000000xf32, #tpu.memory_space<hbm>> -> memref<1000000xf32, #tpu.memory_space<hbm>>
    tpu.enqueue_indirect_dma source(%dma_start3A_5 : memref<1000000xf32, #tpu.memory_space<hbm>>) target(%arg15 : memref<512xf32, #tpu.memory_space<vmem>>) offsets(%arg12 : memref<512xi32, #tpu.memory_space<vmem>>) semaphore(%arg16 : memref<!tpu.dma_semaphore, #tpu.memory_space<semaphore_mem>>)
    %dma_start3A_6 = arith.constant 0 : i32
    %dma_start3A_7 = arith.constant 0 : i32
    %dma_start3A_8 = tpu.memref_slice %arg5[%dma_start3A_6, %dma_start3A_7] : memref<512000x128xf32, #tpu.memory_space<hbm>> -> memref<512000x128xf32, #tpu.memory_space<hbm>>
    tpu.enqueue_indirect_dma source(%dma_start3A_8 : memref<512000x128xf32, #tpu.memory_space<hbm>>) target(%arg13 : memref<512x128xf32, #tpu.memory_space<vmem>>) offsets(%arg10 : memref<512xi32, #tpu.memory_space<vmem>>) semaphore(%arg16 : memref<!tpu.dma_semaphore, #tpu.memory_space<semaphore_mem>>)
    %dma_wait3A = arith.constant 0 : i32
    %dma_wait3A_9 = tpu.memref_slice %arg6[%dma_wait3A] : memref<1000000xf32, #tpu.memory_space<hbm>> -> memref<1000000xf32, #tpu.memory_space<hbm>>
    tpu.wait_indirect_dma semaphore(%arg16 : memref<!tpu.dma_semaphore, #tpu.memory_space<semaphore_mem>>) src(%dma_wait3A_9 : memref<1000000xf32, #tpu.memory_space<hbm>>) dst(%arg14 : memref<512xf32, #tpu.memory_space<vmem>>)
    %dma_wait3A_10 = arith.constant 0 : i32
    %dma_wait3A_11 = tpu.memref_slice %arg7[%dma_wait3A_10] : memref<1000000xf32, #tpu.memory_space<hbm>> -> memref<1000000xf32, #tpu.memory_space<hbm>>
    tpu.wait_indirect_dma semaphore(%arg16 : memref<!tpu.dma_semaphore, #tpu.memory_space<semaphore_mem>>) src(%dma_wait3A_11 : memref<1000000xf32, #tpu.memory_space<hbm>>) dst(%arg15 : memref<512xf32, #tpu.memory_space<vmem>>)
    %scan3A = arith.constant 0 : i32
    %scan3A_12 = arith.constant 32 : i32
    %scan3A_13 = arith.addi %scan3A, %scan3A_12 : i32
    %scan3A_14 = arith.constant 1 : i32
    scf.for %scan3A_19 = %scan3A to %scan3A_13 step %scan3A_14  : i32 {
      %mul3A_20 = arith.constant 16 : i32
      %mul3A_21 = arith.muli %scan3A_19, %mul3A_20 : i32
      %get3A = arith.index_cast %mul3A_21 : i32 to index
      %get3A_22 = tpu.vector_load %arg14[%get3A] {strides = array<i32>} : memref<512xf32, #tpu.memory_space<vmem>>, vector<16xf32>,
      %mul3A_23 = arith.constant 16 : i32
      %mul3A_24 = arith.muli %scan3A_19, %mul3A_23 : i32
      %get3A_25 = arith.index_cast %mul3A_24 : i32 to index
      %get3A_26 = tpu.vector_load %arg15[%get3A_25] {strides = array<i32>} : memref<512xf32, #tpu.memory_space<vmem>>, vector<16xf32>,
      %add3A_27 = arith.addf %get3A_22, %get3A_26 : vector<16xf32>
      %mul3A_28 = arith.constant 16 : i32
      %mul3A_29 = arith.muli %scan3A_19, %mul3A_28 : i32
      %swap3A = arith.index_cast %mul3A_29 : i32 to index
      %swap3A_30 = tpu.vector_load %arg14[%swap3A] {strides = array<i32>} : memref<512xf32, #tpu.memory_space<vmem>>, vector<16xf32>,
      tpu.vector_store %arg14[%swap3A], %add3A_27 {strides = array<i32>} : memref<512xf32, #tpu.memory_space<vmem>>, vector<16xf32>,
    }
    %scan3A_15 = arith.constant 32 : i32
    "tpu.region"() ({
      %run_scoped3A = tpu.sem_alloc : memref<!tpu.dma_semaphore, #tpu.memory_space<semaphore_mem>>
      %dma_start3A_19 = tpu.memref_slice %arg8[%mul3A_2] : memref<16384xf32, #tpu.memory_space<hbm>> -> memref<512xf32, #tpu.memory_space<hbm>>
      %dma_start3A_20 = tpu.memref_slice %arg8[%mul3A_2] : memref<16384xf32, #tpu.memory_space<hbm>> -> memref<512xf32, #tpu.memory_space<hbm>>
      tpu.enqueue_dma source(%arg14 : memref<512xf32, #tpu.memory_space<vmem>>) target(%dma_start3A_20 : memref<512xf32, #tpu.memory_space<hbm>>) target_semaphore(%run_scoped3A : memref<!tpu.dma_semaphore, #tpu.memory_space<semaphore_mem>>)
      %dma_wait3A_21 = tpu.memref_slice %arg8[%mul3A_2] : memref<16384xf32, #tpu.memory_space<hbm>> -> memref<512xf32, #tpu.memory_space<hbm>>
      %dma_wait3A_22 = tpu.memref_slice %arg8[%mul3A_2] : memref<16384xf32, #tpu.memory_space<hbm>> -> memref<512xf32, #tpu.memory_space<hbm>>
      tpu.wait_dma2 semaphore(%run_scoped3A : memref<!tpu.dma_semaphore, #tpu.memory_space<semaphore_mem>>) src(%arg14 : memref<512xf32, #tpu.memory_space<vmem>>) dst(%dma_wait3A_22 : memref<512xf32, #tpu.memory_space<hbm>>)
      tpu.yield
    }) : () -> ()
    %dma_wait3A_16 = arith.constant 0 : i32
    %dma_wait3A_17 = arith.constant 0 : i32
    %dma_wait3A_18 = tpu.memref_slice %arg5[%dma_wait3A_16, %dma_wait3A_17] : memref<512000x128xf32, #tpu.memory_space<hbm>> -> memref<512000x128xf32, #tpu.memory_space<hbm>>
    tpu.wait_indirect_dma semaphore(%arg16 : memref<!tpu.dma_semaphore, #tpu.memory_space<semaphore_mem>>) src(%dma_wait3A_18 : memref<512000x128xf32, #tpu.memory_space<hbm>>) dst(%arg13 : memref<512x128xf32, #tpu.memory_space<vmem>>)
    "tpu.region"() ({
      %run_scoped3A = tpu.sem_alloc : memref<!tpu.dma_semaphore, #tpu.memory_space<semaphore_mem>>
      %dma_start3A_19 = arith.constant 0 : i32
      %dma_start3A_20 = tpu.memref_slice %arg9[%mul3A_2, %dma_start3A_19] : memref<16384x128xf32, #tpu.memory_space<hbm>> -> memref<512x128xf32, #tpu.memory_space<hbm>>
      %dma_start3A_21 = arith.constant 0 : i32
      %dma_start3A_22 = tpu.memref_slice %arg9[%mul3A_2, %dma_start3A_21] : memref<16384x128xf32, #tpu.memory_space<hbm>> -> memref<512x128xf32, #tpu.memory_space<hbm>>
      tpu.enqueue_dma source(%arg13 : memref<512x128xf32, #tpu.memory_space<vmem>>) target(%dma_start3A_22 : memref<512x128xf32, #tpu.memory_space<hbm>>) target_semaphore(%run_scoped3A : memref<!tpu.dma_semaphore, #tpu.memory_space<semaphore_mem>>)
      %dma_wait3A_23 = arith.constant 0 : i32
      %dma_wait3A_24 = tpu.memref_slice %arg9[%mul3A_2, %dma_wait3A_23] : memref<16384x128xf32, #tpu.memory_space<hbm>> -> memref<512x128xf32, #tpu.memory_space<hbm>>
      %dma_wait3A_25 = arith.constant 0 : i32
      %dma_wait3A_26 = tpu.memref_slice %arg9[%mul3A_2, %dma_wait3A_25] : memref<16384x128xf32, #tpu.memory_space<hbm>> -> memref<512x128xf32, #tpu.memory_space<hbm>>
      tpu.wait_dma2 semaphore(%run_scoped3A : memref<!tpu.dma_semaphore, #tpu.memory_space<semaphore_mem>>) src(%arg13 : memref<512x128xf32, #tpu.memory_space<vmem>>) dst(%dma_wait3A_26 : memref<512x128xf32, #tpu.memory_space<hbm>>)
      tpu.yield
    }) : () -> ()
    return
  }
}

#map = affine_map<(d0, d1) -> (0)>
#map1 = affine_map<(d0, d1) -> (0, 0)>
module attributes {stable_mosaic.version = 14 : i64} {
  func.func @_mf_body_b(%arg0: i32, %arg1: i32, %arg2: memref<16384xi32, #tpu.memory_space<hbm>>, %arg3: memref<16384xi32, #tpu.memory_space<hbm>>, %arg4: memref<16384xi32, #tpu.memory_space<hbm>>, %arg5: memref<512000x128xf32, #tpu.memory_space<hbm>>, %arg6: memref<16384x128xf32, #tpu.memory_space<hbm>>, %arg7: memref<16384xf32, #tpu.memory_space<hbm>>, %arg8: memref<16384xf32, #tpu.memory_space<hbm>>, %arg9: memref<512xi32, #tpu.memory_space<vmem>>, %arg10: memref<512xi32, #tpu.memory_space<vmem>>, %arg11: memref<512xi32, #tpu.memory_space<vmem>>, %arg12: memref<512x128xf32, #tpu.memory_space<vmem>>, %arg13: memref<256x128xf32, #tpu.memory_space<vmem>>, %arg14: memref<512xf32, #tpu.memory_space<vmem>>, %arg15: memref<512xf32, #tpu.memory_space<vmem>>, %arg16: memref<256xf32, #tpu.memory_space<vmem>>, %arg17: memref<!tpu.dma_semaphore, #tpu.memory_space<semaphore_mem>>) attributes {dimension_semantics = [#tpu.dimension_semantics<core_parallel>, #tpu.dimension_semantics<subcore_parallel>], iteration_bounds = array<i64: 2, 16>, scalar_prefetch = 0 : i64, scratch_operands = 9 : i64, tpu.core_type = #tpu.core_type<sc_vector_subcore>, window_params = [{transform_indices = #map}, {transform_indices = #map}, {transform_indices = #map}, {transform_indices = #map1}, {transform_indices = #map1}, {transform_indices = #map}, {transform_indices = #map}]} {
    %mul3A = arith.constant 2 : i32
    %mul3A_0 = arith.muli %arg1, %mul3A : i32
    %add3A = arith.addi %mul3A_0, %arg0 : i32
    %mul3A_1 = arith.constant 512 : i32
    %mul3A_2 = arith.muli %add3A, %mul3A_1 : i32
    "tpu.region"() ({
      %run_scoped3A = tpu.sem_alloc : memref<!tpu.dma_semaphore, #tpu.memory_space<semaphore_mem>>
      %dma_start3A_30 = tpu.memref_slice %arg2[%mul3A_2] : memref<16384xi32, #tpu.memory_space<hbm>> -> memref<512xi32, #tpu.memory_space<hbm>>
      %dma_start3A_31 = tpu.memref_slice %arg2[%mul3A_2] : memref<16384xi32, #tpu.memory_space<hbm>> -> memref<512xi32, #tpu.memory_space<hbm>>
      tpu.enqueue_dma source(%dma_start3A_31 : memref<512xi32, #tpu.memory_space<hbm>>) target(%arg9 : memref<512xi32, #tpu.memory_space<vmem>>) target_semaphore(%run_scoped3A : memref<!tpu.dma_semaphore, #tpu.memory_space<semaphore_mem>>)
      %dma_wait3A_32 = tpu.memref_slice %arg2[%mul3A_2] : memref<16384xi32, #tpu.memory_space<hbm>> -> memref<512xi32, #tpu.memory_space<hbm>>
      %dma_wait3A_33 = tpu.memref_slice %arg2[%mul3A_2] : memref<16384xi32, #tpu.memory_space<hbm>> -> memref<512xi32, #tpu.memory_space<hbm>>
      tpu.wait_dma2 semaphore(%run_scoped3A : memref<!tpu.dma_semaphore, #tpu.memory_space<semaphore_mem>>) src(%dma_wait3A_33 : memref<512xi32, #tpu.memory_space<hbm>>) dst(%arg9 : memref<512xi32, #tpu.memory_space<vmem>>)
      tpu.yield
    }) : () -> ()
    "tpu.region"() ({
      %run_scoped3A = tpu.sem_alloc : memref<!tpu.dma_semaphore, #tpu.memory_space<semaphore_mem>>
      %dma_start3A_30 = tpu.memref_slice %arg3[%mul3A_2] : memref<16384xi32, #tpu.memory_space<hbm>> -> memref<512xi32, #tpu.memory_space<hbm>>
      %dma_start3A_31 = tpu.memref_slice %arg3[%mul3A_2] : memref<16384xi32, #tpu.memory_space<hbm>> -> memref<512xi32, #tpu.memory_space<hbm>>
      tpu.enqueue_dma source(%dma_start3A_31 : memref<512xi32, #tpu.memory_space<hbm>>) target(%arg10 : memref<512xi32, #tpu.memory_space<vmem>>) target_semaphore(%run_scoped3A : memref<!tpu.dma_semaphore, #tpu.memory_space<semaphore_mem>>)
      %dma_wait3A_32 = tpu.memref_slice %arg3[%mul3A_2] : memref<16384xi32, #tpu.memory_space<hbm>> -> memref<512xi32, #tpu.memory_space<hbm>>
      %dma_wait3A_33 = tpu.memref_slice %arg3[%mul3A_2] : memref<16384xi32, #tpu.memory_space<hbm>> -> memref<512xi32, #tpu.memory_space<hbm>>
      tpu.wait_dma2 semaphore(%run_scoped3A : memref<!tpu.dma_semaphore, #tpu.memory_space<semaphore_mem>>) src(%dma_wait3A_33 : memref<512xi32, #tpu.memory_space<hbm>>) dst(%arg10 : memref<512xi32, #tpu.memory_space<vmem>>)
      tpu.yield
    }) : () -> ()
    "tpu.region"() ({
      %run_scoped3A = tpu.sem_alloc : memref<!tpu.dma_semaphore, #tpu.memory_space<semaphore_mem>>
      %dma_start3A_30 = tpu.memref_slice %arg4[%mul3A_2] : memref<16384xi32, #tpu.memory_space<hbm>> -> memref<512xi32, #tpu.memory_space<hbm>>
      %dma_start3A_31 = tpu.memref_slice %arg4[%mul3A_2] : memref<16384xi32, #tpu.memory_space<hbm>> -> memref<512xi32, #tpu.memory_space<hbm>>
      tpu.enqueue_dma source(%dma_start3A_31 : memref<512xi32, #tpu.memory_space<hbm>>) target(%arg11 : memref<512xi32, #tpu.memory_space<vmem>>) target_semaphore(%run_scoped3A : memref<!tpu.dma_semaphore, #tpu.memory_space<semaphore_mem>>)
      %dma_wait3A_32 = tpu.memref_slice %arg4[%mul3A_2] : memref<16384xi32, #tpu.memory_space<hbm>> -> memref<512xi32, #tpu.memory_space<hbm>>
      %dma_wait3A_33 = tpu.memref_slice %arg4[%mul3A_2] : memref<16384xi32, #tpu.memory_space<hbm>> -> memref<512xi32, #tpu.memory_space<hbm>>
      tpu.wait_dma2 semaphore(%run_scoped3A : memref<!tpu.dma_semaphore, #tpu.memory_space<semaphore_mem>>) src(%dma_wait3A_33 : memref<512xi32, #tpu.memory_space<hbm>>) dst(%arg11 : memref<512xi32, #tpu.memory_space<vmem>>)
      tpu.yield
    }) : () -> ()
    "tpu.region"() ({
      %run_scoped3A = tpu.sem_alloc : memref<!tpu.dma_semaphore, #tpu.memory_space<semaphore_mem>>
      %dma_start3A_30 = tpu.memref_slice %arg7[%mul3A_2] : memref<16384xf32, #tpu.memory_space<hbm>> -> memref<512xf32, #tpu.memory_space<hbm>>
      %dma_start3A_31 = tpu.memref_slice %arg7[%mul3A_2] : memref<16384xf32, #tpu.memory_space<hbm>> -> memref<512xf32, #tpu.memory_space<hbm>>
      tpu.enqueue_dma source(%dma_start3A_31 : memref<512xf32, #tpu.memory_space<hbm>>) target(%arg14 : memref<512xf32, #tpu.memory_space<vmem>>) target_semaphore(%run_scoped3A : memref<!tpu.dma_semaphore, #tpu.memory_space<semaphore_mem>>)
      %dma_wait3A_32 = tpu.memref_slice %arg7[%mul3A_2] : memref<16384xf32, #tpu.memory_space<hbm>> -> memref<512xf32, #tpu.memory_space<hbm>>
      %dma_wait3A_33 = tpu.memref_slice %arg7[%mul3A_2] : memref<16384xf32, #tpu.memory_space<hbm>> -> memref<512xf32, #tpu.memory_space<hbm>>
      tpu.wait_dma2 semaphore(%run_scoped3A : memref<!tpu.dma_semaphore, #tpu.memory_space<semaphore_mem>>) src(%dma_wait3A_33 : memref<512xf32, #tpu.memory_space<hbm>>) dst(%arg14 : memref<512xf32, #tpu.memory_space<vmem>>)
      tpu.yield
    }) : () -> ()
    "tpu.region"() ({
      %run_scoped3A = tpu.sem_alloc : memref<!tpu.dma_semaphore, #tpu.memory_space<semaphore_mem>>
      %dma_start3A_30 = arith.constant 0 : i32
      %dma_start3A_31 = tpu.memref_slice %arg6[%mul3A_2, %dma_start3A_30] : memref<16384x128xf32, #tpu.memory_space<hbm>> -> memref<512x128xf32, #tpu.memory_space<hbm>>
      %dma_start3A_32 = arith.constant 0 : i32
      %dma_start3A_33 = tpu.memref_slice %arg6[%mul3A_2, %dma_start3A_32] : memref<16384x128xf32, #tpu.memory_space<hbm>> -> memref<512x128xf32, #tpu.memory_space<hbm>>
      tpu.enqueue_dma source(%dma_start3A_33 : memref<512x128xf32, #tpu.memory_space<hbm>>) target(%arg12 : memref<512x128xf32, #tpu.memory_space<vmem>>) target_semaphore(%run_scoped3A : memref<!tpu.dma_semaphore, #tpu.memory_space<semaphore_mem>>)
      %dma_wait3A_34 = arith.constant 0 : i32
      %dma_wait3A_35 = tpu.memref_slice %arg6[%mul3A_2, %dma_wait3A_34] : memref<16384x128xf32, #tpu.memory_space<hbm>> -> memref<512x128xf32, #tpu.memory_space<hbm>>
      %dma_wait3A_36 = arith.constant 0 : i32
      %dma_wait3A_37 = tpu.memref_slice %arg6[%mul3A_2, %dma_wait3A_36] : memref<16384x128xf32, #tpu.memory_space<hbm>> -> memref<512x128xf32, #tpu.memory_space<hbm>>
      tpu.wait_dma2 semaphore(%run_scoped3A : memref<!tpu.dma_semaphore, #tpu.memory_space<semaphore_mem>>) src(%dma_wait3A_37 : memref<512x128xf32, #tpu.memory_space<hbm>>) dst(%arg12 : memref<512x128xf32, #tpu.memory_space<vmem>>)
      tpu.yield
    }) : () -> ()
    %iota3A = tpu.iota {dimensions = array<i32: 0>} : vector<16xi32>
    %dma_start3A = arith.constant 0 : i32
    %dma_start3A_3 = tpu.memref_slice %arg9[%dma_start3A] : memref<512xi32, #tpu.memory_space<vmem>> -> memref<256xi32, #tpu.memory_space<vmem>>
    %dma_start3A_4 = arith.constant 0 : i32
    %dma_start3A_5 = arith.constant 0 : i32
    %dma_start3A_6 = tpu.memref_slice %arg5[%dma_start3A_4, %dma_start3A_5] : memref<512000x128xf32, #tpu.memory_space<hbm>> -> memref<512000x128xf32, #tpu.memory_space<hbm>>
    tpu.enqueue_indirect_dma source(%dma_start3A_6 : memref<512000x128xf32, #tpu.memory_space<hbm>>) target(%arg13 : memref<256x128xf32, #tpu.memory_space<vmem>>) offsets(%dma_start3A_3 : memref<256xi32, #tpu.memory_space<vmem>>) semaphore(%arg17 : memref<!tpu.dma_semaphore, #tpu.memory_space<semaphore_mem>>)
    %dma_wait3A = arith.constant 0 : i32
    %dma_wait3A_7 = tpu.memref_slice %arg9[%dma_wait3A] : memref<512xi32, #tpu.memory_space<vmem>> -> memref<256xi32, #tpu.memory_space<vmem>>
    %dma_wait3A_8 = arith.constant 0 : i32
    %dma_wait3A_9 = arith.constant 0 : i32
    %dma_wait3A_10 = tpu.memref_slice %arg5[%dma_wait3A_8, %dma_wait3A_9] : memref<512000x128xf32, #tpu.memory_space<hbm>> -> memref<512000x128xf32, #tpu.memory_space<hbm>>
    tpu.wait_indirect_dma semaphore(%arg17 : memref<!tpu.dma_semaphore, #tpu.memory_space<semaphore_mem>>) src(%dma_wait3A_10 : memref<512000x128xf32, #tpu.memory_space<hbm>>) dst(%arg13 : memref<256x128xf32, #tpu.memory_space<vmem>>)
    %scan3A = arith.constant 0 : i32
    %scan3A_11 = arith.constant 16 : i32
    %scan3A_12 = arith.addi %scan3A, %scan3A_11 : i32
    %scan3A_13 = arith.constant 1 : i32
    scf.for %scan3A_30 = %scan3A to %scan3A_12 step %scan3A_13  : i32 {
      %mul3A_31 = arith.constant 16 : i32
      %mul3A_32 = arith.muli %scan3A_30, %mul3A_31 : i32
      %add3A_33 = arith.constant 0 : i32
      %add3A_34 = arith.addi %add3A_33, %mul3A_32 : i32
      %get3A = arith.index_cast %add3A_34 : i32 to index
      %get3A_35 = tpu.vector_load %arg10[%get3A] {strides = array<i32>} : memref<512xi32, #tpu.memory_space<vmem>>, vector<16xi32>,
      %get3A_36 = arith.index_cast %add3A_34 : i32 to index
      %get3A_37 = tpu.vector_load %arg11[%get3A_36] {strides = array<i32>} : memref<512xi32, #tpu.memory_space<vmem>>, vector<16xi32>,
      %mul3A_38 = arith.constant 16 : i32
      %mul3A_39 = arith.muli %scan3A_30, %mul3A_38 : i32
      %add3A_40 = arith.constant 0 : i32
      %add3A_41 = arith.addi %mul3A_39, %add3A_40 : i32
      %slice3A = vector.extract_strided_slice %get3A_35 {offsets = [0], sizes = [1], strides = [1]} : vector<16xi32> to vector<1xi32>
      %squeeze3A = vector.extract %slice3A[0] : i32 from vector<1xi32>
      %slice3A_42 = vector.extract_strided_slice %get3A_37 {offsets = [0], sizes = [1], strides = [1]} : vector<16xi32> to vector<1xi32>
      %squeeze3A_43 = vector.extract %slice3A_42[0] : i32 from vector<1xi32>
      %add3A_44 = arith.constant 0 : i32
      %add3A_45 = arith.addi %add3A_44, %add3A_41 : i32
      %get3A_46 = arith.index_cast %add3A_45 : i32 to index
      %get3A_47 = arith.index_cast %squeeze3A : i32 to index
      %get3A_48 = tpu.vector_load %arg12[%get3A_46, %get3A_47] {strides = array<i32>} : memref<512x128xf32, #tpu.memory_space<vmem>>, vector<16xf32>,
      %get3A_49 = arith.index_cast %add3A_41 : i32 to index
      %get3A_50 = arith.index_cast %squeeze3A_43 : i32 to index
      %get3A_51 = tpu.vector_load %arg13[%get3A_49, %get3A_50] {strides = array<i32>} : memref<256x128xf32, #tpu.memory_space<vmem>>, vector<16xf32>,
      %mul3A_52 = arith.mulf %get3A_48, %get3A_51 : vector<16xf32>
      %add3A_53 = arith.constant 0 : i32
      %add3A_54 = arith.addi %add3A_53, %add3A_41 : i32
      %add3A_55 = arith.constant 16 : i32
      %add3A_56 = arith.addi %squeeze3A, %add3A_55 : i32
      %get3A_57 = arith.index_cast %add3A_54 : i32 to index
      %get3A_58 = arith.index_cast %add3A_56 : i32 to index
      %get3A_59 = tpu.vector_load %arg12[%get3A_57, %get3A_58] {strides = array<i32>} : memref<512x128xf32, #tpu.memory_space<vmem>>, vector<16xf32>,
      %add3A_60 = arith.constant 16 : i32
      %add3A_61 = arith.addi %squeeze3A_43, %add3A_60 : i32
      %get3A_62 = arith.index_cast %add3A_41 : i32 to index
      %get3A_63 = arith.index_cast %add3A_61 : i32 to index
      %get3A_64 = tpu.vector_load %arg13[%get3A_62, %get3A_63] {strides = array<i32>} : memref<256x128xf32, #tpu.memory_space<vmem>>, vector<16xf32>,
      %mul3A_65 = arith.mulf %get3A_59, %get3A_64 : vector<16xf32>
      %add3A_66 = arith.addf %mul3A_52, %mul3A_65 : vector<16xf32>
      %add3A_67 = arith.constant 0 : i32
      %add3A_68 = arith.addi %add3A_67, %add3A_41 : i32
      %add3A_69 = arith.constant 32 : i32
      %add3A_70 = arith.addi %squeeze3A, %add3A_69 : i32
      %get3A_71 = arith.index_cast %add3A_68 : i32 to index
      %get3A_72 = arith.index_cast %add3A_70 : i32 to index
      %get3A_73 = tpu.vector_load %arg12[%get3A_71, %get3A_72] {strides = array<i32>} : memref<512x128xf32, #tpu.memory_space<vmem>>, vector<16xf32>,
      %add3A_74 = arith.constant 32 : i32
      %add3A_75 = arith.addi %squeeze3A_43, %add3A_74 : i32
      %get3A_76 = arith.index_cast %add3A_41 : i32 to index
      %get3A_77 = arith.index_cast %add3A_75 : i32 to index
      %get3A_78 = tpu.vector_load %arg13[%get3A_76, %get3A_77] {strides = array<i32>} : memref<256x128xf32, #tpu.memory_space<vmem>>, vector<16xf32>,
      %mul3A_79 = arith.mulf %get3A_73, %get3A_78 : vector<16xf32>
      %add3A_80 = arith.addf %add3A_66, %mul3A_79 : vector<16xf32>
      %add3A_81 = arith.constant 0 : i32
      %add3A_82 = arith.addi %add3A_81, %add3A_41 : i32
      %add3A_83 = arith.constant 48 : i32
      %add3A_84 = arith.addi %squeeze3A, %add3A_83 : i32
      %get3A_85 = arith.index_cast %add3A_82 : i32 to index
      %get3A_86 = arith.index_cast %add3A_84 : i32 to index
      %get3A_87 = tpu.vector_load %arg12[%get3A_85, %get3A_86] {strides = array<i32>} : memref<512x128xf32, #tpu.memory_space<vmem>>, vector<16xf32>,
      %add3A_88 = arith.constant 48 : i32
      %add3A_89 = arith.addi %squeeze3A_43, %add3A_88 : i32
      %get3A_90 = arith.index_cast %add3A_41 : i32 to index
      %get3A_91 = arith.index_cast %add3A_89 : i32 to index
      %get3A_92 = tpu.vector_load %arg13[%get3A_90, %get3A_91] {strides = array<i32>} : memref<256x128xf32, #tpu.memory_space<vmem>>, vector<16xf32>,
      %mul3A_93 = arith.mulf %get3A_87, %get3A_92 : vector<16xf32>
      %add3A_94 = arith.addf %add3A_80, %mul3A_93 : vector<16xf32>
      %swap3A = arith.constant 0 : index
      %swap3A_95 = tpu.vector_load %arg16[%swap3A] {strides = array<i32>} : memref<256xf32, #tpu.memory_space<vmem>>, vector<16xf32>,
      tpu.vector_store %arg16[%swap3A], %add3A_94 {strides = array<i32>} : memref<256xf32, #tpu.memory_space<vmem>>, vector<16xf32>,
      %mul3A_96 = arith.constant 16 : i32
      %mul3A_97 = arith.muli %scan3A_30, %mul3A_96 : i32
      %add3A_98 = arith.constant 1 : i32
      %add3A_99 = arith.addi %mul3A_97, %add3A_98 : i32
      %slice3A_100 = vector.extract_strided_slice %get3A_35 {offsets = [1], sizes = [1], strides = [1]} : vector<16xi32> to vector<1xi32>
      %squeeze3A_101 = vector.extract %slice3A_100[0] : i32 from vector<1xi32>
      %slice3A_102 = vector.extract_strided_slice %get3A_37 {offsets = [1], sizes = [1], strides = [1]} : vector<16xi32> to vector<1xi32>
      %squeeze3A_103 = vector.extract %slice3A_102[0] : i32 from vector<1xi32>
      %add3A_104 = arith.constant 0 : i32
      %add3A_105 = arith.addi %add3A_104, %add3A_99 : i32
      %get3A_106 = arith.index_cast %add3A_105 : i32 to index
      %get3A_107 = arith.index_cast %squeeze3A_101 : i32 to index
      %get3A_108 = tpu.vector_load %arg12[%get3A_106, %get3A_107] {strides = array<i32>} : memref<512x128xf32, #tpu.memory_space<vmem>>, vector<16xf32>,
      %get3A_109 = arith.index_cast %add3A_99 : i32 to index
      %get3A_110 = arith.index_cast %squeeze3A_103 : i32 to index
      %get3A_111 = tpu.vector_load %arg13[%get3A_109, %get3A_110] {strides = array<i32>} : memref<256x128xf32, #tpu.memory_space<vmem>>, vector<16xf32>,
      %mul3A_112 = arith.mulf %get3A_108, %get3A_111 : vector<16xf32>
      %add3A_113 = arith.constant 0 : i32
      %add3A_114 = arith.addi %add3A_113, %add3A_99 : i32
      %add3A_115 = arith.constant 16 : i32
      %add3A_116 = arith.addi %squeeze3A_101, %add3A_115 : i32
      %get3A_117 = arith.index_cast %add3A_114 : i32 to index
      %get3A_118 = arith.index_cast %add3A_116 : i32 to index
      %get3A_119 = tpu.vector_load %arg12[%get3A_117, %get3A_118] {strides = array<i32>} : memref<512x128xf32, #tpu.memory_space<vmem>>, vector<16xf32>,
      %add3A_120 = arith.constant 16 : i32
      %add3A_121 = arith.addi %squeeze3A_103, %add3A_120 : i32
      %get3A_122 = arith.index_cast %add3A_99 : i32 to index
      %get3A_123 = arith.index_cast %add3A_121 : i32 to index
      %get3A_124 = tpu.vector_load %arg13[%get3A_122, %get3A_123] {strides = array<i32>} : memref<256x128xf32, #tpu.memory_space<vmem>>, vector<16xf32>,
      %mul3A_125 = arith.mulf %get3A_119, %get3A_124 : vector<16xf32>
      %add3A_126 = arith.addf %mul3A_112, %mul3A_125 : vector<16xf32>
      %add3A_127 = arith.constant 0 : i32
      %add3A_128 = arith.addi %add3A_127, %add3A_99 : i32
      %add3A_129 = arith.constant 32 : i32
      %add3A_130 = arith.addi %squeeze3A_101, %add3A_129 : i32
      %get3A_131 = arith.index_cast %add3A_128 : i32 to index
      %get3A_132 = arith.index_cast %add3A_130 : i32 to index
      %get3A_133 = tpu.vector_load %arg12[%get3A_131, %get3A_132] {strides = array<i32>} : memref<512x128xf32, #tpu.memory_space<vmem>>, vector<16xf32>,
      %add3A_134 = arith.constant 32 : i32
      %add3A_135 = arith.addi %squeeze3A_103, %add3A_134 : i32
      %get3A_136 = arith.index_cast %add3A_99 : i32 to index
      %get3A_137 = arith.index_cast %add3A_135 : i32 to index
      %get3A_138 = tpu.vector_load %arg13[%get3A_136, %get3A_137] {strides = array<i32>} : memref<256x128xf32, #tpu.memory_space<vmem>>, vector<16xf32>,
      %mul3A_139 = arith.mulf %get3A_133, %get3A_138 : vector<16xf32>
      %add3A_140 = arith.addf %add3A_126, %mul3A_139 : vector<16xf32>
      %add3A_141 = arith.constant 0 : i32
      %add3A_142 = arith.addi %add3A_141, %add3A_99 : i32
      %add3A_143 = arith.constant 48 : i32
      %add3A_144 = arith.addi %squeeze3A_101, %add3A_143 : i32
      %get3A_145 = arith.index_cast %add3A_142 : i32 to index
      %get3A_146 = arith.index_cast %add3A_144 : i32 to index
      %get3A_147 = tpu.vector_load %arg12[%get3A_145, %get3A_146] {strides = array<i32>} : memref<512x128xf32, #tpu.memory_space<vmem>>, vector<16xf32>,
      %add3A_148 = arith.constant 48 : i32
      %add3A_149 = arith.addi %squeeze3A_103, %add3A_148 : i32
      %get3A_150 = arith.index_cast %add3A_99 : i32 to index
      %get3A_151 = arith.index_cast %add3A_149 : i32 to index
      %get3A_152 = tpu.vector_load %arg13[%get3A_150, %get3A_151] {strides = array<i32>} : memref<256x128xf32, #tpu.memory_space<vmem>>, vector<16xf32>,
      %mul3A_153 = arith.mulf %get3A_147, %get3A_152 : vector<16xf32>
      %add3A_154 = arith.addf %add3A_140, %mul3A_153 : vector<16xf32>
      %swap3A_155 = arith.constant 16 : index
      %swap3A_156 = tpu.vector_load %arg16[%swap3A_155] {strides = array<i32>} : memref<256xf32, #tpu.memory_space<vmem>>, vector<16xf32>,
      tpu.vector_store %arg16[%swap3A_155], %add3A_154 {strides = array<i32>} : memref<256xf32, #tpu.memory_space<vmem>>, vector<16xf32>,
      %mul3A_157 = arith.constant 16 : i32
      %mul3A_158 = arith.muli %scan3A_30, %mul3A_157 : i32
      %add3A_159 = arith.constant 2 : i32
      %add3A_160 = arith.addi %mul3A_158, %add3A_159 : i32
      %slice3A_161 = vector.extract_strided_slice %get3A_35 {offsets = [2], sizes = [1], strides = [1]} : vector<16xi32> to vector<1xi32>
      %squeeze3A_162 = vector.extract %slice3A_161[0] : i32 from vector<1xi32>
      %slice3A_163 = vector.extract_strided_slice %get3A_37 {offsets = [2], sizes = [1], strides = [1]} : vector<16xi32> to vector<1xi32>
      %squeeze3A_164 = vector.extract %slice3A_163[0] : i32 from vector<1xi32>
      %add3A_165 = arith.constant 0 : i32
      %add3A_166 = arith.addi %add3A_165, %add3A_160 : i32
      %get3A_167 = arith.index_cast %add3A_166 : i32 to index
      %get3A_168 = arith.index_cast %squeeze3A_162 : i32 to index
      %get3A_169 = tpu.vector_load %arg12[%get3A_167, %get3A_168] {strides = array<i32>} : memref<512x128xf32, #tpu.memory_space<vmem>>, vector<16xf32>,
      %get3A_170 = arith.index_cast %add3A_160 : i32 to index
      %get3A_171 = arith.index_cast %squeeze3A_164 : i32 to index
      %get3A_172 = tpu.vector_load %arg13[%get3A_170, %get3A_171] {strides = array<i32>} : memref<256x128xf32, #tpu.memory_space<vmem>>, vector<16xf32>,
      %mul3A_173 = arith.mulf %get3A_169, %get3A_172 : vector<16xf32>
      %add3A_174 = arith.constant 0 : i32
      %add3A_175 = arith.addi %add3A_174, %add3A_160 : i32
      %add3A_176 = arith.constant 16 : i32
      %add3A_177 = arith.addi %squeeze3A_162, %add3A_176 : i32
      %get3A_178 = arith.index_cast %add3A_175 : i32 to index
      %get3A_179 = arith.index_cast %add3A_177 : i32 to index
      %get3A_180 = tpu.vector_load %arg12[%get3A_178, %get3A_179] {strides = array<i32>} : memref<512x128xf32, #tpu.memory_space<vmem>>, vector<16xf32>,
      %add3A_181 = arith.constant 16 : i32
      %add3A_182 = arith.addi %squeeze3A_164, %add3A_181 : i32
      %get3A_183 = arith.index_cast %add3A_160 : i32 to index
      %get3A_184 = arith.index_cast %add3A_182 : i32 to index
      %get3A_185 = tpu.vector_load %arg13[%get3A_183, %get3A_184] {strides = array<i32>} : memref<256x128xf32, #tpu.memory_space<vmem>>, vector<16xf32>,
      %mul3A_186 = arith.mulf %get3A_180, %get3A_185 : vector<16xf32>
      %add3A_187 = arith.addf %mul3A_173, %mul3A_186 : vector<16xf32>
      %add3A_188 = arith.constant 0 : i32
      %add3A_189 = arith.addi %add3A_188, %add3A_160 : i32
      %add3A_190 = arith.constant 32 : i32
      %add3A_191 = arith.addi %squeeze3A_162, %add3A_190 : i32
      %get3A_192 = arith.index_cast %add3A_189 : i32 to index
      %get3A_193 = arith.index_cast %add3A_191 : i32 to index
      %get3A_194 = tpu.vector_load %arg12[%get3A_192, %get3A_193] {strides = array<i32>} : memref<512x128xf32, #tpu.memory_space<vmem>>, vector<16xf32>,
      %add3A_195 = arith.constant 32 : i32
      %add3A_196 = arith.addi %squeeze3A_164, %add3A_195 : i32
      %get3A_197 = arith.index_cast %add3A_160 : i32 to index
      %get3A_198 = arith.index_cast %add3A_196 : i32 to index
      %get3A_199 = tpu.vector_load %arg13[%get3A_197, %get3A_198] {strides = array<i32>} : memref<256x128xf32, #tpu.memory_space<vmem>>, vector<16xf32>,
      %mul3A_200 = arith.mulf %get3A_194, %get3A_199 : vector<16xf32>
      %add3A_201 = arith.addf %add3A_187, %mul3A_200 : vector<16xf32>
      %add3A_202 = arith.constant 0 : i32
      %add3A_203 = arith.addi %add3A_202, %add3A_160 : i32
      %add3A_204 = arith.constant 48 : i32
      %add3A_205 = arith.addi %squeeze3A_162, %add3A_204 : i32
      %get3A_206 = arith.index_cast %add3A_203 : i32 to index
      %get3A_207 = arith.index_cast %add3A_205 : i32 to index
      %get3A_208 = tpu.vector_load %arg12[%get3A_206, %get3A_207] {strides = array<i32>} : memref<512x128xf32, #tpu.memory_space<vmem>>, vector<16xf32>,
      %add3A_209 = arith.constant 48 : i32
      %add3A_210 = arith.addi %squeeze3A_164, %add3A_209 : i32
      %get3A_211 = arith.index_cast %add3A_160 : i32 to index
      %get3A_212 = arith.index_cast %add3A_210 : i32 to index
      %get3A_213 = tpu.vector_load %arg13[%get3A_211, %get3A_212] {strides = array<i32>} : memref<256x128xf32, #tpu.memory_space<vmem>>, vector<16xf32>,
      %mul3A_214 = arith.mulf %get3A_208, %get3A_213 : vector<16xf32>
      %add3A_215 = arith.addf %add3A_201, %mul3A_214 : vector<16xf32>
      %swap3A_216 = arith.constant 32 : index
      %swap3A_217 = tpu.vector_load %arg16[%swap3A_216] {strides = array<i32>} : memref<256xf32, #tpu.memory_space<vmem>>, vector<16xf32>,
      tpu.vector_store %arg16[%swap3A_216], %add3A_215 {strides = array<i32>} : memref<256xf32, #tpu.memory_space<vmem>>, vector<16xf32>,
      %mul3A_218 = arith.constant 16 : i32
      %mul3A_219 = arith.muli %scan3A_30, %mul3A_218 : i32
      %add3A_220 = arith.constant 3 : i32
      %add3A_221 = arith.addi %mul3A_219, %add3A_220 : i32
      %slice3A_222 = vector.extract_strided_slice %get3A_35 {offsets = [3], sizes = [1], strides = [1]} : vector<16xi32> to vector<1xi32>
      %squeeze3A_223 = vector.extract %slice3A_222[0] : i32 from vector<1xi32>
      %slice3A_224 = vector.extract_strided_slice %get3A_37 {offsets = [3], sizes = [1], strides = [1]} : vector<16xi32> to vector<1xi32>
      %squeeze3A_225 = vector.extract %slice3A_224[0] : i32 from vector<1xi32>
      %add3A_226 = arith.constant 0 : i32
      %add3A_227 = arith.addi %add3A_226, %add3A_221 : i32
      %get3A_228 = arith.index_cast %add3A_227 : i32 to index
      %get3A_229 = arith.index_cast %squeeze3A_223 : i32 to index
      %get3A_230 = tpu.vector_load %arg12[%get3A_228, %get3A_229] {strides = array<i32>} : memref<512x128xf32, #tpu.memory_space<vmem>>, vector<16xf32>,
      %get3A_231 = arith.index_cast %add3A_221 : i32 to index
      %get3A_232 = arith.index_cast %squeeze3A_225 : i32 to index
      %get3A_233 = tpu.vector_load %arg13[%get3A_231, %get3A_232] {strides = array<i32>} : memref<256x128xf32, #tpu.memory_space<vmem>>, vector<16xf32>,
      %mul3A_234 = arith.mulf %get3A_230, %get3A_233 : vector<16xf32>
      %add3A_235 = arith.constant 0 : i32
      %add3A_236 = arith.addi %add3A_235, %add3A_221 : i32
      %add3A_237 = arith.constant 16 : i32
      %add3A_238 = arith.addi %squeeze3A_223, %add3A_237 : i32
      %get3A_239 = arith.index_cast %add3A_236 : i32 to index
      %get3A_240 = arith.index_cast %add3A_238 : i32 to index
      %get3A_241 = tpu.vector_load %arg12[%get3A_239, %get3A_240] {strides = array<i32>} : memref<512x128xf32, #tpu.memory_space<vmem>>, vector<16xf32>,
      %add3A_242 = arith.constant 16 : i32
      %add3A_243 = arith.addi %squeeze3A_225, %add3A_242 : i32
      %get3A_244 = arith.index_cast %add3A_221 : i32 to index
      %get3A_245 = arith.index_cast %add3A_243 : i32 to index
      %get3A_246 = tpu.vector_load %arg13[%get3A_244, %get3A_245] {strides = array<i32>} : memref<256x128xf32, #tpu.memory_space<vmem>>, vector<16xf32>,
      %mul3A_247 = arith.mulf %get3A_241, %get3A_246 : vector<16xf32>
      %add3A_248 = arith.addf %mul3A_234, %mul3A_247 : vector<16xf32>
      %add3A_249 = arith.constant 0 : i32
      %add3A_250 = arith.addi %add3A_249, %add3A_221 : i32
      %add3A_251 = arith.constant 32 : i32
      %add3A_252 = arith.addi %squeeze3A_223, %add3A_251 : i32
      %get3A_253 = arith.index_cast %add3A_250 : i32 to index
      %get3A_254 = arith.index_cast %add3A_252 : i32 to index
      %get3A_255 = tpu.vector_load %arg12[%get3A_253, %get3A_254] {strides = array<i32>} : memref<512x128xf32, #tpu.memory_space<vmem>>, vector<16xf32>,
      %add3A_256 = arith.constant 32 : i32
      %add3A_257 = arith.addi %squeeze3A_225, %add3A_256 : i32
      %get3A_258 = arith.index_cast %add3A_221 : i32 to index
      %get3A_259 = arith.index_cast %add3A_257 : i32 to index
      %get3A_260 = tpu.vector_load %arg13[%get3A_258, %get3A_259] {strides = array<i32>} : memref<256x128xf32, #tpu.memory_space<vmem>>, vector<16xf32>,
      %mul3A_261 = arith.mulf %get3A_255, %get3A_260 : vector<16xf32>
      %add3A_262 = arith.addf %add3A_248, %mul3A_261 : vector<16xf32>
      %add3A_263 = arith.constant 0 : i32
      %add3A_264 = arith.addi %add3A_263, %add3A_221 : i32
      %add3A_265 = arith.constant 48 : i32
      %add3A_266 = arith.addi %squeeze3A_223, %add3A_265 : i32
      %get3A_267 = arith.index_cast %add3A_264 : i32 to index
      %get3A_268 = arith.index_cast %add3A_266 : i32 to index
      %get3A_269 = tpu.vector_load %arg12[%get3A_267, %get3A_268] {strides = array<i32>} : memref<512x128xf32, #tpu.memory_space<vmem>>, vector<16xf32>,
      %add3A_270 = arith.constant 48 : i32
      %add3A_271 = arith.addi %squeeze3A_225, %add3A_270 : i32
      %get3A_272 = arith.index_cast %add3A_221 : i32 to index
      %get3A_273 = arith.index_cast %add3A_271 : i32 to index
      %get3A_274 = tpu.vector_load %arg13[%get3A_272, %get3A_273] {strides = array<i32>} : memref<256x128xf32, #tpu.memory_space<vmem>>, vector<16xf32>,
      %mul3A_275 = arith.mulf %get3A_269, %get3A_274 : vector<16xf32>
      %add3A_276 = arith.addf %add3A_262, %mul3A_275 : vector<16xf32>
      %swap3A_277 = arith.constant 48 : index
      %swap3A_278 = tpu.vector_load %arg16[%swap3A_277] {strides = array<i32>} : memref<256xf32, #tpu.memory_space<vmem>>, vector<16xf32>,
      tpu.vector_store %arg16[%swap3A_277], %add3A_276 {strides = array<i32>} : memref<256xf32, #tpu.memory_space<vmem>>, vector<16xf32>,
      %mul3A_279 = arith.constant 16 : i32
      %mul3A_280 = arith.muli %scan3A_30, %mul3A_279 : i32
      %add3A_281 = arith.constant 4 : i32
      %add3A_282 = arith.addi %mul3A_280, %add3A_281 : i32
      %slice3A_283 = vector.extract_strided_slice %get3A_35 {offsets = [4], sizes = [1], strides = [1]} : vector<16xi32> to vector<1xi32>
      %squeeze3A_284 = vector.extract %slice3A_283[0] : i32 from vector<1xi32>
      %slice3A_285 = vector.extract_strided_slice %get3A_37 {offsets = [4], sizes = [1], strides = [1]} : vector<16xi32> to vector<1xi32>
      %squeeze3A_286 = vector.extract %slice3A_285[0] : i32 from vector<1xi32>
      %add3A_287 = arith.constant 0 : i32
      %add3A_288 = arith.addi %add3A_287, %add3A_282 : i32
      %get3A_289 = arith.index_cast %add3A_288 : i32 to index
      %get3A_290 = arith.index_cast %squeeze3A_284 : i32 to index
      %get3A_291 = tpu.vector_load %arg12[%get3A_289, %get3A_290] {strides = array<i32>} : memref<512x128xf32, #tpu.memory_space<vmem>>, vector<16xf32>,
      %get3A_292 = arith.index_cast %add3A_282 : i32 to index
      %get3A_293 = arith.index_cast %squeeze3A_286 : i32 to index
      %get3A_294 = tpu.vector_load %arg13[%get3A_292, %get3A_293] {strides = array<i32>} : memref<256x128xf32, #tpu.memory_space<vmem>>, vector<16xf32>,
      %mul3A_295 = arith.mulf %get3A_291, %get3A_294 : vector<16xf32>
      %add3A_296 = arith.constant 0 : i32
      %add3A_297 = arith.addi %add3A_296, %add3A_282 : i32
      %add3A_298 = arith.constant 16 : i32
      %add3A_299 = arith.addi %squeeze3A_284, %add3A_298 : i32
      %get3A_300 = arith.index_cast %add3A_297 : i32 to index
      %get3A_301 = arith.index_cast %add3A_299 : i32 to index
      %get3A_302 = tpu.vector_load %arg12[%get3A_300, %get3A_301] {strides = array<i32>} : memref<512x128xf32, #tpu.memory_space<vmem>>, vector<16xf32>,
      %add3A_303 = arith.constant 16 : i32
      %add3A_304 = arith.addi %squeeze3A_286, %add3A_303 : i32
      %get3A_305 = arith.index_cast %add3A_282 : i32 to index
      %get3A_306 = arith.index_cast %add3A_304 : i32 to index
      %get3A_307 = tpu.vector_load %arg13[%get3A_305, %get3A_306] {strides = array<i32>} : memref<256x128xf32, #tpu.memory_space<vmem>>, vector<16xf32>,
      %mul3A_308 = arith.mulf %get3A_302, %get3A_307 : vector<16xf32>
      %add3A_309 = arith.addf %mul3A_295, %mul3A_308 : vector<16xf32>
      %add3A_310 = arith.constant 0 : i32
      %add3A_311 = arith.addi %add3A_310, %add3A_282 : i32
      %add3A_312 = arith.constant 32 : i32
      %add3A_313 = arith.addi %squeeze3A_284, %add3A_312 : i32
      %get3A_314 = arith.index_cast %add3A_311 : i32 to index
      %get3A_315 = arith.index_cast %add3A_313 : i32 to index
      %get3A_316 = tpu.vector_load %arg12[%get3A_314, %get3A_315] {strides = array<i32>} : memref<512x128xf32, #tpu.memory_space<vmem>>, vector<16xf32>,
      %add3A_317 = arith.constant 32 : i32
      %add3A_318 = arith.addi %squeeze3A_286, %add3A_317 : i32
      %get3A_319 = arith.index_cast %add3A_282 : i32 to index
      %get3A_320 = arith.index_cast %add3A_318 : i32 to index
      %get3A_321 = tpu.vector_load %arg13[%get3A_319, %get3A_320] {strides = array<i32>} : memref<256x128xf32, #tpu.memory_space<vmem>>, vector<16xf32>,
      %mul3A_322 = arith.mulf %get3A_316, %get3A_321 : vector<16xf32>
      %add3A_323 = arith.addf %add3A_309, %mul3A_322 : vector<16xf32>
      %add3A_324 = arith.constant 0 : i32
      %add3A_325 = arith.addi %add3A_324, %add3A_282 : i32
      %add3A_326 = arith.constant 48 : i32
      %add3A_327 = arith.addi %squeeze3A_284, %add3A_326 : i32
      %get3A_328 = arith.index_cast %add3A_325 : i32 to index
      %get3A_329 = arith.index_cast %add3A_327 : i32 to index
      %get3A_330 = tpu.vector_load %arg12[%get3A_328, %get3A_329] {strides = array<i32>} : memref<512x128xf32, #tpu.memory_space<vmem>>, vector<16xf32>,
      %add3A_331 = arith.constant 48 : i32
      %add3A_332 = arith.addi %squeeze3A_286, %add3A_331 : i32
      %get3A_333 = arith.index_cast %add3A_282 : i32 to index
      %get3A_334 = arith.index_cast %add3A_332 : i32 to index
      %get3A_335 = tpu.vector_load %arg13[%get3A_333, %get3A_334] {strides = array<i32>} : memref<256x128xf32, #tpu.memory_space<vmem>>, vector<16xf32>,
      %mul3A_336 = arith.mulf %get3A_330, %get3A_335 : vector<16xf32>
      %add3A_337 = arith.addf %add3A_323, %mul3A_336 : vector<16xf32>
      %swap3A_338 = arith.constant 64 : index
      %swap3A_339 = tpu.vector_load %arg16[%swap3A_338] {strides = array<i32>} : memref<256xf32, #tpu.memory_space<vmem>>, vector<16xf32>,
      tpu.vector_store %arg16[%swap3A_338], %add3A_337 {strides = array<i32>} : memref<256xf32, #tpu.memory_space<vmem>>, vector<16xf32>,
      %mul3A_340 = arith.constant 16 : i32
      %mul3A_341 = arith.muli %scan3A_30, %mul3A_340 : i32
      %add3A_342 = arith.constant 5 : i32
      %add3A_343 = arith.addi %mul3A_341, %add3A_342 : i32
      %slice3A_344 = vector.extract_strided_slice %get3A_35 {offsets = [5], sizes = [1], strides = [1]} : vector<16xi32> to vector<1xi32>
      %squeeze3A_345 = vector.extract %slice3A_344[0] : i32 from vector<1xi32>
      %slice3A_346 = vector.extract_strided_slice %get3A_37 {offsets = [5], sizes = [1], strides = [1]} : vector<16xi32> to vector<1xi32>
      %squeeze3A_347 = vector.extract %slice3A_346[0] : i32 from vector<1xi32>
      %add3A_348 = arith.constant 0 : i32
      %add3A_349 = arith.addi %add3A_348, %add3A_343 : i32
      %get3A_350 = arith.index_cast %add3A_349 : i32 to index
      %get3A_351 = arith.index_cast %squeeze3A_345 : i32 to index
      %get3A_352 = tpu.vector_load %arg12[%get3A_350, %get3A_351] {strides = array<i32>} : memref<512x128xf32, #tpu.memory_space<vmem>>, vector<16xf32>,
      %get3A_353 = arith.index_cast %add3A_343 : i32 to index
      %get3A_354 = arith.index_cast %squeeze3A_347 : i32 to index
      %get3A_355 = tpu.vector_load %arg13[%get3A_353, %get3A_354] {strides = array<i32>} : memref<256x128xf32, #tpu.memory_space<vmem>>, vector<16xf32>,
      %mul3A_356 = arith.mulf %get3A_352, %get3A_355 : vector<16xf32>
      %add3A_357 = arith.constant 0 : i32
      %add3A_358 = arith.addi %add3A_357, %add3A_343 : i32
      %add3A_359 = arith.constant 16 : i32
      %add3A_360 = arith.addi %squeeze3A_345, %add3A_359 : i32
      %get3A_361 = arith.index_cast %add3A_358 : i32 to index
      %get3A_362 = arith.index_cast %add3A_360 : i32 to index
      %get3A_363 = tpu.vector_load %arg12[%get3A_361, %get3A_362] {strides = array<i32>} : memref<512x128xf32, #tpu.memory_space<vmem>>, vector<16xf32>,
      %add3A_364 = arith.constant 16 : i32
      %add3A_365 = arith.addi %squeeze3A_347, %add3A_364 : i32
      %get3A_366 = arith.index_cast %add3A_343 : i32 to index
      %get3A_367 = arith.index_cast %add3A_365 : i32 to index
      %get3A_368 = tpu.vector_load %arg13[%get3A_366, %get3A_367] {strides = array<i32>} : memref<256x128xf32, #tpu.memory_space<vmem>>, vector<16xf32>,
      %mul3A_369 = arith.mulf %get3A_363, %get3A_368 : vector<16xf32>
      %add3A_370 = arith.addf %mul3A_356, %mul3A_369 : vector<16xf32>
      %add3A_371 = arith.constant 0 : i32
      %add3A_372 = arith.addi %add3A_371, %add3A_343 : i32
      %add3A_373 = arith.constant 32 : i32
      %add3A_374 = arith.addi %squeeze3A_345, %add3A_373 : i32
      %get3A_375 = arith.index_cast %add3A_372 : i32 to index
      %get3A_376 = arith.index_cast %add3A_374 : i32 to index
      %get3A_377 = tpu.vector_load %arg12[%get3A_375, %get3A_376] {strides = array<i32>} : memref<512x128xf32, #tpu.memory_space<vmem>>, vector<16xf32>,
      %add3A_378 = arith.constant 32 : i32
      %add3A_379 = arith.addi %squeeze3A_347, %add3A_378 : i32
      %get3A_380 = arith.index_cast %add3A_343 : i32 to index
      %get3A_381 = arith.index_cast %add3A_379 : i32 to index
      %get3A_382 = tpu.vector_load %arg13[%get3A_380, %get3A_381] {strides = array<i32>} : memref<256x128xf32, #tpu.memory_space<vmem>>, vector<16xf32>,
      %mul3A_383 = arith.mulf %get3A_377, %get3A_382 : vector<16xf32>
      %add3A_384 = arith.addf %add3A_370, %mul3A_383 : vector<16xf32>
      %add3A_385 = arith.constant 0 : i32
      %add3A_386 = arith.addi %add3A_385, %add3A_343 : i32
      %add3A_387 = arith.constant 48 : i32
      %add3A_388 = arith.addi %squeeze3A_345, %add3A_387 : i32
      %get3A_389 = arith.index_cast %add3A_386 : i32 to index
      %get3A_390 = arith.index_cast %add3A_388 : i32 to index
      %get3A_391 = tpu.vector_load %arg12[%get3A_389, %get3A_390] {strides = array<i32>} : memref<512x128xf32, #tpu.memory_space<vmem>>, vector<16xf32>,
      %add3A_392 = arith.constant 48 : i32
      %add3A_393 = arith.addi %squeeze3A_347, %add3A_392 : i32
      %get3A_394 = arith.index_cast %add3A_343 : i32 to index
      %get3A_395 = arith.index_cast %add3A_393 : i32 to index
      %get3A_396 = tpu.vector_load %arg13[%get3A_394, %get3A_395] {strides = array<i32>} : memref<256x128xf32, #tpu.memory_space<vmem>>, vector<16xf32>,
      %mul3A_397 = arith.mulf %get3A_391, %get3A_396 : vector<16xf32>
      %add3A_398 = arith.addf %add3A_384, %mul3A_397 : vector<16xf32>
      %swap3A_399 = arith.constant 80 : index
      %swap3A_400 = tpu.vector_load %arg16[%swap3A_399] {strides = array<i32>} : memref<256xf32, #tpu.memory_space<vmem>>, vector<16xf32>,
      tpu.vector_store %arg16[%swap3A_399], %add3A_398 {strides = array<i32>} : memref<256xf32, #tpu.memory_space<vmem>>, vector<16xf32>,
      %mul3A_401 = arith.constant 16 : i32
      %mul3A_402 = arith.muli %scan3A_30, %mul3A_401 : i32
      %add3A_403 = arith.constant 6 : i32
      %add3A_404 = arith.addi %mul3A_402, %add3A_403 : i32
      %slice3A_405 = vector.extract_strided_slice %get3A_35 {offsets = [6], sizes = [1], strides = [1]} : vector<16xi32> to vector<1xi32>
      %squeeze3A_406 = vector.extract %slice3A_405[0] : i32 from vector<1xi32>
      %slice3A_407 = vector.extract_strided_slice %get3A_37 {offsets = [6], sizes = [1], strides = [1]} : vector<16xi32> to vector<1xi32>
      %squeeze3A_408 = vector.extract %slice3A_407[0] : i32 from vector<1xi32>
      %add3A_409 = arith.constant 0 : i32
      %add3A_410 = arith.addi %add3A_409, %add3A_404 : i32
      %get3A_411 = arith.index_cast %add3A_410 : i32 to index
      %get3A_412 = arith.index_cast %squeeze3A_406 : i32 to index
      %get3A_413 = tpu.vector_load %arg12[%get3A_411, %get3A_412] {strides = array<i32>} : memref<512x128xf32, #tpu.memory_space<vmem>>, vector<16xf32>,
      %get3A_414 = arith.index_cast %add3A_404 : i32 to index
      %get3A_415 = arith.index_cast %squeeze3A_408 : i32 to index
      %get3A_416 = tpu.vector_load %arg13[%get3A_414, %get3A_415] {strides = array<i32>} : memref<256x128xf32, #tpu.memory_space<vmem>>, vector<16xf32>,
      %mul3A_417 = arith.mulf %get3A_413, %get3A_416 : vector<16xf32>
      %add3A_418 = arith.constant 0 : i32
      %add3A_419 = arith.addi %add3A_418, %add3A_404 : i32
      %add3A_420 = arith.constant 16 : i32
      %add3A_421 = arith.addi %squeeze3A_406, %add3A_420 : i32
      %get3A_422 = arith.index_cast %add3A_419 : i32 to index
      %get3A_423 = arith.index_cast %add3A_421 : i32 to index
      %get3A_424 = tpu.vector_load %arg12[%get3A_422, %get3A_423] {strides = array<i32>} : memref<512x128xf32, #tpu.memory_space<vmem>>, vector<16xf32>,
      %add3A_425 = arith.constant 16 : i32
      %add3A_426 = arith.addi %squeeze3A_408, %add3A_425 : i32
      %get3A_427 = arith.index_cast %add3A_404 : i32 to index
      %get3A_428 = arith.index_cast %add3A_426 : i32 to index
      %get3A_429 = tpu.vector_load %arg13[%get3A_427, %get3A_428] {strides = array<i32>} : memref<256x128xf32, #tpu.memory_space<vmem>>, vector<16xf32>,
      %mul3A_430 = arith.mulf %get3A_424, %get3A_429 : vector<16xf32>
      %add3A_431 = arith.addf %mul3A_417, %mul3A_430 : vector<16xf32>
      %add3A_432 = arith.constant 0 : i32
      %add3A_433 = arith.addi %add3A_432, %add3A_404 : i32
      %add3A_434 = arith.constant 32 : i32
      %add3A_435 = arith.addi %squeeze3A_406, %add3A_434 : i32
      %get3A_436 = arith.index_cast %add3A_433 : i32 to index
      %get3A_437 = arith.index_cast %add3A_435 : i32 to index
      %get3A_438 = tpu.vector_load %arg12[%get3A_436, %get3A_437] {strides = array<i32>} : memref<512x128xf32, #tpu.memory_space<vmem>>, vector<16xf32>,
      %add3A_439 = arith.constant 32 : i32
      %add3A_440 = arith.addi %squeeze3A_408, %add3A_439 : i32
      %get3A_441 = arith.index_cast %add3A_404 : i32 to index
      %get3A_442 = arith.index_cast %add3A_440 : i32 to index
      %get3A_443 = tpu.vector_load %arg13[%get3A_441, %get3A_442] {strides = array<i32>} : memref<256x128xf32, #tpu.memory_space<vmem>>, vector<16xf32>,
      %mul3A_444 = arith.mulf %get3A_438, %get3A_443 : vector<16xf32>
      %add3A_445 = arith.addf %add3A_431, %mul3A_444 : vector<16xf32>
      %add3A_446 = arith.constant 0 : i32
      %add3A_447 = arith.addi %add3A_446, %add3A_404 : i32
      %add3A_448 = arith.constant 48 : i32
      %add3A_449 = arith.addi %squeeze3A_406, %add3A_448 : i32
      %get3A_450 = arith.index_cast %add3A_447 : i32 to index
      %get3A_451 = arith.index_cast %add3A_449 : i32 to index
      %get3A_452 = tpu.vector_load %arg12[%get3A_450, %get3A_451] {strides = array<i32>} : memref<512x128xf32, #tpu.memory_space<vmem>>, vector<16xf32>,
      %add3A_453 = arith.constant 48 : i32
      %add3A_454 = arith.addi %squeeze3A_408, %add3A_453 : i32
      %get3A_455 = arith.index_cast %add3A_404 : i32 to index
      %get3A_456 = arith.index_cast %add3A_454 : i32 to index
      %get3A_457 = tpu.vector_load %arg13[%get3A_455, %get3A_456] {strides = array<i32>} : memref<256x128xf32, #tpu.memory_space<vmem>>, vector<16xf32>,
      %mul3A_458 = arith.mulf %get3A_452, %get3A_457 : vector<16xf32>
      %add3A_459 = arith.addf %add3A_445, %mul3A_458 : vector<16xf32>
      %swap3A_460 = arith.constant 96 : index
      %swap3A_461 = tpu.vector_load %arg16[%swap3A_460] {strides = array<i32>} : memref<256xf32, #tpu.memory_space<vmem>>, vector<16xf32>,
      tpu.vector_store %arg16[%swap3A_460], %add3A_459 {strides = array<i32>} : memref<256xf32, #tpu.memory_space<vmem>>, vector<16xf32>,
      %mul3A_462 = arith.constant 16 : i32
      %mul3A_463 = arith.muli %scan3A_30, %mul3A_462 : i32
      %add3A_464 = arith.constant 7 : i32
      %add3A_465 = arith.addi %mul3A_463, %add3A_464 : i32
      %slice3A_466 = vector.extract_strided_slice %get3A_35 {offsets = [7], sizes = [1], strides = [1]} : vector<16xi32> to vector<1xi32>
      %squeeze3A_467 = vector.extract %slice3A_466[0] : i32 from vector<1xi32>
      %slice3A_468 = vector.extract_strided_slice %get3A_37 {offsets = [7], sizes = [1], strides = [1]} : vector<16xi32> to vector<1xi32>
      %squeeze3A_469 = vector.extract %slice3A_468[0] : i32 from vector<1xi32>
      %add3A_470 = arith.constant 0 : i32
      %add3A_471 = arith.addi %add3A_470, %add3A_465 : i32
      %get3A_472 = arith.index_cast %add3A_471 : i32 to index
      %get3A_473 = arith.index_cast %squeeze3A_467 : i32 to index
      %get3A_474 = tpu.vector_load %arg12[%get3A_472, %get3A_473] {strides = array<i32>} : memref<512x128xf32, #tpu.memory_space<vmem>>, vector<16xf32>,
      %get3A_475 = arith.index_cast %add3A_465 : i32 to index
      %get3A_476 = arith.index_cast %squeeze3A_469 : i32 to index
      %get3A_477 = tpu.vector_load %arg13[%get3A_475, %get3A_476] {strides = array<i32>} : memref<256x128xf32, #tpu.memory_space<vmem>>, vector<16xf32>,
      %mul3A_478 = arith.mulf %get3A_474, %get3A_477 : vector<16xf32>
      %add3A_479 = arith.constant 0 : i32
      %add3A_480 = arith.addi %add3A_479, %add3A_465 : i32
      %add3A_481 = arith.constant 16 : i32
      %add3A_482 = arith.addi %squeeze3A_467, %add3A_481 : i32
      %get3A_483 = arith.index_cast %add3A_480 : i32 to index
      %get3A_484 = arith.index_cast %add3A_482 : i32 to index
      %get3A_485 = tpu.vector_load %arg12[%get3A_483, %get3A_484] {strides = array<i32>} : memref<512x128xf32, #tpu.memory_space<vmem>>, vector<16xf32>,
      %add3A_486 = arith.constant 16 : i32
      %add3A_487 = arith.addi %squeeze3A_469, %add3A_486 : i32
      %get3A_488 = arith.index_cast %add3A_465 : i32 to index
      %get3A_489 = arith.index_cast %add3A_487 : i32 to index
      %get3A_490 = tpu.vector_load %arg13[%get3A_488, %get3A_489] {strides = array<i32>} : memref<256x128xf32, #tpu.memory_space<vmem>>, vector<16xf32>,
      %mul3A_491 = arith.mulf %get3A_485, %get3A_490 : vector<16xf32>
      %add3A_492 = arith.addf %mul3A_478, %mul3A_491 : vector<16xf32>
      %add3A_493 = arith.constant 0 : i32
      %add3A_494 = arith.addi %add3A_493, %add3A_465 : i32
      %add3A_495 = arith.constant 32 : i32
      %add3A_496 = arith.addi %squeeze3A_467, %add3A_495 : i32
      %get3A_497 = arith.index_cast %add3A_494 : i32 to index
      %get3A_498 = arith.index_cast %add3A_496 : i32 to index
      %get3A_499 = tpu.vector_load %arg12[%get3A_497, %get3A_498] {strides = array<i32>} : memref<512x128xf32, #tpu.memory_space<vmem>>, vector<16xf32>,
      %add3A_500 = arith.constant 32 : i32
      %add3A_501 = arith.addi %squeeze3A_469, %add3A_500 : i32
      %get3A_502 = arith.index_cast %add3A_465 : i32 to index
      %get3A_503 = arith.index_cast %add3A_501 : i32 to index
      %get3A_504 = tpu.vector_load %arg13[%get3A_502, %get3A_503] {strides = array<i32>} : memref<256x128xf32, #tpu.memory_space<vmem>>, vector<16xf32>,
      %mul3A_505 = arith.mulf %get3A_499, %get3A_504 : vector<16xf32>
      %add3A_506 = arith.addf %add3A_492, %mul3A_505 : vector<16xf32>
      %add3A_507 = arith.constant 0 : i32
      %add3A_508 = arith.addi %add3A_507, %add3A_465 : i32
      %add3A_509 = arith.constant 48 : i32
      %add3A_510 = arith.addi %squeeze3A_467, %add3A_509 : i32
      %get3A_511 = arith.index_cast %add3A_508 : i32 to index
      %get3A_512 = arith.index_cast %add3A_510 : i32 to index
      %get3A_513 = tpu.vector_load %arg12[%get3A_511, %get3A_512] {strides = array<i32>} : memref<512x128xf32, #tpu.memory_space<vmem>>, vector<16xf32>,
      %add3A_514 = arith.constant 48 : i32
      %add3A_515 = arith.addi %squeeze3A_469, %add3A_514 : i32
      %get3A_516 = arith.index_cast %add3A_465 : i32 to index
      %get3A_517 = arith.index_cast %add3A_515 : i32 to index
      %get3A_518 = tpu.vector_load %arg13[%get3A_516, %get3A_517] {strides = array<i32>} : memref<256x128xf32, #tpu.memory_space<vmem>>, vector<16xf32>,
      %mul3A_519 = arith.mulf %get3A_513, %get3A_518 : vector<16xf32>
      %add3A_520 = arith.addf %add3A_506, %mul3A_519 : vector<16xf32>
      %swap3A_521 = arith.constant 112 : index
      %swap3A_522 = tpu.vector_load %arg16[%swap3A_521] {strides = array<i32>} : memref<256xf32, #tpu.memory_space<vmem>>, vector<16xf32>,
      tpu.vector_store %arg16[%swap3A_521], %add3A_520 {strides = array<i32>} : memref<256xf32, #tpu.memory_space<vmem>>, vector<16xf32>,
      %mul3A_523 = arith.constant 16 : i32
      %mul3A_524 = arith.muli %scan3A_30, %mul3A_523 : i32
      %add3A_525 = arith.constant 8 : i32
      %add3A_526 = arith.addi %mul3A_524, %add3A_525 : i32
      %slice3A_527 = vector.extract_strided_slice %get3A_35 {offsets = [8], sizes = [1], strides = [1]} : vector<16xi32> to vector<1xi32>
      %squeeze3A_528 = vector.extract %slice3A_527[0] : i32 from vector<1xi32>
      %slice3A_529 = vector.extract_strided_slice %get3A_37 {offsets = [8], sizes = [1], strides = [1]} : vector<16xi32> to vector<1xi32>
      %squeeze3A_530 = vector.extract %slice3A_529[0] : i32 from vector<1xi32>
      %add3A_531 = arith.constant 0 : i32
      %add3A_532 = arith.addi %add3A_531, %add3A_526 : i32
      %get3A_533 = arith.index_cast %add3A_532 : i32 to index
      %get3A_534 = arith.index_cast %squeeze3A_528 : i32 to index
      %get3A_535 = tpu.vector_load %arg12[%get3A_533, %get3A_534] {strides = array<i32>} : memref<512x128xf32, #tpu.memory_space<vmem>>, vector<16xf32>,
      %get3A_536 = arith.index_cast %add3A_526 : i32 to index
      %get3A_537 = arith.index_cast %squeeze3A_530 : i32 to index
      %get3A_538 = tpu.vector_load %arg13[%get3A_536, %get3A_537] {strides = array<i32>} : memref<256x128xf32, #tpu.memory_space<vmem>>, vector<16xf32>,
      %mul3A_539 = arith.mulf %get3A_535, %get3A_538 : vector<16xf32>
      %add3A_540 = arith.constant 0 : i32
      %add3A_541 = arith.addi %add3A_540, %add3A_526 : i32
      %add3A_542 = arith.constant 16 : i32
      %add3A_543 = arith.addi %squeeze3A_528, %add3A_542 : i32
      %get3A_544 = arith.index_cast %add3A_541 : i32 to index
      %get3A_545 = arith.index_cast %add3A_543 : i32 to index
      %get3A_546 = tpu.vector_load %arg12[%get3A_544, %get3A_545] {strides = array<i32>} : memref<512x128xf32, #tpu.memory_space<vmem>>, vector<16xf32>,
      %add3A_547 = arith.constant 16 : i32
      %add3A_548 = arith.addi %squeeze3A_530, %add3A_547 : i32
      %get3A_549 = arith.index_cast %add3A_526 : i32 to index
      %get3A_550 = arith.index_cast %add3A_548 : i32 to index
      %get3A_551 = tpu.vector_load %arg13[%get3A_549, %get3A_550] {strides = array<i32>} : memref<256x128xf32, #tpu.memory_space<vmem>>, vector<16xf32>,
      %mul3A_552 = arith.mulf %get3A_546, %get3A_551 : vector<16xf32>
      %add3A_553 = arith.addf %mul3A_539, %mul3A_552 : vector<16xf32>
      %add3A_554 = arith.constant 0 : i32
      %add3A_555 = arith.addi %add3A_554, %add3A_526 : i32
      %add3A_556 = arith.constant 32 : i32
      %add3A_557 = arith.addi %squeeze3A_528, %add3A_556 : i32
      %get3A_558 = arith.index_cast %add3A_555 : i32 to index
      %get3A_559 = arith.index_cast %add3A_557 : i32 to index
      %get3A_560 = tpu.vector_load %arg12[%get3A_558, %get3A_559] {strides = array<i32>} : memref<512x128xf32, #tpu.memory_space<vmem>>, vector<16xf32>,
      %add3A_561 = arith.constant 32 : i32
      %add3A_562 = arith.addi %squeeze3A_530, %add3A_561 : i32
      %get3A_563 = arith.index_cast %add3A_526 : i32 to index
      %get3A_564 = arith.index_cast %add3A_562 : i32 to index
      %get3A_565 = tpu.vector_load %arg13[%get3A_563, %get3A_564] {strides = array<i32>} : memref<256x128xf32, #tpu.memory_space<vmem>>, vector<16xf32>,
      %mul3A_566 = arith.mulf %get3A_560, %get3A_565 : vector<16xf32>
      %add3A_567 = arith.addf %add3A_553, %mul3A_566 : vector<16xf32>
      %add3A_568 = arith.constant 0 : i32
      %add3A_569 = arith.addi %add3A_568, %add3A_526 : i32
      %add3A_570 = arith.constant 48 : i32
      %add3A_571 = arith.addi %squeeze3A_528, %add3A_570 : i32
      %get3A_572 = arith.index_cast %add3A_569 : i32 to index
      %get3A_573 = arith.index_cast %add3A_571 : i32 to index
      %get3A_574 = tpu.vector_load %arg12[%get3A_572, %get3A_573] {strides = array<i32>} : memref<512x128xf32, #tpu.memory_space<vmem>>, vector<16xf32>,
      %add3A_575 = arith.constant 48 : i32
      %add3A_576 = arith.addi %squeeze3A_530, %add3A_575 : i32
      %get3A_577 = arith.index_cast %add3A_526 : i32 to index
      %get3A_578 = arith.index_cast %add3A_576 : i32 to index
      %get3A_579 = tpu.vector_load %arg13[%get3A_577, %get3A_578] {strides = array<i32>} : memref<256x128xf32, #tpu.memory_space<vmem>>, vector<16xf32>,
      %mul3A_580 = arith.mulf %get3A_574, %get3A_579 : vector<16xf32>
      %add3A_581 = arith.addf %add3A_567, %mul3A_580 : vector<16xf32>
      %swap3A_582 = arith.constant 128 : index
      %swap3A_583 = tpu.vector_load %arg16[%swap3A_582] {strides = array<i32>} : memref<256xf32, #tpu.memory_space<vmem>>, vector<16xf32>,
      tpu.vector_store %arg16[%swap3A_582], %add3A_581 {strides = array<i32>} : memref<256xf32, #tpu.memory_space<vmem>>, vector<16xf32>,
      %mul3A_584 = arith.constant 16 : i32
      %mul3A_585 = arith.muli %scan3A_30, %mul3A_584 : i32
      %add3A_586 = arith.constant 9 : i32
      %add3A_587 = arith.addi %mul3A_585, %add3A_586 : i32
      %slice3A_588 = vector.extract_strided_slice %get3A_35 {offsets = [9], sizes = [1], strides = [1]} : vector<16xi32> to vector<1xi32>
      %squeeze3A_589 = vector.extract %slice3A_588[0] : i32 from vector<1xi32>
      %slice3A_590 = vector.extract_strided_slice %get3A_37 {offsets = [9], sizes = [1], strides = [1]} : vector<16xi32> to vector<1xi32>
      %squeeze3A_591 = vector.extract %slice3A_590[0] : i32 from vector<1xi32>
      %add3A_592 = arith.constant 0 : i32
      %add3A_593 = arith.addi %add3A_592, %add3A_587 : i32
      %get3A_594 = arith.index_cast %add3A_593 : i32 to index
      %get3A_595 = arith.index_cast %squeeze3A_589 : i32 to index
      %get3A_596 = tpu.vector_load %arg12[%get3A_594, %get3A_595] {strides = array<i32>} : memref<512x128xf32, #tpu.memory_space<vmem>>, vector<16xf32>,
      %get3A_597 = arith.index_cast %add3A_587 : i32 to index
      %get3A_598 = arith.index_cast %squeeze3A_591 : i32 to index
      %get3A_599 = tpu.vector_load %arg13[%get3A_597, %get3A_598] {strides = array<i32>} : memref<256x128xf32, #tpu.memory_space<vmem>>, vector<16xf32>,
      %mul3A_600 = arith.mulf %get3A_596, %get3A_599 : vector<16xf32>
      %add3A_601 = arith.constant 0 : i32
      %add3A_602 = arith.addi %add3A_601, %add3A_587 : i32
      %add3A_603 = arith.constant 16 : i32
      %add3A_604 = arith.addi %squeeze3A_589, %add3A_603 : i32
      %get3A_605 = arith.index_cast %add3A_602 : i32 to index
      %get3A_606 = arith.index_cast %add3A_604 : i32 to index
      %get3A_607 = tpu.vector_load %arg12[%get3A_605, %get3A_606] {strides = array<i32>} : memref<512x128xf32, #tpu.memory_space<vmem>>, vector<16xf32>,
      %add3A_608 = arith.constant 16 : i32
      %add3A_609 = arith.addi %squeeze3A_591, %add3A_608 : i32
      %get3A_610 = arith.index_cast %add3A_587 : i32 to index
      %get3A_611 = arith.index_cast %add3A_609 : i32 to index
      %get3A_612 = tpu.vector_load %arg13[%get3A_610, %get3A_611] {strides = array<i32>} : memref<256x128xf32, #tpu.memory_space<vmem>>, vector<16xf32>,
      %mul3A_613 = arith.mulf %get3A_607, %get3A_612 : vector<16xf32>
      %add3A_614 = arith.addf %mul3A_600, %mul3A_613 : vector<16xf32>
      %add3A_615 = arith.constant 0 : i32
      %add3A_616 = arith.addi %add3A_615, %add3A_587 : i32
      %add3A_617 = arith.constant 32 : i32
      %add3A_618 = arith.addi %squeeze3A_589, %add3A_617 : i32
      %get3A_619 = arith.index_cast %add3A_616 : i32 to index
      %get3A_620 = arith.index_cast %add3A_618 : i32 to index
      %get3A_621 = tpu.vector_load %arg12[%get3A_619, %get3A_620] {strides = array<i32>} : memref<512x128xf32, #tpu.memory_space<vmem>>, vector<16xf32>,
      %add3A_622 = arith.constant 32 : i32
      %add3A_623 = arith.addi %squeeze3A_591, %add3A_622 : i32
      %get3A_624 = arith.index_cast %add3A_587 : i32 to index
      %get3A_625 = arith.index_cast %add3A_623 : i32 to index
      %get3A_626 = tpu.vector_load %arg13[%get3A_624, %get3A_625] {strides = array<i32>} : memref<256x128xf32, #tpu.memory_space<vmem>>, vector<16xf32>,
      %mul3A_627 = arith.mulf %get3A_621, %get3A_626 : vector<16xf32>
      %add3A_628 = arith.addf %add3A_614, %mul3A_627 : vector<16xf32>
      %add3A_629 = arith.constant 0 : i32
      %add3A_630 = arith.addi %add3A_629, %add3A_587 : i32
      %add3A_631 = arith.constant 48 : i32
      %add3A_632 = arith.addi %squeeze3A_589, %add3A_631 : i32
      %get3A_633 = arith.index_cast %add3A_630 : i32 to index
      %get3A_634 = arith.index_cast %add3A_632 : i32 to index
      %get3A_635 = tpu.vector_load %arg12[%get3A_633, %get3A_634] {strides = array<i32>} : memref<512x128xf32, #tpu.memory_space<vmem>>, vector<16xf32>,
      %add3A_636 = arith.constant 48 : i32
      %add3A_637 = arith.addi %squeeze3A_591, %add3A_636 : i32
      %get3A_638 = arith.index_cast %add3A_587 : i32 to index
      %get3A_639 = arith.index_cast %add3A_637 : i32 to index
      %get3A_640 = tpu.vector_load %arg13[%get3A_638, %get3A_639] {strides = array<i32>} : memref<256x128xf32, #tpu.memory_space<vmem>>, vector<16xf32>,
      %mul3A_641 = arith.mulf %get3A_635, %get3A_640 : vector<16xf32>
      %add3A_642 = arith.addf %add3A_628, %mul3A_641 : vector<16xf32>
      %swap3A_643 = arith.constant 144 : index
      %swap3A_644 = tpu.vector_load %arg16[%swap3A_643] {strides = array<i32>} : memref<256xf32, #tpu.memory_space<vmem>>, vector<16xf32>,
      tpu.vector_store %arg16[%swap3A_643], %add3A_642 {strides = array<i32>} : memref<256xf32, #tpu.memory_space<vmem>>, vector<16xf32>,
      %mul3A_645 = arith.constant 16 : i32
      %mul3A_646 = arith.muli %scan3A_30, %mul3A_645 : i32
      %add3A_647 = arith.constant 10 : i32
      %add3A_648 = arith.addi %mul3A_646, %add3A_647 : i32
      %slice3A_649 = vector.extract_strided_slice %get3A_35 {offsets = [10], sizes = [1], strides = [1]} : vector<16xi32> to vector<1xi32>
      %squeeze3A_650 = vector.extract %slice3A_649[0] : i32 from vector<1xi32>
      %slice3A_651 = vector.extract_strided_slice %get3A_37 {offsets = [10], sizes = [1], strides = [1]} : vector<16xi32> to vector<1xi32>
      %squeeze3A_652 = vector.extract %slice3A_651[0] : i32 from vector<1xi32>
      %add3A_653 = arith.constant 0 : i32
      %add3A_654 = arith.addi %add3A_653, %add3A_648 : i32
      %get3A_655 = arith.index_cast %add3A_654 : i32 to index
      %get3A_656 = arith.index_cast %squeeze3A_650 : i32 to index
      %get3A_657 = tpu.vector_load %arg12[%get3A_655, %get3A_656] {strides = array<i32>} : memref<512x128xf32, #tpu.memory_space<vmem>>, vector<16xf32>,
      %get3A_658 = arith.index_cast %add3A_648 : i32 to index
      %get3A_659 = arith.index_cast %squeeze3A_652 : i32 to index
      %get3A_660 = tpu.vector_load %arg13[%get3A_658, %get3A_659] {strides = array<i32>} : memref<256x128xf32, #tpu.memory_space<vmem>>, vector<16xf32>,
      %mul3A_661 = arith.mulf %get3A_657, %get3A_660 : vector<16xf32>
      %add3A_662 = arith.constant 0 : i32
      %add3A_663 = arith.addi %add3A_662, %add3A_648 : i32
      %add3A_664 = arith.constant 16 : i32
      %add3A_665 = arith.addi %squeeze3A_650, %add3A_664 : i32
      %get3A_666 = arith.index_cast %add3A_663 : i32 to index
      %get3A_667 = arith.index_cast %add3A_665 : i32 to index
      %get3A_668 = tpu.vector_load %arg12[%get3A_666, %get3A_667] {strides = array<i32>} : memref<512x128xf32, #tpu.memory_space<vmem>>, vector<16xf32>,
      %add3A_669 = arith.constant 16 : i32
      %add3A_670 = arith.addi %squeeze3A_652, %add3A_669 : i32
      %get3A_671 = arith.index_cast %add3A_648 : i32 to index
      %get3A_672 = arith.index_cast %add3A_670 : i32 to index
      %get3A_673 = tpu.vector_load %arg13[%get3A_671, %get3A_672] {strides = array<i32>} : memref<256x128xf32, #tpu.memory_space<vmem>>, vector<16xf32>,
      %mul3A_674 = arith.mulf %get3A_668, %get3A_673 : vector<16xf32>
      %add3A_675 = arith.addf %mul3A_661, %mul3A_674 : vector<16xf32>
      %add3A_676 = arith.constant 0 : i32
      %add3A_677 = arith.addi %add3A_676, %add3A_648 : i32
      %add3A_678 = arith.constant 32 : i32
      %add3A_679 = arith.addi %squeeze3A_650, %add3A_678 : i32
      %get3A_680 = arith.index_cast %add3A_677 : i32 to index
      %get3A_681 = arith.index_cast %add3A_679 : i32 to index
      %get3A_682 = tpu.vector_load %arg12[%get3A_680, %get3A_681] {strides = array<i32>} : memref<512x128xf32, #tpu.memory_space<vmem>>, vector<16xf32>,
      %add3A_683 = arith.constant 32 : i32
      %add3A_684 = arith.addi %squeeze3A_652, %add3A_683 : i32
      %get3A_685 = arith.index_cast %add3A_648 : i32 to index
      %get3A_686 = arith.index_cast %add3A_684 : i32 to index
      %get3A_687 = tpu.vector_load %arg13[%get3A_685, %get3A_686] {strides = array<i32>} : memref<256x128xf32, #tpu.memory_space<vmem>>, vector<16xf32>,
      %mul3A_688 = arith.mulf %get3A_682, %get3A_687 : vector<16xf32>
      %add3A_689 = arith.addf %add3A_675, %mul3A_688 : vector<16xf32>
      %add3A_690 = arith.constant 0 : i32
      %add3A_691 = arith.addi %add3A_690, %add3A_648 : i32
      %add3A_692 = arith.constant 48 : i32
      %add3A_693 = arith.addi %squeeze3A_650, %add3A_692 : i32
      %get3A_694 = arith.index_cast %add3A_691 : i32 to index
      %get3A_695 = arith.index_cast %add3A_693 : i32 to index
      %get3A_696 = tpu.vector_load %arg12[%get3A_694, %get3A_695] {strides = array<i32>} : memref<512x128xf32, #tpu.memory_space<vmem>>, vector<16xf32>,
      %add3A_697 = arith.constant 48 : i32
      %add3A_698 = arith.addi %squeeze3A_652, %add3A_697 : i32
      %get3A_699 = arith.index_cast %add3A_648 : i32 to index
      %get3A_700 = arith.index_cast %add3A_698 : i32 to index
      %get3A_701 = tpu.vector_load %arg13[%get3A_699, %get3A_700] {strides = array<i32>} : memref<256x128xf32, #tpu.memory_space<vmem>>, vector<16xf32>,
      %mul3A_702 = arith.mulf %get3A_696, %get3A_701 : vector<16xf32>
      %add3A_703 = arith.addf %add3A_689, %mul3A_702 : vector<16xf32>
      %swap3A_704 = arith.constant 160 : index
      %swap3A_705 = tpu.vector_load %arg16[%swap3A_704] {strides = array<i32>} : memref<256xf32, #tpu.memory_space<vmem>>, vector<16xf32>,
      tpu.vector_store %arg16[%swap3A_704], %add3A_703 {strides = array<i32>} : memref<256xf32, #tpu.memory_space<vmem>>, vector<16xf32>,
      %mul3A_706 = arith.constant 16 : i32
      %mul3A_707 = arith.muli %scan3A_30, %mul3A_706 : i32
      %add3A_708 = arith.constant 11 : i32
      %add3A_709 = arith.addi %mul3A_707, %add3A_708 : i32
      %slice3A_710 = vector.extract_strided_slice %get3A_35 {offsets = [11], sizes = [1], strides = [1]} : vector<16xi32> to vector<1xi32>
      %squeeze3A_711 = vector.extract %slice3A_710[0] : i32 from vector<1xi32>
      %slice3A_712 = vector.extract_strided_slice %get3A_37 {offsets = [11], sizes = [1], strides = [1]} : vector<16xi32> to vector<1xi32>
      %squeeze3A_713 = vector.extract %slice3A_712[0] : i32 from vector<1xi32>
      %add3A_714 = arith.constant 0 : i32
      %add3A_715 = arith.addi %add3A_714, %add3A_709 : i32
      %get3A_716 = arith.index_cast %add3A_715 : i32 to index
      %get3A_717 = arith.index_cast %squeeze3A_711 : i32 to index
      %get3A_718 = tpu.vector_load %arg12[%get3A_716, %get3A_717] {strides = array<i32>} : memref<512x128xf32, #tpu.memory_space<vmem>>, vector<16xf32>,
      %get3A_719 = arith.index_cast %add3A_709 : i32 to index
      %get3A_720 = arith.index_cast %squeeze3A_713 : i32 to index
      %get3A_721 = tpu.vector_load %arg13[%get3A_719, %get3A_720] {strides = array<i32>} : memref<256x128xf32, #tpu.memory_space<vmem>>, vector<16xf32>,
      %mul3A_722 = arith.mulf %get3A_718, %get3A_721 : vector<16xf32>
      %add3A_723 = arith.constant 0 : i32
      %add3A_724 = arith.addi %add3A_723, %add3A_709 : i32
      %add3A_725 = arith.constant 16 : i32
      %add3A_726 = arith.addi %squeeze3A_711, %add3A_725 : i32
      %get3A_727 = arith.index_cast %add3A_724 : i32 to index
      %get3A_728 = arith.index_cast %add3A_726 : i32 to index
      %get3A_729 = tpu.vector_load %arg12[%get3A_727, %get3A_728] {strides = array<i32>} : memref<512x128xf32, #tpu.memory_space<vmem>>, vector<16xf32>,
      %add3A_730 = arith.constant 16 : i32
      %add3A_731 = arith.addi %squeeze3A_713, %add3A_730 : i32
      %get3A_732 = arith.index_cast %add3A_709 : i32 to index
      %get3A_733 = arith.index_cast %add3A_731 : i32 to index
      %get3A_734 = tpu.vector_load %arg13[%get3A_732, %get3A_733] {strides = array<i32>} : memref<256x128xf32, #tpu.memory_space<vmem>>, vector<16xf32>,
      %mul3A_735 = arith.mulf %get3A_729, %get3A_734 : vector<16xf32>
      %add3A_736 = arith.addf %mul3A_722, %mul3A_735 : vector<16xf32>
      %add3A_737 = arith.constant 0 : i32
      %add3A_738 = arith.addi %add3A_737, %add3A_709 : i32
      %add3A_739 = arith.constant 32 : i32
      %add3A_740 = arith.addi %squeeze3A_711, %add3A_739 : i32
      %get3A_741 = arith.index_cast %add3A_738 : i32 to index
      %get3A_742 = arith.index_cast %add3A_740 : i32 to index
      %get3A_743 = tpu.vector_load %arg12[%get3A_741, %get3A_742] {strides = array<i32>} : memref<512x128xf32, #tpu.memory_space<vmem>>, vector<16xf32>,
      %add3A_744 = arith.constant 32 : i32
      %add3A_745 = arith.addi %squeeze3A_713, %add3A_744 : i32
      %get3A_746 = arith.index_cast %add3A_709 : i32 to index
      %get3A_747 = arith.index_cast %add3A_745 : i32 to index
      %get3A_748 = tpu.vector_load %arg13[%get3A_746, %get3A_747] {strides = array<i32>} : memref<256x128xf32, #tpu.memory_space<vmem>>, vector<16xf32>,
      %mul3A_749 = arith.mulf %get3A_743, %get3A_748 : vector<16xf32>
      %add3A_750 = arith.addf %add3A_736, %mul3A_749 : vector<16xf32>
      %add3A_751 = arith.constant 0 : i32
      %add3A_752 = arith.addi %add3A_751, %add3A_709 : i32
      %add3A_753 = arith.constant 48 : i32
      %add3A_754 = arith.addi %squeeze3A_711, %add3A_753 : i32
      %get3A_755 = arith.index_cast %add3A_752 : i32 to index
      %get3A_756 = arith.index_cast %add3A_754 : i32 to index
      %get3A_757 = tpu.vector_load %arg12[%get3A_755, %get3A_756] {strides = array<i32>} : memref<512x128xf32, #tpu.memory_space<vmem>>, vector<16xf32>,
      %add3A_758 = arith.constant 48 : i32
      %add3A_759 = arith.addi %squeeze3A_713, %add3A_758 : i32
      %get3A_760 = arith.index_cast %add3A_709 : i32 to index
      %get3A_761 = arith.index_cast %add3A_759 : i32 to index
      %get3A_762 = tpu.vector_load %arg13[%get3A_760, %get3A_761] {strides = array<i32>} : memref<256x128xf32, #tpu.memory_space<vmem>>, vector<16xf32>,
      %mul3A_763 = arith.mulf %get3A_757, %get3A_762 : vector<16xf32>
      %add3A_764 = arith.addf %add3A_750, %mul3A_763 : vector<16xf32>
      %swap3A_765 = arith.constant 176 : index
      %swap3A_766 = tpu.vector_load %arg16[%swap3A_765] {strides = array<i32>} : memref<256xf32, #tpu.memory_space<vmem>>, vector<16xf32>,
      tpu.vector_store %arg16[%swap3A_765], %add3A_764 {strides = array<i32>} : memref<256xf32, #tpu.memory_space<vmem>>, vector<16xf32>,
      %mul3A_767 = arith.constant 16 : i32
      %mul3A_768 = arith.muli %scan3A_30, %mul3A_767 : i32
      %add3A_769 = arith.constant 12 : i32
      %add3A_770 = arith.addi %mul3A_768, %add3A_769 : i32
      %slice3A_771 = vector.extract_strided_slice %get3A_35 {offsets = [12], sizes = [1], strides = [1]} : vector<16xi32> to vector<1xi32>
      %squeeze3A_772 = vector.extract %slice3A_771[0] : i32 from vector<1xi32>
      %slice3A_773 = vector.extract_strided_slice %get3A_37 {offsets = [12], sizes = [1], strides = [1]} : vector<16xi32> to vector<1xi32>
      %squeeze3A_774 = vector.extract %slice3A_773[0] : i32 from vector<1xi32>
      %add3A_775 = arith.constant 0 : i32
      %add3A_776 = arith.addi %add3A_775, %add3A_770 : i32
      %get3A_777 = arith.index_cast %add3A_776 : i32 to index
      %get3A_778 = arith.index_cast %squeeze3A_772 : i32 to index
      %get3A_779 = tpu.vector_load %arg12[%get3A_777, %get3A_778] {strides = array<i32>} : memref<512x128xf32, #tpu.memory_space<vmem>>, vector<16xf32>,
      %get3A_780 = arith.index_cast %add3A_770 : i32 to index
      %get3A_781 = arith.index_cast %squeeze3A_774 : i32 to index
      %get3A_782 = tpu.vector_load %arg13[%get3A_780, %get3A_781] {strides = array<i32>} : memref<256x128xf32, #tpu.memory_space<vmem>>, vector<16xf32>,
      %mul3A_783 = arith.mulf %get3A_779, %get3A_782 : vector<16xf32>
      %add3A_784 = arith.constant 0 : i32
      %add3A_785 = arith.addi %add3A_784, %add3A_770 : i32
      %add3A_786 = arith.constant 16 : i32
      %add3A_787 = arith.addi %squeeze3A_772, %add3A_786 : i32
      %get3A_788 = arith.index_cast %add3A_785 : i32 to index
      %get3A_789 = arith.index_cast %add3A_787 : i32 to index
      %get3A_790 = tpu.vector_load %arg12[%get3A_788, %get3A_789] {strides = array<i32>} : memref<512x128xf32, #tpu.memory_space<vmem>>, vector<16xf32>,
      %add3A_791 = arith.constant 16 : i32
      %add3A_792 = arith.addi %squeeze3A_774, %add3A_791 : i32
      %get3A_793 = arith.index_cast %add3A_770 : i32 to index
      %get3A_794 = arith.index_cast %add3A_792 : i32 to index
      %get3A_795 = tpu.vector_load %arg13[%get3A_793, %get3A_794] {strides = array<i32>} : memref<256x128xf32, #tpu.memory_space<vmem>>, vector<16xf32>,
      %mul3A_796 = arith.mulf %get3A_790, %get3A_795 : vector<16xf32>
      %add3A_797 = arith.addf %mul3A_783, %mul3A_796 : vector<16xf32>
      %add3A_798 = arith.constant 0 : i32
      %add3A_799 = arith.addi %add3A_798, %add3A_770 : i32
      %add3A_800 = arith.constant 32 : i32
      %add3A_801 = arith.addi %squeeze3A_772, %add3A_800 : i32
      %get3A_802 = arith.index_cast %add3A_799 : i32 to index
      %get3A_803 = arith.index_cast %add3A_801 : i32 to index
      %get3A_804 = tpu.vector_load %arg12[%get3A_802, %get3A_803] {strides = array<i32>} : memref<512x128xf32, #tpu.memory_space<vmem>>, vector<16xf32>,
      %add3A_805 = arith.constant 32 : i32
      %add3A_806 = arith.addi %squeeze3A_774, %add3A_805 : i32
      %get3A_807 = arith.index_cast %add3A_770 : i32 to index
      %get3A_808 = arith.index_cast %add3A_806 : i32 to index
      %get3A_809 = tpu.vector_load %arg13[%get3A_807, %get3A_808] {strides = array<i32>} : memref<256x128xf32, #tpu.memory_space<vmem>>, vector<16xf32>,
      %mul3A_810 = arith.mulf %get3A_804, %get3A_809 : vector<16xf32>
      %add3A_811 = arith.addf %add3A_797, %mul3A_810 : vector<16xf32>
      %add3A_812 = arith.constant 0 : i32
      %add3A_813 = arith.addi %add3A_812, %add3A_770 : i32
      %add3A_814 = arith.constant 48 : i32
      %add3A_815 = arith.addi %squeeze3A_772, %add3A_814 : i32
      %get3A_816 = arith.index_cast %add3A_813 : i32 to index
      %get3A_817 = arith.index_cast %add3A_815 : i32 to index
      %get3A_818 = tpu.vector_load %arg12[%get3A_816, %get3A_817] {strides = array<i32>} : memref<512x128xf32, #tpu.memory_space<vmem>>, vector<16xf32>,
      %add3A_819 = arith.constant 48 : i32
      %add3A_820 = arith.addi %squeeze3A_774, %add3A_819 : i32
      %get3A_821 = arith.index_cast %add3A_770 : i32 to index
      %get3A_822 = arith.index_cast %add3A_820 : i32 to index
      %get3A_823 = tpu.vector_load %arg13[%get3A_821, %get3A_822] {strides = array<i32>} : memref<256x128xf32, #tpu.memory_space<vmem>>, vector<16xf32>,
      %mul3A_824 = arith.mulf %get3A_818, %get3A_823 : vector<16xf32>
      %add3A_825 = arith.addf %add3A_811, %mul3A_824 : vector<16xf32>
      %swap3A_826 = arith.constant 192 : index
      %swap3A_827 = tpu.vector_load %arg16[%swap3A_826] {strides = array<i32>} : memref<256xf32, #tpu.memory_space<vmem>>, vector<16xf32>,
      tpu.vector_store %arg16[%swap3A_826], %add3A_825 {strides = array<i32>} : memref<256xf32, #tpu.memory_space<vmem>>, vector<16xf32>,
      %mul3A_828 = arith.constant 16 : i32
      %mul3A_829 = arith.muli %scan3A_30, %mul3A_828 : i32
      %add3A_830 = arith.constant 13 : i32
      %add3A_831 = arith.addi %mul3A_829, %add3A_830 : i32
      %slice3A_832 = vector.extract_strided_slice %get3A_35 {offsets = [13], sizes = [1], strides = [1]} : vector<16xi32> to vector<1xi32>
      %squeeze3A_833 = vector.extract %slice3A_832[0] : i32 from vector<1xi32>
      %slice3A_834 = vector.extract_strided_slice %get3A_37 {offsets = [13], sizes = [1], strides = [1]} : vector<16xi32> to vector<1xi32>
      %squeeze3A_835 = vector.extract %slice3A_834[0] : i32 from vector<1xi32>
      %add3A_836 = arith.constant 0 : i32
      %add3A_837 = arith.addi %add3A_836, %add3A_831 : i32
      %get3A_838 = arith.index_cast %add3A_837 : i32 to index
      %get3A_839 = arith.index_cast %squeeze3A_833 : i32 to index
      %get3A_840 = tpu.vector_load %arg12[%get3A_838, %get3A_839] {strides = array<i32>} : memref<512x128xf32, #tpu.memory_space<vmem>>, vector<16xf32>,
      %get3A_841 = arith.index_cast %add3A_831 : i32 to index
      %get3A_842 = arith.index_cast %squeeze3A_835 : i32 to index
      %get3A_843 = tpu.vector_load %arg13[%get3A_841, %get3A_842] {strides = array<i32>} : memref<256x128xf32, #tpu.memory_space<vmem>>, vector<16xf32>,
      %mul3A_844 = arith.mulf %get3A_840, %get3A_843 : vector<16xf32>
      %add3A_845 = arith.constant 0 : i32
      %add3A_846 = arith.addi %add3A_845, %add3A_831 : i32
      %add3A_847 = arith.constant 16 : i32
      %add3A_848 = arith.addi %squeeze3A_833, %add3A_847 : i32
      %get3A_849 = arith.index_cast %add3A_846 : i32 to index
      %get3A_850 = arith.index_cast %add3A_848 : i32 to index
      %get3A_851 = tpu.vector_load %arg12[%get3A_849, %get3A_850] {strides = array<i32>} : memref<512x128xf32, #tpu.memory_space<vmem>>, vector<16xf32>,
      %add3A_852 = arith.constant 16 : i32
      %add3A_853 = arith.addi %squeeze3A_835, %add3A_852 : i32
      %get3A_854 = arith.index_cast %add3A_831 : i32 to index
      %get3A_855 = arith.index_cast %add3A_853 : i32 to index
      %get3A_856 = tpu.vector_load %arg13[%get3A_854, %get3A_855] {strides = array<i32>} : memref<256x128xf32, #tpu.memory_space<vmem>>, vector<16xf32>,
      %mul3A_857 = arith.mulf %get3A_851, %get3A_856 : vector<16xf32>
      %add3A_858 = arith.addf %mul3A_844, %mul3A_857 : vector<16xf32>
      %add3A_859 = arith.constant 0 : i32
      %add3A_860 = arith.addi %add3A_859, %add3A_831 : i32
      %add3A_861 = arith.constant 32 : i32
      %add3A_862 = arith.addi %squeeze3A_833, %add3A_861 : i32
      %get3A_863 = arith.index_cast %add3A_860 : i32 to index
      %get3A_864 = arith.index_cast %add3A_862 : i32 to index
      %get3A_865 = tpu.vector_load %arg12[%get3A_863, %get3A_864] {strides = array<i32>} : memref<512x128xf32, #tpu.memory_space<vmem>>, vector<16xf32>,
      %add3A_866 = arith.constant 32 : i32
      %add3A_867 = arith.addi %squeeze3A_835, %add3A_866 : i32
      %get3A_868 = arith.index_cast %add3A_831 : i32 to index
      %get3A_869 = arith.index_cast %add3A_867 : i32 to index
      %get3A_870 = tpu.vector_load %arg13[%get3A_868, %get3A_869] {strides = array<i32>} : memref<256x128xf32, #tpu.memory_space<vmem>>, vector<16xf32>,
      %mul3A_871 = arith.mulf %get3A_865, %get3A_870 : vector<16xf32>
      %add3A_872 = arith.addf %add3A_858, %mul3A_871 : vector<16xf32>
      %add3A_873 = arith.constant 0 : i32
      %add3A_874 = arith.addi %add3A_873, %add3A_831 : i32
      %add3A_875 = arith.constant 48 : i32
      %add3A_876 = arith.addi %squeeze3A_833, %add3A_875 : i32
      %get3A_877 = arith.index_cast %add3A_874 : i32 to index
      %get3A_878 = arith.index_cast %add3A_876 : i32 to index
      %get3A_879 = tpu.vector_load %arg12[%get3A_877, %get3A_878] {strides = array<i32>} : memref<512x128xf32, #tpu.memory_space<vmem>>, vector<16xf32>,
      %add3A_880 = arith.constant 48 : i32
      %add3A_881 = arith.addi %squeeze3A_835, %add3A_880 : i32
      %get3A_882 = arith.index_cast %add3A_831 : i32 to index
      %get3A_883 = arith.index_cast %add3A_881 : i32 to index
      %get3A_884 = tpu.vector_load %arg13[%get3A_882, %get3A_883] {strides = array<i32>} : memref<256x128xf32, #tpu.memory_space<vmem>>, vector<16xf32>,
      %mul3A_885 = arith.mulf %get3A_879, %get3A_884 : vector<16xf32>
      %add3A_886 = arith.addf %add3A_872, %mul3A_885 : vector<16xf32>
      %swap3A_887 = arith.constant 208 : index
      %swap3A_888 = tpu.vector_load %arg16[%swap3A_887] {strides = array<i32>} : memref<256xf32, #tpu.memory_space<vmem>>, vector<16xf32>,
      tpu.vector_store %arg16[%swap3A_887], %add3A_886 {strides = array<i32>} : memref<256xf32, #tpu.memory_space<vmem>>, vector<16xf32>,
      %mul3A_889 = arith.constant 16 : i32
      %mul3A_890 = arith.muli %scan3A_30, %mul3A_889 : i32
      %add3A_891 = arith.constant 14 : i32
      %add3A_892 = arith.addi %mul3A_890, %add3A_891 : i32
      %slice3A_893 = vector.extract_strided_slice %get3A_35 {offsets = [14], sizes = [1], strides = [1]} : vector<16xi32> to vector<1xi32>
      %squeeze3A_894 = vector.extract %slice3A_893[0] : i32 from vector<1xi32>
      %slice3A_895 = vector.extract_strided_slice %get3A_37 {offsets = [14], sizes = [1], strides = [1]} : vector<16xi32> to vector<1xi32>
      %squeeze3A_896 = vector.extract %slice3A_895[0] : i32 from vector<1xi32>
      %add3A_897 = arith.constant 0 : i32
      %add3A_898 = arith.addi %add3A_897, %add3A_892 : i32
      %get3A_899 = arith.index_cast %add3A_898 : i32 to index
      %get3A_900 = arith.index_cast %squeeze3A_894 : i32 to index
      %get3A_901 = tpu.vector_load %arg12[%get3A_899, %get3A_900] {strides = array<i32>} : memref<512x128xf32, #tpu.memory_space<vmem>>, vector<16xf32>,
      %get3A_902 = arith.index_cast %add3A_892 : i32 to index
      %get3A_903 = arith.index_cast %squeeze3A_896 : i32 to index
      %get3A_904 = tpu.vector_load %arg13[%get3A_902, %get3A_903] {strides = array<i32>} : memref<256x128xf32, #tpu.memory_space<vmem>>, vector<16xf32>,
      %mul3A_905 = arith.mulf %get3A_901, %get3A_904 : vector<16xf32>
      %add3A_906 = arith.constant 0 : i32
      %add3A_907 = arith.addi %add3A_906, %add3A_892 : i32
      %add3A_908 = arith.constant 16 : i32
      %add3A_909 = arith.addi %squeeze3A_894, %add3A_908 : i32
      %get3A_910 = arith.index_cast %add3A_907 : i32 to index
      %get3A_911 = arith.index_cast %add3A_909 : i32 to index
      %get3A_912 = tpu.vector_load %arg12[%get3A_910, %get3A_911] {strides = array<i32>} : memref<512x128xf32, #tpu.memory_space<vmem>>, vector<16xf32>,
      %add3A_913 = arith.constant 16 : i32
      %add3A_914 = arith.addi %squeeze3A_896, %add3A_913 : i32
      %get3A_915 = arith.index_cast %add3A_892 : i32 to index
      %get3A_916 = arith.index_cast %add3A_914 : i32 to index
      %get3A_917 = tpu.vector_load %arg13[%get3A_915, %get3A_916] {strides = array<i32>} : memref<256x128xf32, #tpu.memory_space<vmem>>, vector<16xf32>,
      %mul3A_918 = arith.mulf %get3A_912, %get3A_917 : vector<16xf32>
      %add3A_919 = arith.addf %mul3A_905, %mul3A_918 : vector<16xf32>
      %add3A_920 = arith.constant 0 : i32
      %add3A_921 = arith.addi %add3A_920, %add3A_892 : i32
      %add3A_922 = arith.constant 32 : i32
      %add3A_923 = arith.addi %squeeze3A_894, %add3A_922 : i32
      %get3A_924 = arith.index_cast %add3A_921 : i32 to index
      %get3A_925 = arith.index_cast %add3A_923 : i32 to index
      %get3A_926 = tpu.vector_load %arg12[%get3A_924, %get3A_925] {strides = array<i32>} : memref<512x128xf32, #tpu.memory_space<vmem>>, vector<16xf32>,
      %add3A_927 = arith.constant 32 : i32
      %add3A_928 = arith.addi %squeeze3A_896, %add3A_927 : i32
      %get3A_929 = arith.index_cast %add3A_892 : i32 to index
      %get3A_930 = arith.index_cast %add3A_928 : i32 to index
      %get3A_931 = tpu.vector_load %arg13[%get3A_929, %get3A_930] {strides = array<i32>} : memref<256x128xf32, #tpu.memory_space<vmem>>, vector<16xf32>,
      %mul3A_932 = arith.mulf %get3A_926, %get3A_931 : vector<16xf32>
      %add3A_933 = arith.addf %add3A_919, %mul3A_932 : vector<16xf32>
      %add3A_934 = arith.constant 0 : i32
      %add3A_935 = arith.addi %add3A_934, %add3A_892 : i32
      %add3A_936 = arith.constant 48 : i32
      %add3A_937 = arith.addi %squeeze3A_894, %add3A_936 : i32
      %get3A_938 = arith.index_cast %add3A_935 : i32 to index
      %get3A_939 = arith.index_cast %add3A_937 : i32 to index
      %get3A_940 = tpu.vector_load %arg12[%get3A_938, %get3A_939] {strides = array<i32>} : memref<512x128xf32, #tpu.memory_space<vmem>>, vector<16xf32>,
      %add3A_941 = arith.constant 48 : i32
      %add3A_942 = arith.addi %squeeze3A_896, %add3A_941 : i32
      %get3A_943 = arith.index_cast %add3A_892 : i32 to index
      %get3A_944 = arith.index_cast %add3A_942 : i32 to index
      %get3A_945 = tpu.vector_load %arg13[%get3A_943, %get3A_944] {strides = array<i32>} : memref<256x128xf32, #tpu.memory_space<vmem>>, vector<16xf32>,
      %mul3A_946 = arith.mulf %get3A_940, %get3A_945 : vector<16xf32>
      %add3A_947 = arith.addf %add3A_933, %mul3A_946 : vector<16xf32>
      %swap3A_948 = arith.constant 224 : index
      %swap3A_949 = tpu.vector_load %arg16[%swap3A_948] {strides = array<i32>} : memref<256xf32, #tpu.memory_space<vmem>>, vector<16xf32>,
      tpu.vector_store %arg16[%swap3A_948], %add3A_947 {strides = array<i32>} : memref<256xf32, #tpu.memory_space<vmem>>, vector<16xf32>,
      %mul3A_950 = arith.constant 16 : i32
      %mul3A_951 = arith.muli %scan3A_30, %mul3A_950 : i32
      %add3A_952 = arith.constant 15 : i32
      %add3A_953 = arith.addi %mul3A_951, %add3A_952 : i32
      %slice3A_954 = vector.extract_strided_slice %get3A_35 {offsets = [15], sizes = [1], strides = [1]} : vector<16xi32> to vector<1xi32>
      %squeeze3A_955 = vector.extract %slice3A_954[0] : i32 from vector<1xi32>
      %slice3A_956 = vector.extract_strided_slice %get3A_37 {offsets = [15], sizes = [1], strides = [1]} : vector<16xi32> to vector<1xi32>
      %squeeze3A_957 = vector.extract %slice3A_956[0] : i32 from vector<1xi32>
      %add3A_958 = arith.constant 0 : i32
      %add3A_959 = arith.addi %add3A_958, %add3A_953 : i32
      %get3A_960 = arith.index_cast %add3A_959 : i32 to index
      %get3A_961 = arith.index_cast %squeeze3A_955 : i32 to index
      %get3A_962 = tpu.vector_load %arg12[%get3A_960, %get3A_961] {strides = array<i32>} : memref<512x128xf32, #tpu.memory_space<vmem>>, vector<16xf32>,
      %get3A_963 = arith.index_cast %add3A_953 : i32 to index
      %get3A_964 = arith.index_cast %squeeze3A_957 : i32 to index
      %get3A_965 = tpu.vector_load %arg13[%get3A_963, %get3A_964] {strides = array<i32>} : memref<256x128xf32, #tpu.memory_space<vmem>>, vector<16xf32>,
      %mul3A_966 = arith.mulf %get3A_962, %get3A_965 : vector<16xf32>
      %add3A_967 = arith.constant 0 : i32
      %add3A_968 = arith.addi %add3A_967, %add3A_953 : i32
      %add3A_969 = arith.constant 16 : i32
      %add3A_970 = arith.addi %squeeze3A_955, %add3A_969 : i32
      %get3A_971 = arith.index_cast %add3A_968 : i32 to index
      %get3A_972 = arith.index_cast %add3A_970 : i32 to index
      %get3A_973 = tpu.vector_load %arg12[%get3A_971, %get3A_972] {strides = array<i32>} : memref<512x128xf32, #tpu.memory_space<vmem>>, vector<16xf32>,
      %add3A_974 = arith.constant 16 : i32
      %add3A_975 = arith.addi %squeeze3A_957, %add3A_974 : i32
      %get3A_976 = arith.index_cast %add3A_953 : i32 to index
      %get3A_977 = arith.index_cast %add3A_975 : i32 to index
      %get3A_978 = tpu.vector_load %arg13[%get3A_976, %get3A_977] {strides = array<i32>} : memref<256x128xf32, #tpu.memory_space<vmem>>, vector<16xf32>,
      %mul3A_979 = arith.mulf %get3A_973, %get3A_978 : vector<16xf32>
      %add3A_980 = arith.addf %mul3A_966, %mul3A_979 : vector<16xf32>
      %add3A_981 = arith.constant 0 : i32
      %add3A_982 = arith.addi %add3A_981, %add3A_953 : i32
      %add3A_983 = arith.constant 32 : i32
      %add3A_984 = arith.addi %squeeze3A_955, %add3A_983 : i32
      %get3A_985 = arith.index_cast %add3A_982 : i32 to index
      %get3A_986 = arith.index_cast %add3A_984 : i32 to index
      %get3A_987 = tpu.vector_load %arg12[%get3A_985, %get3A_986] {strides = array<i32>} : memref<512x128xf32, #tpu.memory_space<vmem>>, vector<16xf32>,
      %add3A_988 = arith.constant 32 : i32
      %add3A_989 = arith.addi %squeeze3A_957, %add3A_988 : i32
      %get3A_990 = arith.index_cast %add3A_953 : i32 to index
      %get3A_991 = arith.index_cast %add3A_989 : i32 to index
      %get3A_992 = tpu.vector_load %arg13[%get3A_990, %get3A_991] {strides = array<i32>} : memref<256x128xf32, #tpu.memory_space<vmem>>, vector<16xf32>,
      %mul3A_993 = arith.mulf %get3A_987, %get3A_992 : vector<16xf32>
      %add3A_994 = arith.addf %add3A_980, %mul3A_993 : vector<16xf32>
      %add3A_995 = arith.constant 0 : i32
      %add3A_996 = arith.addi %add3A_995, %add3A_953 : i32
      %add3A_997 = arith.constant 48 : i32
      %add3A_998 = arith.addi %squeeze3A_955, %add3A_997 : i32
      %get3A_999 = arith.index_cast %add3A_996 : i32 to index
      %get3A_1000 = arith.index_cast %add3A_998 : i32 to index
      %get3A_1001 = tpu.vector_load %arg12[%get3A_999, %get3A_1000] {strides = array<i32>} : memref<512x128xf32, #tpu.memory_space<vmem>>, vector<16xf32>,
      %add3A_1002 = arith.constant 48 : i32
      %add3A_1003 = arith.addi %squeeze3A_957, %add3A_1002 : i32
      %get3A_1004 = arith.index_cast %add3A_953 : i32 to index
      %get3A_1005 = arith.index_cast %add3A_1003 : i32 to index
      %get3A_1006 = tpu.vector_load %arg13[%get3A_1004, %get3A_1005] {strides = array<i32>} : memref<256x128xf32, #tpu.memory_space<vmem>>, vector<16xf32>,
      %mul3A_1007 = arith.mulf %get3A_1001, %get3A_1006 : vector<16xf32>
      %add3A_1008 = arith.addf %add3A_994, %mul3A_1007 : vector<16xf32>
      %swap3A_1009 = arith.constant 240 : index
      %swap3A_1010 = tpu.vector_load %arg16[%swap3A_1009] {strides = array<i32>} : memref<256xf32, #tpu.memory_space<vmem>>, vector<16xf32>,
      tpu.vector_store %arg16[%swap3A_1009], %add3A_1008 {strides = array<i32>} : memref<256xf32, #tpu.memory_space<vmem>>, vector<16xf32>,
      %get3A_1011 = arith.index_cast %add3A_34 : i32 to index
      %get3A_1012 = tpu.vector_load %arg14[%get3A_1011] {strides = array<i32>} : memref<512xf32, #tpu.memory_space<vmem>>, vector<16xf32>,
      %mul3A_1013 = arith.constant 16 : i32
      %mul3A_1014 = vector.broadcast %mul3A_1013 : i32 to vector<16xi32>
      %mul3A_1015 = arith.muli %iota3A, %mul3A_1014 : vector<16xi32>
      %add3A_1016 = arith.constant 0 : i32
      %add3A_1017 = vector.broadcast %add3A_1016 : i32 to vector<16xi32>
      %add3A_1018 = arith.addi %mul3A_1015, %add3A_1017 : vector<16xi32>
      %gather3A = tpu.vector_load_idx %arg16[%add3A_1018] : memref<256xf32, #tpu.memory_space<vmem>>[vector<16xi32>], vector<16xf32>,
      %add3A_1019 = arith.addf %get3A_1012, %gather3A : vector<16xf32>
      %mul3A_1020 = arith.constant 16 : i32
      %mul3A_1021 = vector.broadcast %mul3A_1020 : i32 to vector<16xi32>
      %mul3A_1022 = arith.muli %iota3A, %mul3A_1021 : vector<16xi32>
      %add3A_1023 = arith.constant 1 : i32
      %add3A_1024 = vector.broadcast %add3A_1023 : i32 to vector<16xi32>
      %add3A_1025 = arith.addi %mul3A_1022, %add3A_1024 : vector<16xi32>
      %gather3A_1026 = tpu.vector_load_idx %arg16[%add3A_1025] : memref<256xf32, #tpu.memory_space<vmem>>[vector<16xi32>], vector<16xf32>,
      %add3A_1027 = arith.addf %add3A_1019, %gather3A_1026 : vector<16xf32>
      %mul3A_1028 = arith.constant 16 : i32
      %mul3A_1029 = vector.broadcast %mul3A_1028 : i32 to vector<16xi32>
      %mul3A_1030 = arith.muli %iota3A, %mul3A_1029 : vector<16xi32>
      %add3A_1031 = arith.constant 2 : i32
      %add3A_1032 = vector.broadcast %add3A_1031 : i32 to vector<16xi32>
      %add3A_1033 = arith.addi %mul3A_1030, %add3A_1032 : vector<16xi32>
      %gather3A_1034 = tpu.vector_load_idx %arg16[%add3A_1033] : memref<256xf32, #tpu.memory_space<vmem>>[vector<16xi32>], vector<16xf32>,
      %add3A_1035 = arith.addf %add3A_1027, %gather3A_1034 : vector<16xf32>
      %mul3A_1036 = arith.constant 16 : i32
      %mul3A_1037 = vector.broadcast %mul3A_1036 : i32 to vector<16xi32>
      %mul3A_1038 = arith.muli %iota3A, %mul3A_1037 : vector<16xi32>
      %add3A_1039 = arith.constant 3 : i32
      %add3A_1040 = vector.broadcast %add3A_1039 : i32 to vector<16xi32>
      %add3A_1041 = arith.addi %mul3A_1038, %add3A_1040 : vector<16xi32>
      %gather3A_1042 = tpu.vector_load_idx %arg16[%add3A_1041] : memref<256xf32, #tpu.memory_space<vmem>>[vector<16xi32>], vector<16xf32>,
      %add3A_1043 = arith.addf %add3A_1035, %gather3A_1042 : vector<16xf32>
      %mul3A_1044 = arith.constant 16 : i32
      %mul3A_1045 = vector.broadcast %mul3A_1044 : i32 to vector<16xi32>
      %mul3A_1046 = arith.muli %iota3A, %mul3A_1045 : vector<16xi32>
      %add3A_1047 = arith.constant 4 : i32
      %add3A_1048 = vector.broadcast %add3A_1047 : i32 to vector<16xi32>
      %add3A_1049 = arith.addi %mul3A_1046, %add3A_1048 : vector<16xi32>
      %gather3A_1050 = tpu.vector_load_idx %arg16[%add3A_1049] : memref<256xf32, #tpu.memory_space<vmem>>[vector<16xi32>], vector<16xf32>,
      %add3A_1051 = arith.addf %add3A_1043, %gather3A_1050 : vector<16xf32>
      %mul3A_1052 = arith.constant 16 : i32
      %mul3A_1053 = vector.broadcast %mul3A_1052 : i32 to vector<16xi32>
      %mul3A_1054 = arith.muli %iota3A, %mul3A_1053 : vector<16xi32>
      %add3A_1055 = arith.constant 5 : i32
      %add3A_1056 = vector.broadcast %add3A_1055 : i32 to vector<16xi32>
      %add3A_1057 = arith.addi %mul3A_1054, %add3A_1056 : vector<16xi32>
      %gather3A_1058 = tpu.vector_load_idx %arg16[%add3A_1057] : memref<256xf32, #tpu.memory_space<vmem>>[vector<16xi32>], vector<16xf32>,
      %add3A_1059 = arith.addf %add3A_1051, %gather3A_1058 : vector<16xf32>
      %mul3A_1060 = arith.constant 16 : i32
      %mul3A_1061 = vector.broadcast %mul3A_1060 : i32 to vector<16xi32>
      %mul3A_1062 = arith.muli %iota3A, %mul3A_1061 : vector<16xi32>
      %add3A_1063 = arith.constant 6 : i32
      %add3A_1064 = vector.broadcast %add3A_1063 : i32 to vector<16xi32>
      %add3A_1065 = arith.addi %mul3A_1062, %add3A_1064 : vector<16xi32>
      %gather3A_1066 = tpu.vector_load_idx %arg16[%add3A_1065] : memref<256xf32, #tpu.memory_space<vmem>>[vector<16xi32>], vector<16xf32>,
      %add3A_1067 = arith.addf %add3A_1059, %gather3A_1066 : vector<16xf32>
      %mul3A_1068 = arith.constant 16 : i32
      %mul3A_1069 = vector.broadcast %mul3A_1068 : i32 to vector<16xi32>
      %mul3A_1070 = arith.muli %iota3A, %mul3A_1069 : vector<16xi32>
      %add3A_1071 = arith.constant 7 : i32
      %add3A_1072 = vector.broadcast %add3A_1071 : i32 to vector<16xi32>
      %add3A_1073 = arith.addi %mul3A_1070, %add3A_1072 : vector<16xi32>
      %gather3A_1074 = tpu.vector_load_idx %arg16[%add3A_1073] : memref<256xf32, #tpu.memory_space<vmem>>[vector<16xi32>], vector<16xf32>,
      %add3A_1075 = arith.addf %add3A_1067, %gather3A_1074 : vector<16xf32>
      %mul3A_1076 = arith.constant 16 : i32
      %mul3A_1077 = vector.broadcast %mul3A_1076 : i32 to vector<16xi32>
      %mul3A_1078 = arith.muli %iota3A, %mul3A_1077 : vector<16xi32>
      %add3A_1079 = arith.constant 8 : i32
      %add3A_1080 = vector.broadcast %add3A_1079 : i32 to vector<16xi32>
      %add3A_1081 = arith.addi %mul3A_1078, %add3A_1080 : vector<16xi32>
      %gather3A_1082 = tpu.vector_load_idx %arg16[%add3A_1081] : memref<256xf32, #tpu.memory_space<vmem>>[vector<16xi32>], vector<16xf32>,
      %add3A_1083 = arith.addf %add3A_1075, %gather3A_1082 : vector<16xf32>
      %mul3A_1084 = arith.constant 16 : i32
      %mul3A_1085 = vector.broadcast %mul3A_1084 : i32 to vector<16xi32>
      %mul3A_1086 = arith.muli %iota3A, %mul3A_1085 : vector<16xi32>
      %add3A_1087 = arith.constant 9 : i32
      %add3A_1088 = vector.broadcast %add3A_1087 : i32 to vector<16xi32>
      %add3A_1089 = arith.addi %mul3A_1086, %add3A_1088 : vector<16xi32>
      %gather3A_1090 = tpu.vector_load_idx %arg16[%add3A_1089] : memref<256xf32, #tpu.memory_space<vmem>>[vector<16xi32>], vector<16xf32>,
      %add3A_1091 = arith.addf %add3A_1083, %gather3A_1090 : vector<16xf32>
      %mul3A_1092 = arith.constant 16 : i32
      %mul3A_1093 = vector.broadcast %mul3A_1092 : i32 to vector<16xi32>
      %mul3A_1094 = arith.muli %iota3A, %mul3A_1093 : vector<16xi32>
      %add3A_1095 = arith.constant 10 : i32
      %add3A_1096 = vector.broadcast %add3A_1095 : i32 to vector<16xi32>
      %add3A_1097 = arith.addi %mul3A_1094, %add3A_1096 : vector<16xi32>
      %gather3A_1098 = tpu.vector_load_idx %arg16[%add3A_1097] : memref<256xf32, #tpu.memory_space<vmem>>[vector<16xi32>], vector<16xf32>,
      %add3A_1099 = arith.addf %add3A_1091, %gather3A_1098 : vector<16xf32>
      %mul3A_1100 = arith.constant 16 : i32
      %mul3A_1101 = vector.broadcast %mul3A_1100 : i32 to vector<16xi32>
      %mul3A_1102 = arith.muli %iota3A, %mul3A_1101 : vector<16xi32>
      %add3A_1103 = arith.constant 11 : i32
      %add3A_1104 = vector.broadcast %add3A_1103 : i32 to vector<16xi32>
      %add3A_1105 = arith.addi %mul3A_1102, %add3A_1104 : vector<16xi32>
      %gather3A_1106 = tpu.vector_load_idx %arg16[%add3A_1105] : memref<256xf32, #tpu.memory_space<vmem>>[vector<16xi32>], vector<16xf32>,
      %add3A_1107 = arith.addf %add3A_1099, %gather3A_1106 : vector<16xf32>
      %mul3A_1108 = arith.constant 16 : i32
      %mul3A_1109 = vector.broadcast %mul3A_1108 : i32 to vector<16xi32>
      %mul3A_1110 = arith.muli %iota3A, %mul3A_1109 : vector<16xi32>
      %add3A_1111 = arith.constant 12 : i32
      %add3A_1112 = vector.broadcast %add3A_1111 : i32 to vector<16xi32>
      %add3A_1113 = arith.addi %mul3A_1110, %add3A_1112 : vector<16xi32>
      %gather3A_1114 = tpu.vector_load_idx %arg16[%add3A_1113] : memref<256xf32, #tpu.memory_space<vmem>>[vector<16xi32>], vector<16xf32>,
      %add3A_1115 = arith.addf %add3A_1107, %gather3A_1114 : vector<16xf32>
      %mul3A_1116 = arith.constant 16 : i32
      %mul3A_1117 = vector.broadcast %mul3A_1116 : i32 to vector<16xi32>
      %mul3A_1118 = arith.muli %iota3A, %mul3A_1117 : vector<16xi32>
      %add3A_1119 = arith.constant 13 : i32
      %add3A_1120 = vector.broadcast %add3A_1119 : i32 to vector<16xi32>
      %add3A_1121 = arith.addi %mul3A_1118, %add3A_1120 : vector<16xi32>
      %gather3A_1122 = tpu.vector_load_idx %arg16[%add3A_1121] : memref<256xf32, #tpu.memory_space<vmem>>[vector<16xi32>], vector<16xf32>,
      %add3A_1123 = arith.addf %add3A_1115, %gather3A_1122 : vector<16xf32>
      %mul3A_1124 = arith.constant 16 : i32
      %mul3A_1125 = vector.broadcast %mul3A_1124 : i32 to vector<16xi32>
      %mul3A_1126 = arith.muli %iota3A, %mul3A_1125 : vector<16xi32>
      %add3A_1127 = arith.constant 14 : i32
      %add3A_1128 = vector.broadcast %add3A_1127 : i32 to vector<16xi32>
      %add3A_1129 = arith.addi %mul3A_1126, %add3A_1128 : vector<16xi32>
      %gather3A_1130 = tpu.vector_load_idx %arg16[%add3A_1129] : memref<256xf32, #tpu.memory_space<vmem>>[vector<16xi32>], vector<16xf32>,
      %add3A_1131 = arith.addf %add3A_1123, %gather3A_1130 : vector<16xf32>
      %mul3A_1132 = arith.constant 16 : i32
      %mul3A_1133 = vector.broadcast %mul3A_1132 : i32 to vector<16xi32>
      %mul3A_1134 = arith.muli %iota3A, %mul3A_1133 : vector<16xi32>
      %add3A_1135 = arith.constant 15 : i32
      %add3A_1136 = vector.broadcast %add3A_1135 : i32 to vector<16xi32>
      %add3A_1137 = arith.addi %mul3A_1134, %add3A_1136 : vector<16xi32>
      %gather3A_1138 = tpu.vector_load_idx %arg16[%add3A_1137] : memref<256xf32, #tpu.memory_space<vmem>>[vector<16xi32>], vector<16xf32>,
      %add3A_1139 = arith.addf %add3A_1131, %gather3A_1138 : vector<16xf32>
      %swap3A_1140 = arith.index_cast %add3A_34 : i32 to index
      %swap3A_1141 = tpu.vector_load %arg15[%swap3A_1140] {strides = array<i32>} : memref<512xf32, #tpu.memory_space<vmem>>, vector<16xf32>,
      tpu.vector_store %arg15[%swap3A_1140], %add3A_1139 {strides = array<i32>} : memref<512xf32, #tpu.memory_space<vmem>>, vector<16xf32>,
    }
    %scan3A_14 = arith.constant 16 : i32
    %dma_start3A_15 = arith.constant 256 : i32
    %dma_start3A_16 = tpu.memref_slice %arg9[%dma_start3A_15] : memref<512xi32, #tpu.memory_space<vmem>> -> memref<256xi32, #tpu.memory_space<vmem>>
    %dma_start3A_17 = arith.constant 0 : i32
    %dma_start3A_18 = arith.constant 0 : i32
    %dma_start3A_19 = tpu.memref_slice %arg5[%dma_start3A_17, %dma_start3A_18] : memref<512000x128xf32, #tpu.memory_space<hbm>> -> memref<512000x128xf32, #tpu.memory_space<hbm>>
    tpu.enqueue_indirect_dma source(%dma_start3A_19 : memref<512000x128xf32, #tpu.memory_space<hbm>>) target(%arg13 : memref<256x128xf32, #tpu.memory_space<vmem>>) offsets(%dma_start3A_16 : memref<256xi32, #tpu.memory_space<vmem>>) semaphore(%arg17 : memref<!tpu.dma_semaphore, #tpu.memory_space<semaphore_mem>>)
    %dma_wait3A_20 = arith.constant 256 : i32
    %dma_wait3A_21 = tpu.memref_slice %arg9[%dma_wait3A_20] : memref<512xi32, #tpu.memory_space<vmem>> -> memref<256xi32, #tpu.memory_space<vmem>>
    %dma_wait3A_22 = arith.constant 0 : i32
    %dma_wait3A_23 = arith.constant 0 : i32
    %dma_wait3A_24 = tpu.memref_slice %arg5[%dma_wait3A_22, %dma_wait3A_23] : memref<512000x128xf32, #tpu.memory_space<hbm>> -> memref<512000x128xf32, #tpu.memory_space<hbm>>
    tpu.wait_indirect_dma semaphore(%arg17 : memref<!tpu.dma_semaphore, #tpu.memory_space<semaphore_mem>>) src(%dma_wait3A_24 : memref<512000x128xf32, #tpu.memory_space<hbm>>) dst(%arg13 : memref<256x128xf32, #tpu.memory_space<vmem>>)
    %scan3A_25 = arith.constant 0 : i32
    %scan3A_26 = arith.constant 16 : i32
    %scan3A_27 = arith.addi %scan3A_25, %scan3A_26 : i32
    %scan3A_28 = arith.constant 1 : i32
    scf.for %scan3A_30 = %scan3A_25 to %scan3A_27 step %scan3A_28  : i32 {
      %mul3A_31 = arith.constant 16 : i32
      %mul3A_32 = arith.muli %scan3A_30, %mul3A_31 : i32
      %add3A_33 = arith.constant 256 : i32
      %add3A_34 = arith.addi %add3A_33, %mul3A_32 : i32
      %get3A = arith.index_cast %add3A_34 : i32 to index
      %get3A_35 = tpu.vector_load %arg10[%get3A] {strides = array<i32>} : memref<512xi32, #tpu.memory_space<vmem>>, vector<16xi32>,
      %get3A_36 = arith.index_cast %add3A_34 : i32 to index
      %get3A_37 = tpu.vector_load %arg11[%get3A_36] {strides = array<i32>} : memref<512xi32, #tpu.memory_space<vmem>>, vector<16xi32>,
      %mul3A_38 = arith.constant 16 : i32
      %mul3A_39 = arith.muli %scan3A_30, %mul3A_38 : i32
      %add3A_40 = arith.constant 0 : i32
      %add3A_41 = arith.addi %mul3A_39, %add3A_40 : i32
      %slice3A = vector.extract_strided_slice %get3A_35 {offsets = [0], sizes = [1], strides = [1]} : vector<16xi32> to vector<1xi32>
      %squeeze3A = vector.extract %slice3A[0] : i32 from vector<1xi32>
      %slice3A_42 = vector.extract_strided_slice %get3A_37 {offsets = [0], sizes = [1], strides = [1]} : vector<16xi32> to vector<1xi32>
      %squeeze3A_43 = vector.extract %slice3A_42[0] : i32 from vector<1xi32>
      %add3A_44 = arith.constant 256 : i32
      %add3A_45 = arith.addi %add3A_44, %add3A_41 : i32
      %get3A_46 = arith.index_cast %add3A_45 : i32 to index
      %get3A_47 = arith.index_cast %squeeze3A : i32 to index
      %get3A_48 = tpu.vector_load %arg12[%get3A_46, %get3A_47] {strides = array<i32>} : memref<512x128xf32, #tpu.memory_space<vmem>>, vector<16xf32>,
      %get3A_49 = arith.index_cast %add3A_41 : i32 to index
      %get3A_50 = arith.index_cast %squeeze3A_43 : i32 to index
      %get3A_51 = tpu.vector_load %arg13[%get3A_49, %get3A_50] {strides = array<i32>} : memref<256x128xf32, #tpu.memory_space<vmem>>, vector<16xf32>,
      %mul3A_52 = arith.mulf %get3A_48, %get3A_51 : vector<16xf32>
      %add3A_53 = arith.constant 256 : i32
      %add3A_54 = arith.addi %add3A_53, %add3A_41 : i32
      %add3A_55 = arith.constant 16 : i32
      %add3A_56 = arith.addi %squeeze3A, %add3A_55 : i32
      %get3A_57 = arith.index_cast %add3A_54 : i32 to index
      %get3A_58 = arith.index_cast %add3A_56 : i32 to index
      %get3A_59 = tpu.vector_load %arg12[%get3A_57, %get3A_58] {strides = array<i32>} : memref<512x128xf32, #tpu.memory_space<vmem>>, vector<16xf32>,
      %add3A_60 = arith.constant 16 : i32
      %add3A_61 = arith.addi %squeeze3A_43, %add3A_60 : i32
      %get3A_62 = arith.index_cast %add3A_41 : i32 to index
      %get3A_63 = arith.index_cast %add3A_61 : i32 to index
      %get3A_64 = tpu.vector_load %arg13[%get3A_62, %get3A_63] {strides = array<i32>} : memref<256x128xf32, #tpu.memory_space<vmem>>, vector<16xf32>,
      %mul3A_65 = arith.mulf %get3A_59, %get3A_64 : vector<16xf32>
      %add3A_66 = arith.addf %mul3A_52, %mul3A_65 : vector<16xf32>
      %add3A_67 = arith.constant 256 : i32
      %add3A_68 = arith.addi %add3A_67, %add3A_41 : i32
      %add3A_69 = arith.constant 32 : i32
      %add3A_70 = arith.addi %squeeze3A, %add3A_69 : i32
      %get3A_71 = arith.index_cast %add3A_68 : i32 to index
      %get3A_72 = arith.index_cast %add3A_70 : i32 to index
      %get3A_73 = tpu.vector_load %arg12[%get3A_71, %get3A_72] {strides = array<i32>} : memref<512x128xf32, #tpu.memory_space<vmem>>, vector<16xf32>,
      %add3A_74 = arith.constant 32 : i32
      %add3A_75 = arith.addi %squeeze3A_43, %add3A_74 : i32
      %get3A_76 = arith.index_cast %add3A_41 : i32 to index
      %get3A_77 = arith.index_cast %add3A_75 : i32 to index
      %get3A_78 = tpu.vector_load %arg13[%get3A_76, %get3A_77] {strides = array<i32>} : memref<256x128xf32, #tpu.memory_space<vmem>>, vector<16xf32>,
      %mul3A_79 = arith.mulf %get3A_73, %get3A_78 : vector<16xf32>
      %add3A_80 = arith.addf %add3A_66, %mul3A_79 : vector<16xf32>
      %add3A_81 = arith.constant 256 : i32
      %add3A_82 = arith.addi %add3A_81, %add3A_41 : i32
      %add3A_83 = arith.constant 48 : i32
      %add3A_84 = arith.addi %squeeze3A, %add3A_83 : i32
      %get3A_85 = arith.index_cast %add3A_82 : i32 to index
      %get3A_86 = arith.index_cast %add3A_84 : i32 to index
      %get3A_87 = tpu.vector_load %arg12[%get3A_85, %get3A_86] {strides = array<i32>} : memref<512x128xf32, #tpu.memory_space<vmem>>, vector<16xf32>,
      %add3A_88 = arith.constant 48 : i32
      %add3A_89 = arith.addi %squeeze3A_43, %add3A_88 : i32
      %get3A_90 = arith.index_cast %add3A_41 : i32 to index
      %get3A_91 = arith.index_cast %add3A_89 : i32 to index
      %get3A_92 = tpu.vector_load %arg13[%get3A_90, %get3A_91] {strides = array<i32>} : memref<256x128xf32, #tpu.memory_space<vmem>>, vector<16xf32>,
      %mul3A_93 = arith.mulf %get3A_87, %get3A_92 : vector<16xf32>
      %add3A_94 = arith.addf %add3A_80, %mul3A_93 : vector<16xf32>
      %swap3A = arith.constant 0 : index
      %swap3A_95 = tpu.vector_load %arg16[%swap3A] {strides = array<i32>} : memref<256xf32, #tpu.memory_space<vmem>>, vector<16xf32>,
      tpu.vector_store %arg16[%swap3A], %add3A_94 {strides = array<i32>} : memref<256xf32, #tpu.memory_space<vmem>>, vector<16xf32>,
      %mul3A_96 = arith.constant 16 : i32
      %mul3A_97 = arith.muli %scan3A_30, %mul3A_96 : i32
      %add3A_98 = arith.constant 1 : i32
      %add3A_99 = arith.addi %mul3A_97, %add3A_98 : i32
      %slice3A_100 = vector.extract_strided_slice %get3A_35 {offsets = [1], sizes = [1], strides = [1]} : vector<16xi32> to vector<1xi32>
      %squeeze3A_101 = vector.extract %slice3A_100[0] : i32 from vector<1xi32>
      %slice3A_102 = vector.extract_strided_slice %get3A_37 {offsets = [1], sizes = [1], strides = [1]} : vector<16xi32> to vector<1xi32>
      %squeeze3A_103 = vector.extract %slice3A_102[0] : i32 from vector<1xi32>
      %add3A_104 = arith.constant 256 : i32
      %add3A_105 = arith.addi %add3A_104, %add3A_99 : i32
      %get3A_106 = arith.index_cast %add3A_105 : i32 to index
      %get3A_107 = arith.index_cast %squeeze3A_101 : i32 to index
      %get3A_108 = tpu.vector_load %arg12[%get3A_106, %get3A_107] {strides = array<i32>} : memref<512x128xf32, #tpu.memory_space<vmem>>, vector<16xf32>,
      %get3A_109 = arith.index_cast %add3A_99 : i32 to index
      %get3A_110 = arith.index_cast %squeeze3A_103 : i32 to index
      %get3A_111 = tpu.vector_load %arg13[%get3A_109, %get3A_110] {strides = array<i32>} : memref<256x128xf32, #tpu.memory_space<vmem>>, vector<16xf32>,
      %mul3A_112 = arith.mulf %get3A_108, %get3A_111 : vector<16xf32>
      %add3A_113 = arith.constant 256 : i32
      %add3A_114 = arith.addi %add3A_113, %add3A_99 : i32
      %add3A_115 = arith.constant 16 : i32
      %add3A_116 = arith.addi %squeeze3A_101, %add3A_115 : i32
      %get3A_117 = arith.index_cast %add3A_114 : i32 to index
      %get3A_118 = arith.index_cast %add3A_116 : i32 to index
      %get3A_119 = tpu.vector_load %arg12[%get3A_117, %get3A_118] {strides = array<i32>} : memref<512x128xf32, #tpu.memory_space<vmem>>, vector<16xf32>,
      %add3A_120 = arith.constant 16 : i32
      %add3A_121 = arith.addi %squeeze3A_103, %add3A_120 : i32
      %get3A_122 = arith.index_cast %add3A_99 : i32 to index
      %get3A_123 = arith.index_cast %add3A_121 : i32 to index
      %get3A_124 = tpu.vector_load %arg13[%get3A_122, %get3A_123] {strides = array<i32>} : memref<256x128xf32, #tpu.memory_space<vmem>>, vector<16xf32>,
      %mul3A_125 = arith.mulf %get3A_119, %get3A_124 : vector<16xf32>
      %add3A_126 = arith.addf %mul3A_112, %mul3A_125 : vector<16xf32>
      %add3A_127 = arith.constant 256 : i32
      %add3A_128 = arith.addi %add3A_127, %add3A_99 : i32
      %add3A_129 = arith.constant 32 : i32
      %add3A_130 = arith.addi %squeeze3A_101, %add3A_129 : i32
      %get3A_131 = arith.index_cast %add3A_128 : i32 to index
      %get3A_132 = arith.index_cast %add3A_130 : i32 to index
      %get3A_133 = tpu.vector_load %arg12[%get3A_131, %get3A_132] {strides = array<i32>} : memref<512x128xf32, #tpu.memory_space<vmem>>, vector<16xf32>,
      %add3A_134 = arith.constant 32 : i32
      %add3A_135 = arith.addi %squeeze3A_103, %add3A_134 : i32
      %get3A_136 = arith.index_cast %add3A_99 : i32 to index
      %get3A_137 = arith.index_cast %add3A_135 : i32 to index
      %get3A_138 = tpu.vector_load %arg13[%get3A_136, %get3A_137] {strides = array<i32>} : memref<256x128xf32, #tpu.memory_space<vmem>>, vector<16xf32>,
      %mul3A_139 = arith.mulf %get3A_133, %get3A_138 : vector<16xf32>
      %add3A_140 = arith.addf %add3A_126, %mul3A_139 : vector<16xf32>
      %add3A_141 = arith.constant 256 : i32
      %add3A_142 = arith.addi %add3A_141, %add3A_99 : i32
      %add3A_143 = arith.constant 48 : i32
      %add3A_144 = arith.addi %squeeze3A_101, %add3A_143 : i32
      %get3A_145 = arith.index_cast %add3A_142 : i32 to index
      %get3A_146 = arith.index_cast %add3A_144 : i32 to index
      %get3A_147 = tpu.vector_load %arg12[%get3A_145, %get3A_146] {strides = array<i32>} : memref<512x128xf32, #tpu.memory_space<vmem>>, vector<16xf32>,
      %add3A_148 = arith.constant 48 : i32
      %add3A_149 = arith.addi %squeeze3A_103, %add3A_148 : i32
      %get3A_150 = arith.index_cast %add3A_99 : i32 to index
      %get3A_151 = arith.index_cast %add3A_149 : i32 to index
      %get3A_152 = tpu.vector_load %arg13[%get3A_150, %get3A_151] {strides = array<i32>} : memref<256x128xf32, #tpu.memory_space<vmem>>, vector<16xf32>,
      %mul3A_153 = arith.mulf %get3A_147, %get3A_152 : vector<16xf32>
      %add3A_154 = arith.addf %add3A_140, %mul3A_153 : vector<16xf32>
      %swap3A_155 = arith.constant 16 : index
      %swap3A_156 = tpu.vector_load %arg16[%swap3A_155] {strides = array<i32>} : memref<256xf32, #tpu.memory_space<vmem>>, vector<16xf32>,
      tpu.vector_store %arg16[%swap3A_155], %add3A_154 {strides = array<i32>} : memref<256xf32, #tpu.memory_space<vmem>>, vector<16xf32>,
      %mul3A_157 = arith.constant 16 : i32
      %mul3A_158 = arith.muli %scan3A_30, %mul3A_157 : i32
      %add3A_159 = arith.constant 2 : i32
      %add3A_160 = arith.addi %mul3A_158, %add3A_159 : i32
      %slice3A_161 = vector.extract_strided_slice %get3A_35 {offsets = [2], sizes = [1], strides = [1]} : vector<16xi32> to vector<1xi32>
      %squeeze3A_162 = vector.extract %slice3A_161[0] : i32 from vector<1xi32>
      %slice3A_163 = vector.extract_strided_slice %get3A_37 {offsets = [2], sizes = [1], strides = [1]} : vector<16xi32> to vector<1xi32>
      %squeeze3A_164 = vector.extract %slice3A_163[0] : i32 from vector<1xi32>
      %add3A_165 = arith.constant 256 : i32
      %add3A_166 = arith.addi %add3A_165, %add3A_160 : i32
      %get3A_167 = arith.index_cast %add3A_166 : i32 to index
      %get3A_168 = arith.index_cast %squeeze3A_162 : i32 to index
      %get3A_169 = tpu.vector_load %arg12[%get3A_167, %get3A_168] {strides = array<i32>} : memref<512x128xf32, #tpu.memory_space<vmem>>, vector<16xf32>,
      %get3A_170 = arith.index_cast %add3A_160 : i32 to index
      %get3A_171 = arith.index_cast %squeeze3A_164 : i32 to index
      %get3A_172 = tpu.vector_load %arg13[%get3A_170, %get3A_171] {strides = array<i32>} : memref<256x128xf32, #tpu.memory_space<vmem>>, vector<16xf32>,
      %mul3A_173 = arith.mulf %get3A_169, %get3A_172 : vector<16xf32>
      %add3A_174 = arith.constant 256 : i32
      %add3A_175 = arith.addi %add3A_174, %add3A_160 : i32
      %add3A_176 = arith.constant 16 : i32
      %add3A_177 = arith.addi %squeeze3A_162, %add3A_176 : i32
      %get3A_178 = arith.index_cast %add3A_175 : i32 to index
      %get3A_179 = arith.index_cast %add3A_177 : i32 to index
      %get3A_180 = tpu.vector_load %arg12[%get3A_178, %get3A_179] {strides = array<i32>} : memref<512x128xf32, #tpu.memory_space<vmem>>, vector<16xf32>,
      %add3A_181 = arith.constant 16 : i32
      %add3A_182 = arith.addi %squeeze3A_164, %add3A_181 : i32
      %get3A_183 = arith.index_cast %add3A_160 : i32 to index
      %get3A_184 = arith.index_cast %add3A_182 : i32 to index
      %get3A_185 = tpu.vector_load %arg13[%get3A_183, %get3A_184] {strides = array<i32>} : memref<256x128xf32, #tpu.memory_space<vmem>>, vector<16xf32>,
      %mul3A_186 = arith.mulf %get3A_180, %get3A_185 : vector<16xf32>
      %add3A_187 = arith.addf %mul3A_173, %mul3A_186 : vector<16xf32>
      %add3A_188 = arith.constant 256 : i32
      %add3A_189 = arith.addi %add3A_188, %add3A_160 : i32
      %add3A_190 = arith.constant 32 : i32
      %add3A_191 = arith.addi %squeeze3A_162, %add3A_190 : i32
      %get3A_192 = arith.index_cast %add3A_189 : i32 to index
      %get3A_193 = arith.index_cast %add3A_191 : i32 to index
      %get3A_194 = tpu.vector_load %arg12[%get3A_192, %get3A_193] {strides = array<i32>} : memref<512x128xf32, #tpu.memory_space<vmem>>, vector<16xf32>,
      %add3A_195 = arith.constant 32 : i32
      %add3A_196 = arith.addi %squeeze3A_164, %add3A_195 : i32
      %get3A_197 = arith.index_cast %add3A_160 : i32 to index
      %get3A_198 = arith.index_cast %add3A_196 : i32 to index
      %get3A_199 = tpu.vector_load %arg13[%get3A_197, %get3A_198] {strides = array<i32>} : memref<256x128xf32, #tpu.memory_space<vmem>>, vector<16xf32>,
      %mul3A_200 = arith.mulf %get3A_194, %get3A_199 : vector<16xf32>
      %add3A_201 = arith.addf %add3A_187, %mul3A_200 : vector<16xf32>
      %add3A_202 = arith.constant 256 : i32
      %add3A_203 = arith.addi %add3A_202, %add3A_160 : i32
      %add3A_204 = arith.constant 48 : i32
      %add3A_205 = arith.addi %squeeze3A_162, %add3A_204 : i32
      %get3A_206 = arith.index_cast %add3A_203 : i32 to index
      %get3A_207 = arith.index_cast %add3A_205 : i32 to index
      %get3A_208 = tpu.vector_load %arg12[%get3A_206, %get3A_207] {strides = array<i32>} : memref<512x128xf32, #tpu.memory_space<vmem>>, vector<16xf32>,
      %add3A_209 = arith.constant 48 : i32
      %add3A_210 = arith.addi %squeeze3A_164, %add3A_209 : i32
      %get3A_211 = arith.index_cast %add3A_160 : i32 to index
      %get3A_212 = arith.index_cast %add3A_210 : i32 to index
      %get3A_213 = tpu.vector_load %arg13[%get3A_211, %get3A_212] {strides = array<i32>} : memref<256x128xf32, #tpu.memory_space<vmem>>, vector<16xf32>,
      %mul3A_214 = arith.mulf %get3A_208, %get3A_213 : vector<16xf32>
      %add3A_215 = arith.addf %add3A_201, %mul3A_214 : vector<16xf32>
      %swap3A_216 = arith.constant 32 : index
      %swap3A_217 = tpu.vector_load %arg16[%swap3A_216] {strides = array<i32>} : memref<256xf32, #tpu.memory_space<vmem>>, vector<16xf32>,
      tpu.vector_store %arg16[%swap3A_216], %add3A_215 {strides = array<i32>} : memref<256xf32, #tpu.memory_space<vmem>>, vector<16xf32>,
      %mul3A_218 = arith.constant 16 : i32
      %mul3A_219 = arith.muli %scan3A_30, %mul3A_218 : i32
      %add3A_220 = arith.constant 3 : i32
      %add3A_221 = arith.addi %mul3A_219, %add3A_220 : i32
      %slice3A_222 = vector.extract_strided_slice %get3A_35 {offsets = [3], sizes = [1], strides = [1]} : vector<16xi32> to vector<1xi32>
      %squeeze3A_223 = vector.extract %slice3A_222[0] : i32 from vector<1xi32>
      %slice3A_224 = vector.extract_strided_slice %get3A_37 {offsets = [3], sizes = [1], strides = [1]} : vector<16xi32> to vector<1xi32>
      %squeeze3A_225 = vector.extract %slice3A_224[0] : i32 from vector<1xi32>
      %add3A_226 = arith.constant 256 : i32
      %add3A_227 = arith.addi %add3A_226, %add3A_221 : i32
      %get3A_228 = arith.index_cast %add3A_227 : i32 to index
      %get3A_229 = arith.index_cast %squeeze3A_223 : i32 to index
      %get3A_230 = tpu.vector_load %arg12[%get3A_228, %get3A_229] {strides = array<i32>} : memref<512x128xf32, #tpu.memory_space<vmem>>, vector<16xf32>,
      %get3A_231 = arith.index_cast %add3A_221 : i32 to index
      %get3A_232 = arith.index_cast %squeeze3A_225 : i32 to index
      %get3A_233 = tpu.vector_load %arg13[%get3A_231, %get3A_232] {strides = array<i32>} : memref<256x128xf32, #tpu.memory_space<vmem>>, vector<16xf32>,
      %mul3A_234 = arith.mulf %get3A_230, %get3A_233 : vector<16xf32>
      %add3A_235 = arith.constant 256 : i32
      %add3A_236 = arith.addi %add3A_235, %add3A_221 : i32
      %add3A_237 = arith.constant 16 : i32
      %add3A_238 = arith.addi %squeeze3A_223, %add3A_237 : i32
      %get3A_239 = arith.index_cast %add3A_236 : i32 to index
      %get3A_240 = arith.index_cast %add3A_238 : i32 to index
      %get3A_241 = tpu.vector_load %arg12[%get3A_239, %get3A_240] {strides = array<i32>} : memref<512x128xf32, #tpu.memory_space<vmem>>, vector<16xf32>,
      %add3A_242 = arith.constant 16 : i32
      %add3A_243 = arith.addi %squeeze3A_225, %add3A_242 : i32
      %get3A_244 = arith.index_cast %add3A_221 : i32 to index
      %get3A_245 = arith.index_cast %add3A_243 : i32 to index
      %get3A_246 = tpu.vector_load %arg13[%get3A_244, %get3A_245] {strides = array<i32>} : memref<256x128xf32, #tpu.memory_space<vmem>>, vector<16xf32>,
      %mul3A_247 = arith.mulf %get3A_241, %get3A_246 : vector<16xf32>
      %add3A_248 = arith.addf %mul3A_234, %mul3A_247 : vector<16xf32>
      %add3A_249 = arith.constant 256 : i32
      %add3A_250 = arith.addi %add3A_249, %add3A_221 : i32
      %add3A_251 = arith.constant 32 : i32
      %add3A_252 = arith.addi %squeeze3A_223, %add3A_251 : i32
      %get3A_253 = arith.index_cast %add3A_250 : i32 to index
      %get3A_254 = arith.index_cast %add3A_252 : i32 to index
      %get3A_255 = tpu.vector_load %arg12[%get3A_253, %get3A_254] {strides = array<i32>} : memref<512x128xf32, #tpu.memory_space<vmem>>, vector<16xf32>,
      %add3A_256 = arith.constant 32 : i32
      %add3A_257 = arith.addi %squeeze3A_225, %add3A_256 : i32
      %get3A_258 = arith.index_cast %add3A_221 : i32 to index
      %get3A_259 = arith.index_cast %add3A_257 : i32 to index
      %get3A_260 = tpu.vector_load %arg13[%get3A_258, %get3A_259] {strides = array<i32>} : memref<256x128xf32, #tpu.memory_space<vmem>>, vector<16xf32>,
      %mul3A_261 = arith.mulf %get3A_255, %get3A_260 : vector<16xf32>
      %add3A_262 = arith.addf %add3A_248, %mul3A_261 : vector<16xf32>
      %add3A_263 = arith.constant 256 : i32
      %add3A_264 = arith.addi %add3A_263, %add3A_221 : i32
      %add3A_265 = arith.constant 48 : i32
      %add3A_266 = arith.addi %squeeze3A_223, %add3A_265 : i32
      %get3A_267 = arith.index_cast %add3A_264 : i32 to index
      %get3A_268 = arith.index_cast %add3A_266 : i32 to index
      %get3A_269 = tpu.vector_load %arg12[%get3A_267, %get3A_268] {strides = array<i32>} : memref<512x128xf32, #tpu.memory_space<vmem>>, vector<16xf32>,
      %add3A_270 = arith.constant 48 : i32
      %add3A_271 = arith.addi %squeeze3A_225, %add3A_270 : i32
      %get3A_272 = arith.index_cast %add3A_221 : i32 to index
      %get3A_273 = arith.index_cast %add3A_271 : i32 to index
      %get3A_274 = tpu.vector_load %arg13[%get3A_272, %get3A_273] {strides = array<i32>} : memref<256x128xf32, #tpu.memory_space<vmem>>, vector<16xf32>,
      %mul3A_275 = arith.mulf %get3A_269, %get3A_274 : vector<16xf32>
      %add3A_276 = arith.addf %add3A_262, %mul3A_275 : vector<16xf32>
      %swap3A_277 = arith.constant 48 : index
      %swap3A_278 = tpu.vector_load %arg16[%swap3A_277] {strides = array<i32>} : memref<256xf32, #tpu.memory_space<vmem>>, vector<16xf32>,
      tpu.vector_store %arg16[%swap3A_277], %add3A_276 {strides = array<i32>} : memref<256xf32, #tpu.memory_space<vmem>>, vector<16xf32>,
      %mul3A_279 = arith.constant 16 : i32
      %mul3A_280 = arith.muli %scan3A_30, %mul3A_279 : i32
      %add3A_281 = arith.constant 4 : i32
      %add3A_282 = arith.addi %mul3A_280, %add3A_281 : i32
      %slice3A_283 = vector.extract_strided_slice %get3A_35 {offsets = [4], sizes = [1], strides = [1]} : vector<16xi32> to vector<1xi32>
      %squeeze3A_284 = vector.extract %slice3A_283[0] : i32 from vector<1xi32>
      %slice3A_285 = vector.extract_strided_slice %get3A_37 {offsets = [4], sizes = [1], strides = [1]} : vector<16xi32> to vector<1xi32>
      %squeeze3A_286 = vector.extract %slice3A_285[0] : i32 from vector<1xi32>
      %add3A_287 = arith.constant 256 : i32
      %add3A_288 = arith.addi %add3A_287, %add3A_282 : i32
      %get3A_289 = arith.index_cast %add3A_288 : i32 to index
      %get3A_290 = arith.index_cast %squeeze3A_284 : i32 to index
      %get3A_291 = tpu.vector_load %arg12[%get3A_289, %get3A_290] {strides = array<i32>} : memref<512x128xf32, #tpu.memory_space<vmem>>, vector<16xf32>,
      %get3A_292 = arith.index_cast %add3A_282 : i32 to index
      %get3A_293 = arith.index_cast %squeeze3A_286 : i32 to index
      %get3A_294 = tpu.vector_load %arg13[%get3A_292, %get3A_293] {strides = array<i32>} : memref<256x128xf32, #tpu.memory_space<vmem>>, vector<16xf32>,
      %mul3A_295 = arith.mulf %get3A_291, %get3A_294 : vector<16xf32>
      %add3A_296 = arith.constant 256 : i32
      %add3A_297 = arith.addi %add3A_296, %add3A_282 : i32
      %add3A_298 = arith.constant 16 : i32
      %add3A_299 = arith.addi %squeeze3A_284, %add3A_298 : i32
      %get3A_300 = arith.index_cast %add3A_297 : i32 to index
      %get3A_301 = arith.index_cast %add3A_299 : i32 to index
      %get3A_302 = tpu.vector_load %arg12[%get3A_300, %get3A_301] {strides = array<i32>} : memref<512x128xf32, #tpu.memory_space<vmem>>, vector<16xf32>,
      %add3A_303 = arith.constant 16 : i32
      %add3A_304 = arith.addi %squeeze3A_286, %add3A_303 : i32
      %get3A_305 = arith.index_cast %add3A_282 : i32 to index
      %get3A_306 = arith.index_cast %add3A_304 : i32 to index
      %get3A_307 = tpu.vector_load %arg13[%get3A_305, %get3A_306] {strides = array<i32>} : memref<256x128xf32, #tpu.memory_space<vmem>>, vector<16xf32>,
      %mul3A_308 = arith.mulf %get3A_302, %get3A_307 : vector<16xf32>
      %add3A_309 = arith.addf %mul3A_295, %mul3A_308 : vector<16xf32>
      %add3A_310 = arith.constant 256 : i32
      %add3A_311 = arith.addi %add3A_310, %add3A_282 : i32
      %add3A_312 = arith.constant 32 : i32
      %add3A_313 = arith.addi %squeeze3A_284, %add3A_312 : i32
      %get3A_314 = arith.index_cast %add3A_311 : i32 to index
      %get3A_315 = arith.index_cast %add3A_313 : i32 to index
      %get3A_316 = tpu.vector_load %arg12[%get3A_314, %get3A_315] {strides = array<i32>} : memref<512x128xf32, #tpu.memory_space<vmem>>, vector<16xf32>,
      %add3A_317 = arith.constant 32 : i32
      %add3A_318 = arith.addi %squeeze3A_286, %add3A_317 : i32
      %get3A_319 = arith.index_cast %add3A_282 : i32 to index
      %get3A_320 = arith.index_cast %add3A_318 : i32 to index
      %get3A_321 = tpu.vector_load %arg13[%get3A_319, %get3A_320] {strides = array<i32>} : memref<256x128xf32, #tpu.memory_space<vmem>>, vector<16xf32>,
      %mul3A_322 = arith.mulf %get3A_316, %get3A_321 : vector<16xf32>
      %add3A_323 = arith.addf %add3A_309, %mul3A_322 : vector<16xf32>
      %add3A_324 = arith.constant 256 : i32
      %add3A_325 = arith.addi %add3A_324, %add3A_282 : i32
      %add3A_326 = arith.constant 48 : i32
      %add3A_327 = arith.addi %squeeze3A_284, %add3A_326 : i32
      %get3A_328 = arith.index_cast %add3A_325 : i32 to index
      %get3A_329 = arith.index_cast %add3A_327 : i32 to index
      %get3A_330 = tpu.vector_load %arg12[%get3A_328, %get3A_329] {strides = array<i32>} : memref<512x128xf32, #tpu.memory_space<vmem>>, vector<16xf32>,
      %add3A_331 = arith.constant 48 : i32
      %add3A_332 = arith.addi %squeeze3A_286, %add3A_331 : i32
      %get3A_333 = arith.index_cast %add3A_282 : i32 to index
      %get3A_334 = arith.index_cast %add3A_332 : i32 to index
      %get3A_335 = tpu.vector_load %arg13[%get3A_333, %get3A_334] {strides = array<i32>} : memref<256x128xf32, #tpu.memory_space<vmem>>, vector<16xf32>,
      %mul3A_336 = arith.mulf %get3A_330, %get3A_335 : vector<16xf32>
      %add3A_337 = arith.addf %add3A_323, %mul3A_336 : vector<16xf32>
      %swap3A_338 = arith.constant 64 : index
      %swap3A_339 = tpu.vector_load %arg16[%swap3A_338] {strides = array<i32>} : memref<256xf32, #tpu.memory_space<vmem>>, vector<16xf32>,
      tpu.vector_store %arg16[%swap3A_338], %add3A_337 {strides = array<i32>} : memref<256xf32, #tpu.memory_space<vmem>>, vector<16xf32>,
      %mul3A_340 = arith.constant 16 : i32
      %mul3A_341 = arith.muli %scan3A_30, %mul3A_340 : i32
      %add3A_342 = arith.constant 5 : i32
      %add3A_343 = arith.addi %mul3A_341, %add3A_342 : i32
      %slice3A_344 = vector.extract_strided_slice %get3A_35 {offsets = [5], sizes = [1], strides = [1]} : vector<16xi32> to vector<1xi32>
      %squeeze3A_345 = vector.extract %slice3A_344[0] : i32 from vector<1xi32>
      %slice3A_346 = vector.extract_strided_slice %get3A_37 {offsets = [5], sizes = [1], strides = [1]} : vector<16xi32> to vector<1xi32>
      %squeeze3A_347 = vector.extract %slice3A_346[0] : i32 from vector<1xi32>
      %add3A_348 = arith.constant 256 : i32
      %add3A_349 = arith.addi %add3A_348, %add3A_343 : i32
      %get3A_350 = arith.index_cast %add3A_349 : i32 to index
      %get3A_351 = arith.index_cast %squeeze3A_345 : i32 to index
      %get3A_352 = tpu.vector_load %arg12[%get3A_350, %get3A_351] {strides = array<i32>} : memref<512x128xf32, #tpu.memory_space<vmem>>, vector<16xf32>,
      %get3A_353 = arith.index_cast %add3A_343 : i32 to index
      %get3A_354 = arith.index_cast %squeeze3A_347 : i32 to index
      %get3A_355 = tpu.vector_load %arg13[%get3A_353, %get3A_354] {strides = array<i32>} : memref<256x128xf32, #tpu.memory_space<vmem>>, vector<16xf32>,
      %mul3A_356 = arith.mulf %get3A_352, %get3A_355 : vector<16xf32>
      %add3A_357 = arith.constant 256 : i32
      %add3A_358 = arith.addi %add3A_357, %add3A_343 : i32
      %add3A_359 = arith.constant 16 : i32
      %add3A_360 = arith.addi %squeeze3A_345, %add3A_359 : i32
      %get3A_361 = arith.index_cast %add3A_358 : i32 to index
      %get3A_362 = arith.index_cast %add3A_360 : i32 to index
      %get3A_363 = tpu.vector_load %arg12[%get3A_361, %get3A_362] {strides = array<i32>} : memref<512x128xf32, #tpu.memory_space<vmem>>, vector<16xf32>,
      %add3A_364 = arith.constant 16 : i32
      %add3A_365 = arith.addi %squeeze3A_347, %add3A_364 : i32
      %get3A_366 = arith.index_cast %add3A_343 : i32 to index
      %get3A_367 = arith.index_cast %add3A_365 : i32 to index
      %get3A_368 = tpu.vector_load %arg13[%get3A_366, %get3A_367] {strides = array<i32>} : memref<256x128xf32, #tpu.memory_space<vmem>>, vector<16xf32>,
      %mul3A_369 = arith.mulf %get3A_363, %get3A_368 : vector<16xf32>
      %add3A_370 = arith.addf %mul3A_356, %mul3A_369 : vector<16xf32>
      %add3A_371 = arith.constant 256 : i32
      %add3A_372 = arith.addi %add3A_371, %add3A_343 : i32
      %add3A_373 = arith.constant 32 : i32
      %add3A_374 = arith.addi %squeeze3A_345, %add3A_373 : i32
      %get3A_375 = arith.index_cast %add3A_372 : i32 to index
      %get3A_376 = arith.index_cast %add3A_374 : i32 to index
      %get3A_377 = tpu.vector_load %arg12[%get3A_375, %get3A_376] {strides = array<i32>} : memref<512x128xf32, #tpu.memory_space<vmem>>, vector<16xf32>,
      %add3A_378 = arith.constant 32 : i32
      %add3A_379 = arith.addi %squeeze3A_347, %add3A_378 : i32
      %get3A_380 = arith.index_cast %add3A_343 : i32 to index
      %get3A_381 = arith.index_cast %add3A_379 : i32 to index
      %get3A_382 = tpu.vector_load %arg13[%get3A_380, %get3A_381] {strides = array<i32>} : memref<256x128xf32, #tpu.memory_space<vmem>>, vector<16xf32>,
      %mul3A_383 = arith.mulf %get3A_377, %get3A_382 : vector<16xf32>
      %add3A_384 = arith.addf %add3A_370, %mul3A_383 : vector<16xf32>
      %add3A_385 = arith.constant 256 : i32
      %add3A_386 = arith.addi %add3A_385, %add3A_343 : i32
      %add3A_387 = arith.constant 48 : i32
      %add3A_388 = arith.addi %squeeze3A_345, %add3A_387 : i32
      %get3A_389 = arith.index_cast %add3A_386 : i32 to index
      %get3A_390 = arith.index_cast %add3A_388 : i32 to index
      %get3A_391 = tpu.vector_load %arg12[%get3A_389, %get3A_390] {strides = array<i32>} : memref<512x128xf32, #tpu.memory_space<vmem>>, vector<16xf32>,
      %add3A_392 = arith.constant 48 : i32
      %add3A_393 = arith.addi %squeeze3A_347, %add3A_392 : i32
      %get3A_394 = arith.index_cast %add3A_343 : i32 to index
      %get3A_395 = arith.index_cast %add3A_393 : i32 to index
      %get3A_396 = tpu.vector_load %arg13[%get3A_394, %get3A_395] {strides = array<i32>} : memref<256x128xf32, #tpu.memory_space<vmem>>, vector<16xf32>,
      %mul3A_397 = arith.mulf %get3A_391, %get3A_396 : vector<16xf32>
      %add3A_398 = arith.addf %add3A_384, %mul3A_397 : vector<16xf32>
      %swap3A_399 = arith.constant 80 : index
      %swap3A_400 = tpu.vector_load %arg16[%swap3A_399] {strides = array<i32>} : memref<256xf32, #tpu.memory_space<vmem>>, vector<16xf32>,
      tpu.vector_store %arg16[%swap3A_399], %add3A_398 {strides = array<i32>} : memref<256xf32, #tpu.memory_space<vmem>>, vector<16xf32>,
      %mul3A_401 = arith.constant 16 : i32
      %mul3A_402 = arith.muli %scan3A_30, %mul3A_401 : i32
      %add3A_403 = arith.constant 6 : i32
      %add3A_404 = arith.addi %mul3A_402, %add3A_403 : i32
      %slice3A_405 = vector.extract_strided_slice %get3A_35 {offsets = [6], sizes = [1], strides = [1]} : vector<16xi32> to vector<1xi32>
      %squeeze3A_406 = vector.extract %slice3A_405[0] : i32 from vector<1xi32>
      %slice3A_407 = vector.extract_strided_slice %get3A_37 {offsets = [6], sizes = [1], strides = [1]} : vector<16xi32> to vector<1xi32>
      %squeeze3A_408 = vector.extract %slice3A_407[0] : i32 from vector<1xi32>
      %add3A_409 = arith.constant 256 : i32
      %add3A_410 = arith.addi %add3A_409, %add3A_404 : i32
      %get3A_411 = arith.index_cast %add3A_410 : i32 to index
      %get3A_412 = arith.index_cast %squeeze3A_406 : i32 to index
      %get3A_413 = tpu.vector_load %arg12[%get3A_411, %get3A_412] {strides = array<i32>} : memref<512x128xf32, #tpu.memory_space<vmem>>, vector<16xf32>,
      %get3A_414 = arith.index_cast %add3A_404 : i32 to index
      %get3A_415 = arith.index_cast %squeeze3A_408 : i32 to index
      %get3A_416 = tpu.vector_load %arg13[%get3A_414, %get3A_415] {strides = array<i32>} : memref<256x128xf32, #tpu.memory_space<vmem>>, vector<16xf32>,
      %mul3A_417 = arith.mulf %get3A_413, %get3A_416 : vector<16xf32>
      %add3A_418 = arith.constant 256 : i32
      %add3A_419 = arith.addi %add3A_418, %add3A_404 : i32
      %add3A_420 = arith.constant 16 : i32
      %add3A_421 = arith.addi %squeeze3A_406, %add3A_420 : i32
      %get3A_422 = arith.index_cast %add3A_419 : i32 to index
      %get3A_423 = arith.index_cast %add3A_421 : i32 to index
      %get3A_424 = tpu.vector_load %arg12[%get3A_422, %get3A_423] {strides = array<i32>} : memref<512x128xf32, #tpu.memory_space<vmem>>, vector<16xf32>,
      %add3A_425 = arith.constant 16 : i32
      %add3A_426 = arith.addi %squeeze3A_408, %add3A_425 : i32
      %get3A_427 = arith.index_cast %add3A_404 : i32 to index
      %get3A_428 = arith.index_cast %add3A_426 : i32 to index
      %get3A_429 = tpu.vector_load %arg13[%get3A_427, %get3A_428] {strides = array<i32>} : memref<256x128xf32, #tpu.memory_space<vmem>>, vector<16xf32>,
      %mul3A_430 = arith.mulf %get3A_424, %get3A_429 : vector<16xf32>
      %add3A_431 = arith.addf %mul3A_417, %mul3A_430 : vector<16xf32>
      %add3A_432 = arith.constant 256 : i32
      %add3A_433 = arith.addi %add3A_432, %add3A_404 : i32
      %add3A_434 = arith.constant 32 : i32
      %add3A_435 = arith.addi %squeeze3A_406, %add3A_434 : i32
      %get3A_436 = arith.index_cast %add3A_433 : i32 to index
      %get3A_437 = arith.index_cast %add3A_435 : i32 to index
      %get3A_438 = tpu.vector_load %arg12[%get3A_436, %get3A_437] {strides = array<i32>} : memref<512x128xf32, #tpu.memory_space<vmem>>, vector<16xf32>,
      %add3A_439 = arith.constant 32 : i32
      %add3A_440 = arith.addi %squeeze3A_408, %add3A_439 : i32
      %get3A_441 = arith.index_cast %add3A_404 : i32 to index
      %get3A_442 = arith.index_cast %add3A_440 : i32 to index
      %get3A_443 = tpu.vector_load %arg13[%get3A_441, %get3A_442] {strides = array<i32>} : memref<256x128xf32, #tpu.memory_space<vmem>>, vector<16xf32>,
      %mul3A_444 = arith.mulf %get3A_438, %get3A_443 : vector<16xf32>
      %add3A_445 = arith.addf %add3A_431, %mul3A_444 : vector<16xf32>
      %add3A_446 = arith.constant 256 : i32
      %add3A_447 = arith.addi %add3A_446, %add3A_404 : i32
      %add3A_448 = arith.constant 48 : i32
      %add3A_449 = arith.addi %squeeze3A_406, %add3A_448 : i32
      %get3A_450 = arith.index_cast %add3A_447 : i32 to index
      %get3A_451 = arith.index_cast %add3A_449 : i32 to index
      %get3A_452 = tpu.vector_load %arg12[%get3A_450, %get3A_451] {strides = array<i32>} : memref<512x128xf32, #tpu.memory_space<vmem>>, vector<16xf32>,
      %add3A_453 = arith.constant 48 : i32
      %add3A_454 = arith.addi %squeeze3A_408, %add3A_453 : i32
      %get3A_455 = arith.index_cast %add3A_404 : i32 to index
      %get3A_456 = arith.index_cast %add3A_454 : i32 to index
      %get3A_457 = tpu.vector_load %arg13[%get3A_455, %get3A_456] {strides = array<i32>} : memref<256x128xf32, #tpu.memory_space<vmem>>, vector<16xf32>,
      %mul3A_458 = arith.mulf %get3A_452, %get3A_457 : vector<16xf32>
      %add3A_459 = arith.addf %add3A_445, %mul3A_458 : vector<16xf32>
      %swap3A_460 = arith.constant 96 : index
      %swap3A_461 = tpu.vector_load %arg16[%swap3A_460] {strides = array<i32>} : memref<256xf32, #tpu.memory_space<vmem>>, vector<16xf32>,
      tpu.vector_store %arg16[%swap3A_460], %add3A_459 {strides = array<i32>} : memref<256xf32, #tpu.memory_space<vmem>>, vector<16xf32>,
      %mul3A_462 = arith.constant 16 : i32
      %mul3A_463 = arith.muli %scan3A_30, %mul3A_462 : i32
      %add3A_464 = arith.constant 7 : i32
      %add3A_465 = arith.addi %mul3A_463, %add3A_464 : i32
      %slice3A_466 = vector.extract_strided_slice %get3A_35 {offsets = [7], sizes = [1], strides = [1]} : vector<16xi32> to vector<1xi32>
      %squeeze3A_467 = vector.extract %slice3A_466[0] : i32 from vector<1xi32>
      %slice3A_468 = vector.extract_strided_slice %get3A_37 {offsets = [7], sizes = [1], strides = [1]} : vector<16xi32> to vector<1xi32>
      %squeeze3A_469 = vector.extract %slice3A_468[0] : i32 from vector<1xi32>
      %add3A_470 = arith.constant 256 : i32
      %add3A_471 = arith.addi %add3A_470, %add3A_465 : i32
      %get3A_472 = arith.index_cast %add3A_471 : i32 to index
      %get3A_473 = arith.index_cast %squeeze3A_467 : i32 to index
      %get3A_474 = tpu.vector_load %arg12[%get3A_472, %get3A_473] {strides = array<i32>} : memref<512x128xf32, #tpu.memory_space<vmem>>, vector<16xf32>,
      %get3A_475 = arith.index_cast %add3A_465 : i32 to index
      %get3A_476 = arith.index_cast %squeeze3A_469 : i32 to index
      %get3A_477 = tpu.vector_load %arg13[%get3A_475, %get3A_476] {strides = array<i32>} : memref<256x128xf32, #tpu.memory_space<vmem>>, vector<16xf32>,
      %mul3A_478 = arith.mulf %get3A_474, %get3A_477 : vector<16xf32>
      %add3A_479 = arith.constant 256 : i32
      %add3A_480 = arith.addi %add3A_479, %add3A_465 : i32
      %add3A_481 = arith.constant 16 : i32
      %add3A_482 = arith.addi %squeeze3A_467, %add3A_481 : i32
      %get3A_483 = arith.index_cast %add3A_480 : i32 to index
      %get3A_484 = arith.index_cast %add3A_482 : i32 to index
      %get3A_485 = tpu.vector_load %arg12[%get3A_483, %get3A_484] {strides = array<i32>} : memref<512x128xf32, #tpu.memory_space<vmem>>, vector<16xf32>,
      %add3A_486 = arith.constant 16 : i32
      %add3A_487 = arith.addi %squeeze3A_469, %add3A_486 : i32
      %get3A_488 = arith.index_cast %add3A_465 : i32 to index
      %get3A_489 = arith.index_cast %add3A_487 : i32 to index
      %get3A_490 = tpu.vector_load %arg13[%get3A_488, %get3A_489] {strides = array<i32>} : memref<256x128xf32, #tpu.memory_space<vmem>>, vector<16xf32>,
      %mul3A_491 = arith.mulf %get3A_485, %get3A_490 : vector<16xf32>
      %add3A_492 = arith.addf %mul3A_478, %mul3A_491 : vector<16xf32>
      %add3A_493 = arith.constant 256 : i32
      %add3A_494 = arith.addi %add3A_493, %add3A_465 : i32
      %add3A_495 = arith.constant 32 : i32
      %add3A_496 = arith.addi %squeeze3A_467, %add3A_495 : i32
      %get3A_497 = arith.index_cast %add3A_494 : i32 to index
      %get3A_498 = arith.index_cast %add3A_496 : i32 to index
      %get3A_499 = tpu.vector_load %arg12[%get3A_497, %get3A_498] {strides = array<i32>} : memref<512x128xf32, #tpu.memory_space<vmem>>, vector<16xf32>,
      %add3A_500 = arith.constant 32 : i32
      %add3A_501 = arith.addi %squeeze3A_469, %add3A_500 : i32
      %get3A_502 = arith.index_cast %add3A_465 : i32 to index
      %get3A_503 = arith.index_cast %add3A_501 : i32 to index
      %get3A_504 = tpu.vector_load %arg13[%get3A_502, %get3A_503] {strides = array<i32>} : memref<256x128xf32, #tpu.memory_space<vmem>>, vector<16xf32>,
      %mul3A_505 = arith.mulf %get3A_499, %get3A_504 : vector<16xf32>
      %add3A_506 = arith.addf %add3A_492, %mul3A_505 : vector<16xf32>
      %add3A_507 = arith.constant 256 : i32
      %add3A_508 = arith.addi %add3A_507, %add3A_465 : i32
      %add3A_509 = arith.constant 48 : i32
      %add3A_510 = arith.addi %squeeze3A_467, %add3A_509 : i32
      %get3A_511 = arith.index_cast %add3A_508 : i32 to index
      %get3A_512 = arith.index_cast %add3A_510 : i32 to index
      %get3A_513 = tpu.vector_load %arg12[%get3A_511, %get3A_512] {strides = array<i32>} : memref<512x128xf32, #tpu.memory_space<vmem>>, vector<16xf32>,
      %add3A_514 = arith.constant 48 : i32
      %add3A_515 = arith.addi %squeeze3A_469, %add3A_514 : i32
      %get3A_516 = arith.index_cast %add3A_465 : i32 to index
      %get3A_517 = arith.index_cast %add3A_515 : i32 to index
      %get3A_518 = tpu.vector_load %arg13[%get3A_516, %get3A_517] {strides = array<i32>} : memref<256x128xf32, #tpu.memory_space<vmem>>, vector<16xf32>,
      %mul3A_519 = arith.mulf %get3A_513, %get3A_518 : vector<16xf32>
      %add3A_520 = arith.addf %add3A_506, %mul3A_519 : vector<16xf32>
      %swap3A_521 = arith.constant 112 : index
      %swap3A_522 = tpu.vector_load %arg16[%swap3A_521] {strides = array<i32>} : memref<256xf32, #tpu.memory_space<vmem>>, vector<16xf32>,
      tpu.vector_store %arg16[%swap3A_521], %add3A_520 {strides = array<i32>} : memref<256xf32, #tpu.memory_space<vmem>>, vector<16xf32>,
      %mul3A_523 = arith.constant 16 : i32
      %mul3A_524 = arith.muli %scan3A_30, %mul3A_523 : i32
      %add3A_525 = arith.constant 8 : i32
      %add3A_526 = arith.addi %mul3A_524, %add3A_525 : i32
      %slice3A_527 = vector.extract_strided_slice %get3A_35 {offsets = [8], sizes = [1], strides = [1]} : vector<16xi32> to vector<1xi32>
      %squeeze3A_528 = vector.extract %slice3A_527[0] : i32 from vector<1xi32>
      %slice3A_529 = vector.extract_strided_slice %get3A_37 {offsets = [8], sizes = [1], strides = [1]} : vector<16xi32> to vector<1xi32>
      %squeeze3A_530 = vector.extract %slice3A_529[0] : i32 from vector<1xi32>
      %add3A_531 = arith.constant 256 : i32
      %add3A_532 = arith.addi %add3A_531, %add3A_526 : i32
      %get3A_533 = arith.index_cast %add3A_532 : i32 to index
      %get3A_534 = arith.index_cast %squeeze3A_528 : i32 to index
      %get3A_535 = tpu.vector_load %arg12[%get3A_533, %get3A_534] {strides = array<i32>} : memref<512x128xf32, #tpu.memory_space<vmem>>, vector<16xf32>,
      %get3A_536 = arith.index_cast %add3A_526 : i32 to index
      %get3A_537 = arith.index_cast %squeeze3A_530 : i32 to index
      %get3A_538 = tpu.vector_load %arg13[%get3A_536, %get3A_537] {strides = array<i32>} : memref<256x128xf32, #tpu.memory_space<vmem>>, vector<16xf32>,
      %mul3A_539 = arith.mulf %get3A_535, %get3A_538 : vector<16xf32>
      %add3A_540 = arith.constant 256 : i32
      %add3A_541 = arith.addi %add3A_540, %add3A_526 : i32
      %add3A_542 = arith.constant 16 : i32
      %add3A_543 = arith.addi %squeeze3A_528, %add3A_542 : i32
      %get3A_544 = arith.index_cast %add3A_541 : i32 to index
      %get3A_545 = arith.index_cast %add3A_543 : i32 to index
      %get3A_546 = tpu.vector_load %arg12[%get3A_544, %get3A_545] {strides = array<i32>} : memref<512x128xf32, #tpu.memory_space<vmem>>, vector<16xf32>,
      %add3A_547 = arith.constant 16 : i32
      %add3A_548 = arith.addi %squeeze3A_530, %add3A_547 : i32
      %get3A_549 = arith.index_cast %add3A_526 : i32 to index
      %get3A_550 = arith.index_cast %add3A_548 : i32 to index
      %get3A_551 = tpu.vector_load %arg13[%get3A_549, %get3A_550] {strides = array<i32>} : memref<256x128xf32, #tpu.memory_space<vmem>>, vector<16xf32>,
      %mul3A_552 = arith.mulf %get3A_546, %get3A_551 : vector<16xf32>
      %add3A_553 = arith.addf %mul3A_539, %mul3A_552 : vector<16xf32>
      %add3A_554 = arith.constant 256 : i32
      %add3A_555 = arith.addi %add3A_554, %add3A_526 : i32
      %add3A_556 = arith.constant 32 : i32
      %add3A_557 = arith.addi %squeeze3A_528, %add3A_556 : i32
      %get3A_558 = arith.index_cast %add3A_555 : i32 to index
      %get3A_559 = arith.index_cast %add3A_557 : i32 to index
      %get3A_560 = tpu.vector_load %arg12[%get3A_558, %get3A_559] {strides = array<i32>} : memref<512x128xf32, #tpu.memory_space<vmem>>, vector<16xf32>,
      %add3A_561 = arith.constant 32 : i32
      %add3A_562 = arith.addi %squeeze3A_530, %add3A_561 : i32
      %get3A_563 = arith.index_cast %add3A_526 : i32 to index
      %get3A_564 = arith.index_cast %add3A_562 : i32 to index
      %get3A_565 = tpu.vector_load %arg13[%get3A_563, %get3A_564] {strides = array<i32>} : memref<256x128xf32, #tpu.memory_space<vmem>>, vector<16xf32>,
      %mul3A_566 = arith.mulf %get3A_560, %get3A_565 : vector<16xf32>
      %add3A_567 = arith.addf %add3A_553, %mul3A_566 : vector<16xf32>
      %add3A_568 = arith.constant 256 : i32
      %add3A_569 = arith.addi %add3A_568, %add3A_526 : i32
      %add3A_570 = arith.constant 48 : i32
      %add3A_571 = arith.addi %squeeze3A_528, %add3A_570 : i32
      %get3A_572 = arith.index_cast %add3A_569 : i32 to index
      %get3A_573 = arith.index_cast %add3A_571 : i32 to index
      %get3A_574 = tpu.vector_load %arg12[%get3A_572, %get3A_573] {strides = array<i32>} : memref<512x128xf32, #tpu.memory_space<vmem>>, vector<16xf32>,
      %add3A_575 = arith.constant 48 : i32
      %add3A_576 = arith.addi %squeeze3A_530, %add3A_575 : i32
      %get3A_577 = arith.index_cast %add3A_526 : i32 to index
      %get3A_578 = arith.index_cast %add3A_576 : i32 to index
      %get3A_579 = tpu.vector_load %arg13[%get3A_577, %get3A_578] {strides = array<i32>} : memref<256x128xf32, #tpu.memory_space<vmem>>, vector<16xf32>,
      %mul3A_580 = arith.mulf %get3A_574, %get3A_579 : vector<16xf32>
      %add3A_581 = arith.addf %add3A_567, %mul3A_580 : vector<16xf32>
      %swap3A_582 = arith.constant 128 : index
      %swap3A_583 = tpu.vector_load %arg16[%swap3A_582] {strides = array<i32>} : memref<256xf32, #tpu.memory_space<vmem>>, vector<16xf32>,
      tpu.vector_store %arg16[%swap3A_582], %add3A_581 {strides = array<i32>} : memref<256xf32, #tpu.memory_space<vmem>>, vector<16xf32>,
      %mul3A_584 = arith.constant 16 : i32
      %mul3A_585 = arith.muli %scan3A_30, %mul3A_584 : i32
      %add3A_586 = arith.constant 9 : i32
      %add3A_587 = arith.addi %mul3A_585, %add3A_586 : i32
      %slice3A_588 = vector.extract_strided_slice %get3A_35 {offsets = [9], sizes = [1], strides = [1]} : vector<16xi32> to vector<1xi32>
      %squeeze3A_589 = vector.extract %slice3A_588[0] : i32 from vector<1xi32>
      %slice3A_590 = vector.extract_strided_slice %get3A_37 {offsets = [9], sizes = [1], strides = [1]} : vector<16xi32> to vector<1xi32>
      %squeeze3A_591 = vector.extract %slice3A_590[0] : i32 from vector<1xi32>
      %add3A_592 = arith.constant 256 : i32
      %add3A_593 = arith.addi %add3A_592, %add3A_587 : i32
      %get3A_594 = arith.index_cast %add3A_593 : i32 to index
      %get3A_595 = arith.index_cast %squeeze3A_589 : i32 to index
      %get3A_596 = tpu.vector_load %arg12[%get3A_594, %get3A_595] {strides = array<i32>} : memref<512x128xf32, #tpu.memory_space<vmem>>, vector<16xf32>,
      %get3A_597 = arith.index_cast %add3A_587 : i32 to index
      %get3A_598 = arith.index_cast %squeeze3A_591 : i32 to index
      %get3A_599 = tpu.vector_load %arg13[%get3A_597, %get3A_598] {strides = array<i32>} : memref<256x128xf32, #tpu.memory_space<vmem>>, vector<16xf32>,
      %mul3A_600 = arith.mulf %get3A_596, %get3A_599 : vector<16xf32>
      %add3A_601 = arith.constant 256 : i32
      %add3A_602 = arith.addi %add3A_601, %add3A_587 : i32
      %add3A_603 = arith.constant 16 : i32
      %add3A_604 = arith.addi %squeeze3A_589, %add3A_603 : i32
      %get3A_605 = arith.index_cast %add3A_602 : i32 to index
      %get3A_606 = arith.index_cast %add3A_604 : i32 to index
      %get3A_607 = tpu.vector_load %arg12[%get3A_605, %get3A_606] {strides = array<i32>} : memref<512x128xf32, #tpu.memory_space<vmem>>, vector<16xf32>,
      %add3A_608 = arith.constant 16 : i32
      %add3A_609 = arith.addi %squeeze3A_591, %add3A_608 : i32
      %get3A_610 = arith.index_cast %add3A_587 : i32 to index
      %get3A_611 = arith.index_cast %add3A_609 : i32 to index
      %get3A_612 = tpu.vector_load %arg13[%get3A_610, %get3A_611] {strides = array<i32>} : memref<256x128xf32, #tpu.memory_space<vmem>>, vector<16xf32>,
      %mul3A_613 = arith.mulf %get3A_607, %get3A_612 : vector<16xf32>
      %add3A_614 = arith.addf %mul3A_600, %mul3A_613 : vector<16xf32>
      %add3A_615 = arith.constant 256 : i32
      %add3A_616 = arith.addi %add3A_615, %add3A_587 : i32
      %add3A_617 = arith.constant 32 : i32
      %add3A_618 = arith.addi %squeeze3A_589, %add3A_617 : i32
      %get3A_619 = arith.index_cast %add3A_616 : i32 to index
      %get3A_620 = arith.index_cast %add3A_618 : i32 to index
      %get3A_621 = tpu.vector_load %arg12[%get3A_619, %get3A_620] {strides = array<i32>} : memref<512x128xf32, #tpu.memory_space<vmem>>, vector<16xf32>,
      %add3A_622 = arith.constant 32 : i32
      %add3A_623 = arith.addi %squeeze3A_591, %add3A_622 : i32
      %get3A_624 = arith.index_cast %add3A_587 : i32 to index
      %get3A_625 = arith.index_cast %add3A_623 : i32 to index
      %get3A_626 = tpu.vector_load %arg13[%get3A_624, %get3A_625] {strides = array<i32>} : memref<256x128xf32, #tpu.memory_space<vmem>>, vector<16xf32>,
      %mul3A_627 = arith.mulf %get3A_621, %get3A_626 : vector<16xf32>
      %add3A_628 = arith.addf %add3A_614, %mul3A_627 : vector<16xf32>
      %add3A_629 = arith.constant 256 : i32
      %add3A_630 = arith.addi %add3A_629, %add3A_587 : i32
      %add3A_631 = arith.constant 48 : i32
      %add3A_632 = arith.addi %squeeze3A_589, %add3A_631 : i32
      %get3A_633 = arith.index_cast %add3A_630 : i32 to index
      %get3A_634 = arith.index_cast %add3A_632 : i32 to index
      %get3A_635 = tpu.vector_load %arg12[%get3A_633, %get3A_634] {strides = array<i32>} : memref<512x128xf32, #tpu.memory_space<vmem>>, vector<16xf32>,
      %add3A_636 = arith.constant 48 : i32
      %add3A_637 = arith.addi %squeeze3A_591, %add3A_636 : i32
      %get3A_638 = arith.index_cast %add3A_587 : i32 to index
      %get3A_639 = arith.index_cast %add3A_637 : i32 to index
      %get3A_640 = tpu.vector_load %arg13[%get3A_638, %get3A_639] {strides = array<i32>} : memref<256x128xf32, #tpu.memory_space<vmem>>, vector<16xf32>,
      %mul3A_641 = arith.mulf %get3A_635, %get3A_640 : vector<16xf32>
      %add3A_642 = arith.addf %add3A_628, %mul3A_641 : vector<16xf32>
      %swap3A_643 = arith.constant 144 : index
      %swap3A_644 = tpu.vector_load %arg16[%swap3A_643] {strides = array<i32>} : memref<256xf32, #tpu.memory_space<vmem>>, vector<16xf32>,
      tpu.vector_store %arg16[%swap3A_643], %add3A_642 {strides = array<i32>} : memref<256xf32, #tpu.memory_space<vmem>>, vector<16xf32>,
      %mul3A_645 = arith.constant 16 : i32
      %mul3A_646 = arith.muli %scan3A_30, %mul3A_645 : i32
      %add3A_647 = arith.constant 10 : i32
      %add3A_648 = arith.addi %mul3A_646, %add3A_647 : i32
      %slice3A_649 = vector.extract_strided_slice %get3A_35 {offsets = [10], sizes = [1], strides = [1]} : vector<16xi32> to vector<1xi32>
      %squeeze3A_650 = vector.extract %slice3A_649[0] : i32 from vector<1xi32>
      %slice3A_651 = vector.extract_strided_slice %get3A_37 {offsets = [10], sizes = [1], strides = [1]} : vector<16xi32> to vector<1xi32>
      %squeeze3A_652 = vector.extract %slice3A_651[0] : i32 from vector<1xi32>
      %add3A_653 = arith.constant 256 : i32
      %add3A_654 = arith.addi %add3A_653, %add3A_648 : i32
      %get3A_655 = arith.index_cast %add3A_654 : i32 to index
      %get3A_656 = arith.index_cast %squeeze3A_650 : i32 to index
      %get3A_657 = tpu.vector_load %arg12[%get3A_655, %get3A_656] {strides = array<i32>} : memref<512x128xf32, #tpu.memory_space<vmem>>, vector<16xf32>,
      %get3A_658 = arith.index_cast %add3A_648 : i32 to index
      %get3A_659 = arith.index_cast %squeeze3A_652 : i32 to index
      %get3A_660 = tpu.vector_load %arg13[%get3A_658, %get3A_659] {strides = array<i32>} : memref<256x128xf32, #tpu.memory_space<vmem>>, vector<16xf32>,
      %mul3A_661 = arith.mulf %get3A_657, %get3A_660 : vector<16xf32>
      %add3A_662 = arith.constant 256 : i32
      %add3A_663 = arith.addi %add3A_662, %add3A_648 : i32
      %add3A_664 = arith.constant 16 : i32
      %add3A_665 = arith.addi %squeeze3A_650, %add3A_664 : i32
      %get3A_666 = arith.index_cast %add3A_663 : i32 to index
      %get3A_667 = arith.index_cast %add3A_665 : i32 to index
      %get3A_668 = tpu.vector_load %arg12[%get3A_666, %get3A_667] {strides = array<i32>} : memref<512x128xf32, #tpu.memory_space<vmem>>, vector<16xf32>,
      %add3A_669 = arith.constant 16 : i32
      %add3A_670 = arith.addi %squeeze3A_652, %add3A_669 : i32
      %get3A_671 = arith.index_cast %add3A_648 : i32 to index
      %get3A_672 = arith.index_cast %add3A_670 : i32 to index
      %get3A_673 = tpu.vector_load %arg13[%get3A_671, %get3A_672] {strides = array<i32>} : memref<256x128xf32, #tpu.memory_space<vmem>>, vector<16xf32>,
      %mul3A_674 = arith.mulf %get3A_668, %get3A_673 : vector<16xf32>
      %add3A_675 = arith.addf %mul3A_661, %mul3A_674 : vector<16xf32>
      %add3A_676 = arith.constant 256 : i32
      %add3A_677 = arith.addi %add3A_676, %add3A_648 : i32
      %add3A_678 = arith.constant 32 : i32
      %add3A_679 = arith.addi %squeeze3A_650, %add3A_678 : i32
      %get3A_680 = arith.index_cast %add3A_677 : i32 to index
      %get3A_681 = arith.index_cast %add3A_679 : i32 to index
      %get3A_682 = tpu.vector_load %arg12[%get3A_680, %get3A_681] {strides = array<i32>} : memref<512x128xf32, #tpu.memory_space<vmem>>, vector<16xf32>,
      %add3A_683 = arith.constant 32 : i32
      %add3A_684 = arith.addi %squeeze3A_652, %add3A_683 : i32
      %get3A_685 = arith.index_cast %add3A_648 : i32 to index
      %get3A_686 = arith.index_cast %add3A_684 : i32 to index
      %get3A_687 = tpu.vector_load %arg13[%get3A_685, %get3A_686] {strides = array<i32>} : memref<256x128xf32, #tpu.memory_space<vmem>>, vector<16xf32>,
      %mul3A_688 = arith.mulf %get3A_682, %get3A_687 : vector<16xf32>
      %add3A_689 = arith.addf %add3A_675, %mul3A_688 : vector<16xf32>
      %add3A_690 = arith.constant 256 : i32
      %add3A_691 = arith.addi %add3A_690, %add3A_648 : i32
      %add3A_692 = arith.constant 48 : i32
      %add3A_693 = arith.addi %squeeze3A_650, %add3A_692 : i32
      %get3A_694 = arith.index_cast %add3A_691 : i32 to index
      %get3A_695 = arith.index_cast %add3A_693 : i32 to index
      %get3A_696 = tpu.vector_load %arg12[%get3A_694, %get3A_695] {strides = array<i32>} : memref<512x128xf32, #tpu.memory_space<vmem>>, vector<16xf32>,
      %add3A_697 = arith.constant 48 : i32
      %add3A_698 = arith.addi %squeeze3A_652, %add3A_697 : i32
      %get3A_699 = arith.index_cast %add3A_648 : i32 to index
      %get3A_700 = arith.index_cast %add3A_698 : i32 to index
      %get3A_701 = tpu.vector_load %arg13[%get3A_699, %get3A_700] {strides = array<i32>} : memref<256x128xf32, #tpu.memory_space<vmem>>, vector<16xf32>,
      %mul3A_702 = arith.mulf %get3A_696, %get3A_701 : vector<16xf32>
      %add3A_703 = arith.addf %add3A_689, %mul3A_702 : vector<16xf32>
      %swap3A_704 = arith.constant 160 : index
      %swap3A_705 = tpu.vector_load %arg16[%swap3A_704] {strides = array<i32>} : memref<256xf32, #tpu.memory_space<vmem>>, vector<16xf32>,
      tpu.vector_store %arg16[%swap3A_704], %add3A_703 {strides = array<i32>} : memref<256xf32, #tpu.memory_space<vmem>>, vector<16xf32>,
      %mul3A_706 = arith.constant 16 : i32
      %mul3A_707 = arith.muli %scan3A_30, %mul3A_706 : i32
      %add3A_708 = arith.constant 11 : i32
      %add3A_709 = arith.addi %mul3A_707, %add3A_708 : i32
      %slice3A_710 = vector.extract_strided_slice %get3A_35 {offsets = [11], sizes = [1], strides = [1]} : vector<16xi32> to vector<1xi32>
      %squeeze3A_711 = vector.extract %slice3A_710[0] : i32 from vector<1xi32>
      %slice3A_712 = vector.extract_strided_slice %get3A_37 {offsets = [11], sizes = [1], strides = [1]} : vector<16xi32> to vector<1xi32>
      %squeeze3A_713 = vector.extract %slice3A_712[0] : i32 from vector<1xi32>
      %add3A_714 = arith.constant 256 : i32
      %add3A_715 = arith.addi %add3A_714, %add3A_709 : i32
      %get3A_716 = arith.index_cast %add3A_715 : i32 to index
      %get3A_717 = arith.index_cast %squeeze3A_711 : i32 to index
      %get3A_718 = tpu.vector_load %arg12[%get3A_716, %get3A_717] {strides = array<i32>} : memref<512x128xf32, #tpu.memory_space<vmem>>, vector<16xf32>,
      %get3A_719 = arith.index_cast %add3A_709 : i32 to index
      %get3A_720 = arith.index_cast %squeeze3A_713 : i32 to index
      %get3A_721 = tpu.vector_load %arg13[%get3A_719, %get3A_720] {strides = array<i32>} : memref<256x128xf32, #tpu.memory_space<vmem>>, vector<16xf32>,
      %mul3A_722 = arith.mulf %get3A_718, %get3A_721 : vector<16xf32>
      %add3A_723 = arith.constant 256 : i32
      %add3A_724 = arith.addi %add3A_723, %add3A_709 : i32
      %add3A_725 = arith.constant 16 : i32
      %add3A_726 = arith.addi %squeeze3A_711, %add3A_725 : i32
      %get3A_727 = arith.index_cast %add3A_724 : i32 to index
      %get3A_728 = arith.index_cast %add3A_726 : i32 to index
      %get3A_729 = tpu.vector_load %arg12[%get3A_727, %get3A_728] {strides = array<i32>} : memref<512x128xf32, #tpu.memory_space<vmem>>, vector<16xf32>,
      %add3A_730 = arith.constant 16 : i32
      %add3A_731 = arith.addi %squeeze3A_713, %add3A_730 : i32
      %get3A_732 = arith.index_cast %add3A_709 : i32 to index
      %get3A_733 = arith.index_cast %add3A_731 : i32 to index
      %get3A_734 = tpu.vector_load %arg13[%get3A_732, %get3A_733] {strides = array<i32>} : memref<256x128xf32, #tpu.memory_space<vmem>>, vector<16xf32>,
      %mul3A_735 = arith.mulf %get3A_729, %get3A_734 : vector<16xf32>
      %add3A_736 = arith.addf %mul3A_722, %mul3A_735 : vector<16xf32>
      %add3A_737 = arith.constant 256 : i32
      %add3A_738 = arith.addi %add3A_737, %add3A_709 : i32
      %add3A_739 = arith.constant 32 : i32
      %add3A_740 = arith.addi %squeeze3A_711, %add3A_739 : i32
      %get3A_741 = arith.index_cast %add3A_738 : i32 to index
      %get3A_742 = arith.index_cast %add3A_740 : i32 to index
      %get3A_743 = tpu.vector_load %arg12[%get3A_741, %get3A_742] {strides = array<i32>} : memref<512x128xf32, #tpu.memory_space<vmem>>, vector<16xf32>,
      %add3A_744 = arith.constant 32 : i32
      %add3A_745 = arith.addi %squeeze3A_713, %add3A_744 : i32
      %get3A_746 = arith.index_cast %add3A_709 : i32 to index
      %get3A_747 = arith.index_cast %add3A_745 : i32 to index
      %get3A_748 = tpu.vector_load %arg13[%get3A_746, %get3A_747] {strides = array<i32>} : memref<256x128xf32, #tpu.memory_space<vmem>>, vector<16xf32>,
      %mul3A_749 = arith.mulf %get3A_743, %get3A_748 : vector<16xf32>
      %add3A_750 = arith.addf %add3A_736, %mul3A_749 : vector<16xf32>
      %add3A_751 = arith.constant 256 : i32
      %add3A_752 = arith.addi %add3A_751, %add3A_709 : i32
      %add3A_753 = arith.constant 48 : i32
      %add3A_754 = arith.addi %squeeze3A_711, %add3A_753 : i32
      %get3A_755 = arith.index_cast %add3A_752 : i32 to index
      %get3A_756 = arith.index_cast %add3A_754 : i32 to index
      %get3A_757 = tpu.vector_load %arg12[%get3A_755, %get3A_756] {strides = array<i32>} : memref<512x128xf32, #tpu.memory_space<vmem>>, vector<16xf32>,
      %add3A_758 = arith.constant 48 : i32
      %add3A_759 = arith.addi %squeeze3A_713, %add3A_758 : i32
      %get3A_760 = arith.index_cast %add3A_709 : i32 to index
      %get3A_761 = arith.index_cast %add3A_759 : i32 to index
      %get3A_762 = tpu.vector_load %arg13[%get3A_760, %get3A_761] {strides = array<i32>} : memref<256x128xf32, #tpu.memory_space<vmem>>, vector<16xf32>,
      %mul3A_763 = arith.mulf %get3A_757, %get3A_762 : vector<16xf32>
      %add3A_764 = arith.addf %add3A_750, %mul3A_763 : vector<16xf32>
      %swap3A_765 = arith.constant 176 : index
      %swap3A_766 = tpu.vector_load %arg16[%swap3A_765] {strides = array<i32>} : memref<256xf32, #tpu.memory_space<vmem>>, vector<16xf32>,
      tpu.vector_store %arg16[%swap3A_765], %add3A_764 {strides = array<i32>} : memref<256xf32, #tpu.memory_space<vmem>>, vector<16xf32>,
      %mul3A_767 = arith.constant 16 : i32
      %mul3A_768 = arith.muli %scan3A_30, %mul3A_767 : i32
      %add3A_769 = arith.constant 12 : i32
      %add3A_770 = arith.addi %mul3A_768, %add3A_769 : i32
      %slice3A_771 = vector.extract_strided_slice %get3A_35 {offsets = [12], sizes = [1], strides = [1]} : vector<16xi32> to vector<1xi32>
      %squeeze3A_772 = vector.extract %slice3A_771[0] : i32 from vector<1xi32>
      %slice3A_773 = vector.extract_strided_slice %get3A_37 {offsets = [12], sizes = [1], strides = [1]} : vector<16xi32> to vector<1xi32>
      %squeeze3A_774 = vector.extract %slice3A_773[0] : i32 from vector<1xi32>
      %add3A_775 = arith.constant 256 : i32
      %add3A_776 = arith.addi %add3A_775, %add3A_770 : i32
      %get3A_777 = arith.index_cast %add3A_776 : i32 to index
      %get3A_778 = arith.index_cast %squeeze3A_772 : i32 to index
      %get3A_779 = tpu.vector_load %arg12[%get3A_777, %get3A_778] {strides = array<i32>} : memref<512x128xf32, #tpu.memory_space<vmem>>, vector<16xf32>,
      %get3A_780 = arith.index_cast %add3A_770 : i32 to index
      %get3A_781 = arith.index_cast %squeeze3A_774 : i32 to index
      %get3A_782 = tpu.vector_load %arg13[%get3A_780, %get3A_781] {strides = array<i32>} : memref<256x128xf32, #tpu.memory_space<vmem>>, vector<16xf32>,
      %mul3A_783 = arith.mulf %get3A_779, %get3A_782 : vector<16xf32>
      %add3A_784 = arith.constant 256 : i32
      %add3A_785 = arith.addi %add3A_784, %add3A_770 : i32
      %add3A_786 = arith.constant 16 : i32
      %add3A_787 = arith.addi %squeeze3A_772, %add3A_786 : i32
      %get3A_788 = arith.index_cast %add3A_785 : i32 to index
      %get3A_789 = arith.index_cast %add3A_787 : i32 to index
      %get3A_790 = tpu.vector_load %arg12[%get3A_788, %get3A_789] {strides = array<i32>} : memref<512x128xf32, #tpu.memory_space<vmem>>, vector<16xf32>,
      %add3A_791 = arith.constant 16 : i32
      %add3A_792 = arith.addi %squeeze3A_774, %add3A_791 : i32
      %get3A_793 = arith.index_cast %add3A_770 : i32 to index
      %get3A_794 = arith.index_cast %add3A_792 : i32 to index
      %get3A_795 = tpu.vector_load %arg13[%get3A_793, %get3A_794] {strides = array<i32>} : memref<256x128xf32, #tpu.memory_space<vmem>>, vector<16xf32>,
      %mul3A_796 = arith.mulf %get3A_790, %get3A_795 : vector<16xf32>
      %add3A_797 = arith.addf %mul3A_783, %mul3A_796 : vector<16xf32>
      %add3A_798 = arith.constant 256 : i32
      %add3A_799 = arith.addi %add3A_798, %add3A_770 : i32
      %add3A_800 = arith.constant 32 : i32
      %add3A_801 = arith.addi %squeeze3A_772, %add3A_800 : i32
      %get3A_802 = arith.index_cast %add3A_799 : i32 to index
      %get3A_803 = arith.index_cast %add3A_801 : i32 to index
      %get3A_804 = tpu.vector_load %arg12[%get3A_802, %get3A_803] {strides = array<i32>} : memref<512x128xf32, #tpu.memory_space<vmem>>, vector<16xf32>,
      %add3A_805 = arith.constant 32 : i32
      %add3A_806 = arith.addi %squeeze3A_774, %add3A_805 : i32
      %get3A_807 = arith.index_cast %add3A_770 : i32 to index
      %get3A_808 = arith.index_cast %add3A_806 : i32 to index
      %get3A_809 = tpu.vector_load %arg13[%get3A_807, %get3A_808] {strides = array<i32>} : memref<256x128xf32, #tpu.memory_space<vmem>>, vector<16xf32>,
      %mul3A_810 = arith.mulf %get3A_804, %get3A_809 : vector<16xf32>
      %add3A_811 = arith.addf %add3A_797, %mul3A_810 : vector<16xf32>
      %add3A_812 = arith.constant 256 : i32
      %add3A_813 = arith.addi %add3A_812, %add3A_770 : i32
      %add3A_814 = arith.constant 48 : i32
      %add3A_815 = arith.addi %squeeze3A_772, %add3A_814 : i32
      %get3A_816 = arith.index_cast %add3A_813 : i32 to index
      %get3A_817 = arith.index_cast %add3A_815 : i32 to index
      %get3A_818 = tpu.vector_load %arg12[%get3A_816, %get3A_817] {strides = array<i32>} : memref<512x128xf32, #tpu.memory_space<vmem>>, vector<16xf32>,
      %add3A_819 = arith.constant 48 : i32
      %add3A_820 = arith.addi %squeeze3A_774, %add3A_819 : i32
      %get3A_821 = arith.index_cast %add3A_770 : i32 to index
      %get3A_822 = arith.index_cast %add3A_820 : i32 to index
      %get3A_823 = tpu.vector_load %arg13[%get3A_821, %get3A_822] {strides = array<i32>} : memref<256x128xf32, #tpu.memory_space<vmem>>, vector<16xf32>,
      %mul3A_824 = arith.mulf %get3A_818, %get3A_823 : vector<16xf32>
      %add3A_825 = arith.addf %add3A_811, %mul3A_824 : vector<16xf32>
      %swap3A_826 = arith.constant 192 : index
      %swap3A_827 = tpu.vector_load %arg16[%swap3A_826] {strides = array<i32>} : memref<256xf32, #tpu.memory_space<vmem>>, vector<16xf32>,
      tpu.vector_store %arg16[%swap3A_826], %add3A_825 {strides = array<i32>} : memref<256xf32, #tpu.memory_space<vmem>>, vector<16xf32>,
      %mul3A_828 = arith.constant 16 : i32
      %mul3A_829 = arith.muli %scan3A_30, %mul3A_828 : i32
      %add3A_830 = arith.constant 13 : i32
      %add3A_831 = arith.addi %mul3A_829, %add3A_830 : i32
      %slice3A_832 = vector.extract_strided_slice %get3A_35 {offsets = [13], sizes = [1], strides = [1]} : vector<16xi32> to vector<1xi32>
      %squeeze3A_833 = vector.extract %slice3A_832[0] : i32 from vector<1xi32>
      %slice3A_834 = vector.extract_strided_slice %get3A_37 {offsets = [13], sizes = [1], strides = [1]} : vector<16xi32> to vector<1xi32>
      %squeeze3A_835 = vector.extract %slice3A_834[0] : i32 from vector<1xi32>
      %add3A_836 = arith.constant 256 : i32
      %add3A_837 = arith.addi %add3A_836, %add3A_831 : i32
      %get3A_838 = arith.index_cast %add3A_837 : i32 to index
      %get3A_839 = arith.index_cast %squeeze3A_833 : i32 to index
      %get3A_840 = tpu.vector_load %arg12[%get3A_838, %get3A_839] {strides = array<i32>} : memref<512x128xf32, #tpu.memory_space<vmem>>, vector<16xf32>,
      %get3A_841 = arith.index_cast %add3A_831 : i32 to index
      %get3A_842 = arith.index_cast %squeeze3A_835 : i32 to index
      %get3A_843 = tpu.vector_load %arg13[%get3A_841, %get3A_842] {strides = array<i32>} : memref<256x128xf32, #tpu.memory_space<vmem>>, vector<16xf32>,
      %mul3A_844 = arith.mulf %get3A_840, %get3A_843 : vector<16xf32>
      %add3A_845 = arith.constant 256 : i32
      %add3A_846 = arith.addi %add3A_845, %add3A_831 : i32
      %add3A_847 = arith.constant 16 : i32
      %add3A_848 = arith.addi %squeeze3A_833, %add3A_847 : i32
      %get3A_849 = arith.index_cast %add3A_846 : i32 to index
      %get3A_850 = arith.index_cast %add3A_848 : i32 to index
      %get3A_851 = tpu.vector_load %arg12[%get3A_849, %get3A_850] {strides = array<i32>} : memref<512x128xf32, #tpu.memory_space<vmem>>, vector<16xf32>,
      %add3A_852 = arith.constant 16 : i32
      %add3A_853 = arith.addi %squeeze3A_835, %add3A_852 : i32
      %get3A_854 = arith.index_cast %add3A_831 : i32 to index
      %get3A_855 = arith.index_cast %add3A_853 : i32 to index
      %get3A_856 = tpu.vector_load %arg13[%get3A_854, %get3A_855] {strides = array<i32>} : memref<256x128xf32, #tpu.memory_space<vmem>>, vector<16xf32>,
      %mul3A_857 = arith.mulf %get3A_851, %get3A_856 : vector<16xf32>
      %add3A_858 = arith.addf %mul3A_844, %mul3A_857 : vector<16xf32>
      %add3A_859 = arith.constant 256 : i32
      %add3A_860 = arith.addi %add3A_859, %add3A_831 : i32
      %add3A_861 = arith.constant 32 : i32
      %add3A_862 = arith.addi %squeeze3A_833, %add3A_861 : i32
      %get3A_863 = arith.index_cast %add3A_860 : i32 to index
      %get3A_864 = arith.index_cast %add3A_862 : i32 to index
      %get3A_865 = tpu.vector_load %arg12[%get3A_863, %get3A_864] {strides = array<i32>} : memref<512x128xf32, #tpu.memory_space<vmem>>, vector<16xf32>,
      %add3A_866 = arith.constant 32 : i32
      %add3A_867 = arith.addi %squeeze3A_835, %add3A_866 : i32
      %get3A_868 = arith.index_cast %add3A_831 : i32 to index
      %get3A_869 = arith.index_cast %add3A_867 : i32 to index
      %get3A_870 = tpu.vector_load %arg13[%get3A_868, %get3A_869] {strides = array<i32>} : memref<256x128xf32, #tpu.memory_space<vmem>>, vector<16xf32>,
      %mul3A_871 = arith.mulf %get3A_865, %get3A_870 : vector<16xf32>
      %add3A_872 = arith.addf %add3A_858, %mul3A_871 : vector<16xf32>
      %add3A_873 = arith.constant 256 : i32
      %add3A_874 = arith.addi %add3A_873, %add3A_831 : i32
      %add3A_875 = arith.constant 48 : i32
      %add3A_876 = arith.addi %squeeze3A_833, %add3A_875 : i32
      %get3A_877 = arith.index_cast %add3A_874 : i32 to index
      %get3A_878 = arith.index_cast %add3A_876 : i32 to index
      %get3A_879 = tpu.vector_load %arg12[%get3A_877, %get3A_878] {strides = array<i32>} : memref<512x128xf32, #tpu.memory_space<vmem>>, vector<16xf32>,
      %add3A_880 = arith.constant 48 : i32
      %add3A_881 = arith.addi %squeeze3A_835, %add3A_880 : i32
      %get3A_882 = arith.index_cast %add3A_831 : i32 to index
      %get3A_883 = arith.index_cast %add3A_881 : i32 to index
      %get3A_884 = tpu.vector_load %arg13[%get3A_882, %get3A_883] {strides = array<i32>} : memref<256x128xf32, #tpu.memory_space<vmem>>, vector<16xf32>,
      %mul3A_885 = arith.mulf %get3A_879, %get3A_884 : vector<16xf32>
      %add3A_886 = arith.addf %add3A_872, %mul3A_885 : vector<16xf32>
      %swap3A_887 = arith.constant 208 : index
      %swap3A_888 = tpu.vector_load %arg16[%swap3A_887] {strides = array<i32>} : memref<256xf32, #tpu.memory_space<vmem>>, vector<16xf32>,
      tpu.vector_store %arg16[%swap3A_887], %add3A_886 {strides = array<i32>} : memref<256xf32, #tpu.memory_space<vmem>>, vector<16xf32>,
      %mul3A_889 = arith.constant 16 : i32
      %mul3A_890 = arith.muli %scan3A_30, %mul3A_889 : i32
      %add3A_891 = arith.constant 14 : i32
      %add3A_892 = arith.addi %mul3A_890, %add3A_891 : i32
      %slice3A_893 = vector.extract_strided_slice %get3A_35 {offsets = [14], sizes = [1], strides = [1]} : vector<16xi32> to vector<1xi32>
      %squeeze3A_894 = vector.extract %slice3A_893[0] : i32 from vector<1xi32>
      %slice3A_895 = vector.extract_strided_slice %get3A_37 {offsets = [14], sizes = [1], strides = [1]} : vector<16xi32> to vector<1xi32>
      %squeeze3A_896 = vector.extract %slice3A_895[0] : i32 from vector<1xi32>
      %add3A_897 = arith.constant 256 : i32
      %add3A_898 = arith.addi %add3A_897, %add3A_892 : i32
      %get3A_899 = arith.index_cast %add3A_898 : i32 to index
      %get3A_900 = arith.index_cast %squeeze3A_894 : i32 to index
      %get3A_901 = tpu.vector_load %arg12[%get3A_899, %get3A_900] {strides = array<i32>} : memref<512x128xf32, #tpu.memory_space<vmem>>, vector<16xf32>,
      %get3A_902 = arith.index_cast %add3A_892 : i32 to index
      %get3A_903 = arith.index_cast %squeeze3A_896 : i32 to index
      %get3A_904 = tpu.vector_load %arg13[%get3A_902, %get3A_903] {strides = array<i32>} : memref<256x128xf32, #tpu.memory_space<vmem>>, vector<16xf32>,
      %mul3A_905 = arith.mulf %get3A_901, %get3A_904 : vector<16xf32>
      %add3A_906 = arith.constant 256 : i32
      %add3A_907 = arith.addi %add3A_906, %add3A_892 : i32
      %add3A_908 = arith.constant 16 : i32
      %add3A_909 = arith.addi %squeeze3A_894, %add3A_908 : i32
      %get3A_910 = arith.index_cast %add3A_907 : i32 to index
      %get3A_911 = arith.index_cast %add3A_909 : i32 to index
      %get3A_912 = tpu.vector_load %arg12[%get3A_910, %get3A_911] {strides = array<i32>} : memref<512x128xf32, #tpu.memory_space<vmem>>, vector<16xf32>,
      %add3A_913 = arith.constant 16 : i32
      %add3A_914 = arith.addi %squeeze3A_896, %add3A_913 : i32
      %get3A_915 = arith.index_cast %add3A_892 : i32 to index
      %get3A_916 = arith.index_cast %add3A_914 : i32 to index
      %get3A_917 = tpu.vector_load %arg13[%get3A_915, %get3A_916] {strides = array<i32>} : memref<256x128xf32, #tpu.memory_space<vmem>>, vector<16xf32>,
      %mul3A_918 = arith.mulf %get3A_912, %get3A_917 : vector<16xf32>
      %add3A_919 = arith.addf %mul3A_905, %mul3A_918 : vector<16xf32>
      %add3A_920 = arith.constant 256 : i32
      %add3A_921 = arith.addi %add3A_920, %add3A_892 : i32
      %add3A_922 = arith.constant 32 : i32
      %add3A_923 = arith.addi %squeeze3A_894, %add3A_922 : i32
      %get3A_924 = arith.index_cast %add3A_921 : i32 to index
      %get3A_925 = arith.index_cast %add3A_923 : i32 to index
      %get3A_926 = tpu.vector_load %arg12[%get3A_924, %get3A_925] {strides = array<i32>} : memref<512x128xf32, #tpu.memory_space<vmem>>, vector<16xf32>,
      %add3A_927 = arith.constant 32 : i32
      %add3A_928 = arith.addi %squeeze3A_896, %add3A_927 : i32
      %get3A_929 = arith.index_cast %add3A_892 : i32 to index
      %get3A_930 = arith.index_cast %add3A_928 : i32 to index
      %get3A_931 = tpu.vector_load %arg13[%get3A_929, %get3A_930] {strides = array<i32>} : memref<256x128xf32, #tpu.memory_space<vmem>>, vector<16xf32>,
      %mul3A_932 = arith.mulf %get3A_926, %get3A_931 : vector<16xf32>
      %add3A_933 = arith.addf %add3A_919, %mul3A_932 : vector<16xf32>
      %add3A_934 = arith.constant 256 : i32
      %add3A_935 = arith.addi %add3A_934, %add3A_892 : i32
      %add3A_936 = arith.constant 48 : i32
      %add3A_937 = arith.addi %squeeze3A_894, %add3A_936 : i32
      %get3A_938 = arith.index_cast %add3A_935 : i32 to index
      %get3A_939 = arith.index_cast %add3A_937 : i32 to index
      %get3A_940 = tpu.vector_load %arg12[%get3A_938, %get3A_939] {strides = array<i32>} : memref<512x128xf32, #tpu.memory_space<vmem>>, vector<16xf32>,
      %add3A_941 = arith.constant 48 : i32
      %add3A_942 = arith.addi %squeeze3A_896, %add3A_941 : i32
      %get3A_943 = arith.index_cast %add3A_892 : i32 to index
      %get3A_944 = arith.index_cast %add3A_942 : i32 to index
      %get3A_945 = tpu.vector_load %arg13[%get3A_943, %get3A_944] {strides = array<i32>} : memref<256x128xf32, #tpu.memory_space<vmem>>, vector<16xf32>,
      %mul3A_946 = arith.mulf %get3A_940, %get3A_945 : vector<16xf32>
      %add3A_947 = arith.addf %add3A_933, %mul3A_946 : vector<16xf32>
      %swap3A_948 = arith.constant 224 : index
      %swap3A_949 = tpu.vector_load %arg16[%swap3A_948] {strides = array<i32>} : memref<256xf32, #tpu.memory_space<vmem>>, vector<16xf32>,
      tpu.vector_store %arg16[%swap3A_948], %add3A_947 {strides = array<i32>} : memref<256xf32, #tpu.memory_space<vmem>>, vector<16xf32>,
      %mul3A_950 = arith.constant 16 : i32
      %mul3A_951 = arith.muli %scan3A_30, %mul3A_950 : i32
      %add3A_952 = arith.constant 15 : i32
      %add3A_953 = arith.addi %mul3A_951, %add3A_952 : i32
      %slice3A_954 = vector.extract_strided_slice %get3A_35 {offsets = [15], sizes = [1], strides = [1]} : vector<16xi32> to vector<1xi32>
      %squeeze3A_955 = vector.extract %slice3A_954[0] : i32 from vector<1xi32>
      %slice3A_956 = vector.extract_strided_slice %get3A_37 {offsets = [15], sizes = [1], strides = [1]} : vector<16xi32> to vector<1xi32>
      %squeeze3A_957 = vector.extract %slice3A_956[0] : i32 from vector<1xi32>
      %add3A_958 = arith.constant 256 : i32
      %add3A_959 = arith.addi %add3A_958, %add3A_953 : i32
      %get3A_960 = arith.index_cast %add3A_959 : i32 to index
      %get3A_961 = arith.index_cast %squeeze3A_955 : i32 to index
      %get3A_962 = tpu.vector_load %arg12[%get3A_960, %get3A_961] {strides = array<i32>} : memref<512x128xf32, #tpu.memory_space<vmem>>, vector<16xf32>,
      %get3A_963 = arith.index_cast %add3A_953 : i32 to index
      %get3A_964 = arith.index_cast %squeeze3A_957 : i32 to index
      %get3A_965 = tpu.vector_load %arg13[%get3A_963, %get3A_964] {strides = array<i32>} : memref<256x128xf32, #tpu.memory_space<vmem>>, vector<16xf32>,
      %mul3A_966 = arith.mulf %get3A_962, %get3A_965 : vector<16xf32>
      %add3A_967 = arith.constant 256 : i32
      %add3A_968 = arith.addi %add3A_967, %add3A_953 : i32
      %add3A_969 = arith.constant 16 : i32
      %add3A_970 = arith.addi %squeeze3A_955, %add3A_969 : i32
      %get3A_971 = arith.index_cast %add3A_968 : i32 to index
      %get3A_972 = arith.index_cast %add3A_970 : i32 to index
      %get3A_973 = tpu.vector_load %arg12[%get3A_971, %get3A_972] {strides = array<i32>} : memref<512x128xf32, #tpu.memory_space<vmem>>, vector<16xf32>,
      %add3A_974 = arith.constant 16 : i32
      %add3A_975 = arith.addi %squeeze3A_957, %add3A_974 : i32
      %get3A_976 = arith.index_cast %add3A_953 : i32 to index
      %get3A_977 = arith.index_cast %add3A_975 : i32 to index
      %get3A_978 = tpu.vector_load %arg13[%get3A_976, %get3A_977] {strides = array<i32>} : memref<256x128xf32, #tpu.memory_space<vmem>>, vector<16xf32>,
      %mul3A_979 = arith.mulf %get3A_973, %get3A_978 : vector<16xf32>
      %add3A_980 = arith.addf %mul3A_966, %mul3A_979 : vector<16xf32>
      %add3A_981 = arith.constant 256 : i32
      %add3A_982 = arith.addi %add3A_981, %add3A_953 : i32
      %add3A_983 = arith.constant 32 : i32
      %add3A_984 = arith.addi %squeeze3A_955, %add3A_983 : i32
      %get3A_985 = arith.index_cast %add3A_982 : i32 to index
      %get3A_986 = arith.index_cast %add3A_984 : i32 to index
      %get3A_987 = tpu.vector_load %arg12[%get3A_985, %get3A_986] {strides = array<i32>} : memref<512x128xf32, #tpu.memory_space<vmem>>, vector<16xf32>,
      %add3A_988 = arith.constant 32 : i32
      %add3A_989 = arith.addi %squeeze3A_957, %add3A_988 : i32
      %get3A_990 = arith.index_cast %add3A_953 : i32 to index
      %get3A_991 = arith.index_cast %add3A_989 : i32 to index
      %get3A_992 = tpu.vector_load %arg13[%get3A_990, %get3A_991] {strides = array<i32>} : memref<256x128xf32, #tpu.memory_space<vmem>>, vector<16xf32>,
      %mul3A_993 = arith.mulf %get3A_987, %get3A_992 : vector<16xf32>
      %add3A_994 = arith.addf %add3A_980, %mul3A_993 : vector<16xf32>
      %add3A_995 = arith.constant 256 : i32
      %add3A_996 = arith.addi %add3A_995, %add3A_953 : i32
      %add3A_997 = arith.constant 48 : i32
      %add3A_998 = arith.addi %squeeze3A_955, %add3A_997 : i32
      %get3A_999 = arith.index_cast %add3A_996 : i32 to index
      %get3A_1000 = arith.index_cast %add3A_998 : i32 to index
      %get3A_1001 = tpu.vector_load %arg12[%get3A_999, %get3A_1000] {strides = array<i32>} : memref<512x128xf32, #tpu.memory_space<vmem>>, vector<16xf32>,
      %add3A_1002 = arith.constant 48 : i32
      %add3A_1003 = arith.addi %squeeze3A_957, %add3A_1002 : i32
      %get3A_1004 = arith.index_cast %add3A_953 : i32 to index
      %get3A_1005 = arith.index_cast %add3A_1003 : i32 to index
      %get3A_1006 = tpu.vector_load %arg13[%get3A_1004, %get3A_1005] {strides = array<i32>} : memref<256x128xf32, #tpu.memory_space<vmem>>, vector<16xf32>,
      %mul3A_1007 = arith.mulf %get3A_1001, %get3A_1006 : vector<16xf32>
      %add3A_1008 = arith.addf %add3A_994, %mul3A_1007 : vector<16xf32>
      %swap3A_1009 = arith.constant 240 : index
      %swap3A_1010 = tpu.vector_load %arg16[%swap3A_1009] {strides = array<i32>} : memref<256xf32, #tpu.memory_space<vmem>>, vector<16xf32>,
      tpu.vector_store %arg16[%swap3A_1009], %add3A_1008 {strides = array<i32>} : memref<256xf32, #tpu.memory_space<vmem>>, vector<16xf32>,
      %get3A_1011 = arith.index_cast %add3A_34 : i32 to index
      %get3A_1012 = tpu.vector_load %arg14[%get3A_1011] {strides = array<i32>} : memref<512xf32, #tpu.memory_space<vmem>>, vector<16xf32>,
      %mul3A_1013 = arith.constant 16 : i32
      %mul3A_1014 = vector.broadcast %mul3A_1013 : i32 to vector<16xi32>
      %mul3A_1015 = arith.muli %iota3A, %mul3A_1014 : vector<16xi32>
      %add3A_1016 = arith.constant 0 : i32
      %add3A_1017 = vector.broadcast %add3A_1016 : i32 to vector<16xi32>
      %add3A_1018 = arith.addi %mul3A_1015, %add3A_1017 : vector<16xi32>
      %gather3A = tpu.vector_load_idx %arg16[%add3A_1018] : memref<256xf32, #tpu.memory_space<vmem>>[vector<16xi32>], vector<16xf32>,
      %add3A_1019 = arith.addf %get3A_1012, %gather3A : vector<16xf32>
      %mul3A_1020 = arith.constant 16 : i32
      %mul3A_1021 = vector.broadcast %mul3A_1020 : i32 to vector<16xi32>
      %mul3A_1022 = arith.muli %iota3A, %mul3A_1021 : vector<16xi32>
      %add3A_1023 = arith.constant 1 : i32
      %add3A_1024 = vector.broadcast %add3A_1023 : i32 to vector<16xi32>
      %add3A_1025 = arith.addi %mul3A_1022, %add3A_1024 : vector<16xi32>
      %gather3A_1026 = tpu.vector_load_idx %arg16[%add3A_1025] : memref<256xf32, #tpu.memory_space<vmem>>[vector<16xi32>], vector<16xf32>,
      %add3A_1027 = arith.addf %add3A_1019, %gather3A_1026 : vector<16xf32>
      %mul3A_1028 = arith.constant 16 : i32
      %mul3A_1029 = vector.broadcast %mul3A_1028 : i32 to vector<16xi32>
      %mul3A_1030 = arith.muli %iota3A, %mul3A_1029 : vector<16xi32>
      %add3A_1031 = arith.constant 2 : i32
      %add3A_1032 = vector.broadcast %add3A_1031 : i32 to vector<16xi32>
      %add3A_1033 = arith.addi %mul3A_1030, %add3A_1032 : vector<16xi32>
      %gather3A_1034 = tpu.vector_load_idx %arg16[%add3A_1033] : memref<256xf32, #tpu.memory_space<vmem>>[vector<16xi32>], vector<16xf32>,
      %add3A_1035 = arith.addf %add3A_1027, %gather3A_1034 : vector<16xf32>
      %mul3A_1036 = arith.constant 16 : i32
      %mul3A_1037 = vector.broadcast %mul3A_1036 : i32 to vector<16xi32>
      %mul3A_1038 = arith.muli %iota3A, %mul3A_1037 : vector<16xi32>
      %add3A_1039 = arith.constant 3 : i32
      %add3A_1040 = vector.broadcast %add3A_1039 : i32 to vector<16xi32>
      %add3A_1041 = arith.addi %mul3A_1038, %add3A_1040 : vector<16xi32>
      %gather3A_1042 = tpu.vector_load_idx %arg16[%add3A_1041] : memref<256xf32, #tpu.memory_space<vmem>>[vector<16xi32>], vector<16xf32>,
      %add3A_1043 = arith.addf %add3A_1035, %gather3A_1042 : vector<16xf32>
      %mul3A_1044 = arith.constant 16 : i32
      %mul3A_1045 = vector.broadcast %mul3A_1044 : i32 to vector<16xi32>
      %mul3A_1046 = arith.muli %iota3A, %mul3A_1045 : vector<16xi32>
      %add3A_1047 = arith.constant 4 : i32
      %add3A_1048 = vector.broadcast %add3A_1047 : i32 to vector<16xi32>
      %add3A_1049 = arith.addi %mul3A_1046, %add3A_1048 : vector<16xi32>
      %gather3A_1050 = tpu.vector_load_idx %arg16[%add3A_1049] : memref<256xf32, #tpu.memory_space<vmem>>[vector<16xi32>], vector<16xf32>,
      %add3A_1051 = arith.addf %add3A_1043, %gather3A_1050 : vector<16xf32>
      %mul3A_1052 = arith.constant 16 : i32
      %mul3A_1053 = vector.broadcast %mul3A_1052 : i32 to vector<16xi32>
      %mul3A_1054 = arith.muli %iota3A, %mul3A_1053 : vector<16xi32>
      %add3A_1055 = arith.constant 5 : i32
      %add3A_1056 = vector.broadcast %add3A_1055 : i32 to vector<16xi32>
      %add3A_1057 = arith.addi %mul3A_1054, %add3A_1056 : vector<16xi32>
      %gather3A_1058 = tpu.vector_load_idx %arg16[%add3A_1057] : memref<256xf32, #tpu.memory_space<vmem>>[vector<16xi32>], vector<16xf32>,
      %add3A_1059 = arith.addf %add3A_1051, %gather3A_1058 : vector<16xf32>
      %mul3A_1060 = arith.constant 16 : i32
      %mul3A_1061 = vector.broadcast %mul3A_1060 : i32 to vector<16xi32>
      %mul3A_1062 = arith.muli %iota3A, %mul3A_1061 : vector<16xi32>
      %add3A_1063 = arith.constant 6 : i32
      %add3A_1064 = vector.broadcast %add3A_1063 : i32 to vector<16xi32>
      %add3A_1065 = arith.addi %mul3A_1062, %add3A_1064 : vector<16xi32>
      %gather3A_1066 = tpu.vector_load_idx %arg16[%add3A_1065] : memref<256xf32, #tpu.memory_space<vmem>>[vector<16xi32>], vector<16xf32>,
      %add3A_1067 = arith.addf %add3A_1059, %gather3A_1066 : vector<16xf32>
      %mul3A_1068 = arith.constant 16 : i32
      %mul3A_1069 = vector.broadcast %mul3A_1068 : i32 to vector<16xi32>
      %mul3A_1070 = arith.muli %iota3A, %mul3A_1069 : vector<16xi32>
      %add3A_1071 = arith.constant 7 : i32
      %add3A_1072 = vector.broadcast %add3A_1071 : i32 to vector<16xi32>
      %add3A_1073 = arith.addi %mul3A_1070, %add3A_1072 : vector<16xi32>
      %gather3A_1074 = tpu.vector_load_idx %arg16[%add3A_1073] : memref<256xf32, #tpu.memory_space<vmem>>[vector<16xi32>], vector<16xf32>,
      %add3A_1075 = arith.addf %add3A_1067, %gather3A_1074 : vector<16xf32>
      %mul3A_1076 = arith.constant 16 : i32
      %mul3A_1077 = vector.broadcast %mul3A_1076 : i32 to vector<16xi32>
      %mul3A_1078 = arith.muli %iota3A, %mul3A_1077 : vector<16xi32>
      %add3A_1079 = arith.constant 8 : i32
      %add3A_1080 = vector.broadcast %add3A_1079 : i32 to vector<16xi32>
      %add3A_1081 = arith.addi %mul3A_1078, %add3A_1080 : vector<16xi32>
      %gather3A_1082 = tpu.vector_load_idx %arg16[%add3A_1081] : memref<256xf32, #tpu.memory_space<vmem>>[vector<16xi32>], vector<16xf32>,
      %add3A_1083 = arith.addf %add3A_1075, %gather3A_1082 : vector<16xf32>
      %mul3A_1084 = arith.constant 16 : i32
      %mul3A_1085 = vector.broadcast %mul3A_1084 : i32 to vector<16xi32>
      %mul3A_1086 = arith.muli %iota3A, %mul3A_1085 : vector<16xi32>
      %add3A_1087 = arith.constant 9 : i32
      %add3A_1088 = vector.broadcast %add3A_1087 : i32 to vector<16xi32>
      %add3A_1089 = arith.addi %mul3A_1086, %add3A_1088 : vector<16xi32>
      %gather3A_1090 = tpu.vector_load_idx %arg16[%add3A_1089] : memref<256xf32, #tpu.memory_space<vmem>>[vector<16xi32>], vector<16xf32>,
      %add3A_1091 = arith.addf %add3A_1083, %gather3A_1090 : vector<16xf32>
      %mul3A_1092 = arith.constant 16 : i32
      %mul3A_1093 = vector.broadcast %mul3A_1092 : i32 to vector<16xi32>
      %mul3A_1094 = arith.muli %iota3A, %mul3A_1093 : vector<16xi32>
      %add3A_1095 = arith.constant 10 : i32
      %add3A_1096 = vector.broadcast %add3A_1095 : i32 to vector<16xi32>
      %add3A_1097 = arith.addi %mul3A_1094, %add3A_1096 : vector<16xi32>
      %gather3A_1098 = tpu.vector_load_idx %arg16[%add3A_1097] : memref<256xf32, #tpu.memory_space<vmem>>[vector<16xi32>], vector<16xf32>,
      %add3A_1099 = arith.addf %add3A_1091, %gather3A_1098 : vector<16xf32>
      %mul3A_1100 = arith.constant 16 : i32
      %mul3A_1101 = vector.broadcast %mul3A_1100 : i32 to vector<16xi32>
      %mul3A_1102 = arith.muli %iota3A, %mul3A_1101 : vector<16xi32>
      %add3A_1103 = arith.constant 11 : i32
      %add3A_1104 = vector.broadcast %add3A_1103 : i32 to vector<16xi32>
      %add3A_1105 = arith.addi %mul3A_1102, %add3A_1104 : vector<16xi32>
      %gather3A_1106 = tpu.vector_load_idx %arg16[%add3A_1105] : memref<256xf32, #tpu.memory_space<vmem>>[vector<16xi32>], vector<16xf32>,
      %add3A_1107 = arith.addf %add3A_1099, %gather3A_1106 : vector<16xf32>
      %mul3A_1108 = arith.constant 16 : i32
      %mul3A_1109 = vector.broadcast %mul3A_1108 : i32 to vector<16xi32>
      %mul3A_1110 = arith.muli %iota3A, %mul3A_1109 : vector<16xi32>
      %add3A_1111 = arith.constant 12 : i32
      %add3A_1112 = vector.broadcast %add3A_1111 : i32 to vector<16xi32>
      %add3A_1113 = arith.addi %mul3A_1110, %add3A_1112 : vector<16xi32>
      %gather3A_1114 = tpu.vector_load_idx %arg16[%add3A_1113] : memref<256xf32, #tpu.memory_space<vmem>>[vector<16xi32>], vector<16xf32>,
      %add3A_1115 = arith.addf %add3A_1107, %gather3A_1114 : vector<16xf32>
      %mul3A_1116 = arith.constant 16 : i32
      %mul3A_1117 = vector.broadcast %mul3A_1116 : i32 to vector<16xi32>
      %mul3A_1118 = arith.muli %iota3A, %mul3A_1117 : vector<16xi32>
      %add3A_1119 = arith.constant 13 : i32
      %add3A_1120 = vector.broadcast %add3A_1119 : i32 to vector<16xi32>
      %add3A_1121 = arith.addi %mul3A_1118, %add3A_1120 : vector<16xi32>
      %gather3A_1122 = tpu.vector_load_idx %arg16[%add3A_1121] : memref<256xf32, #tpu.memory_space<vmem>>[vector<16xi32>], vector<16xf32>,
      %add3A_1123 = arith.addf %add3A_1115, %gather3A_1122 : vector<16xf32>
      %mul3A_1124 = arith.constant 16 : i32
      %mul3A_1125 = vector.broadcast %mul3A_1124 : i32 to vector<16xi32>
      %mul3A_1126 = arith.muli %iota3A, %mul3A_1125 : vector<16xi32>
      %add3A_1127 = arith.constant 14 : i32
      %add3A_1128 = vector.broadcast %add3A_1127 : i32 to vector<16xi32>
      %add3A_1129 = arith.addi %mul3A_1126, %add3A_1128 : vector<16xi32>
      %gather3A_1130 = tpu.vector_load_idx %arg16[%add3A_1129] : memref<256xf32, #tpu.memory_space<vmem>>[vector<16xi32>], vector<16xf32>,
      %add3A_1131 = arith.addf %add3A_1123, %gather3A_1130 : vector<16xf32>
      %mul3A_1132 = arith.constant 16 : i32
      %mul3A_1133 = vector.broadcast %mul3A_1132 : i32 to vector<16xi32>
      %mul3A_1134 = arith.muli %iota3A, %mul3A_1133 : vector<16xi32>
      %add3A_1135 = arith.constant 15 : i32
      %add3A_1136 = vector.broadcast %add3A_1135 : i32 to vector<16xi32>
      %add3A_1137 = arith.addi %mul3A_1134, %add3A_1136 : vector<16xi32>
      %gather3A_1138 = tpu.vector_load_idx %arg16[%add3A_1137] : memref<256xf32, #tpu.memory_space<vmem>>[vector<16xi32>], vector<16xf32>,
      %add3A_1139 = arith.addf %add3A_1131, %gather3A_1138 : vector<16xf32>
      %swap3A_1140 = arith.index_cast %add3A_34 : i32 to index
      %swap3A_1141 = tpu.vector_load %arg15[%swap3A_1140] {strides = array<i32>} : memref<512xf32, #tpu.memory_space<vmem>>, vector<16xf32>,
      tpu.vector_store %arg15[%swap3A_1140], %add3A_1139 {strides = array<i32>} : memref<512xf32, #tpu.memory_space<vmem>>, vector<16xf32>,
    }
    %scan3A_29 = arith.constant 16 : i32
    "tpu.region"() ({
      %run_scoped3A = tpu.sem_alloc : memref<!tpu.dma_semaphore, #tpu.memory_space<semaphore_mem>>
      %dma_start3A_30 = tpu.memref_slice %arg8[%mul3A_2] : memref<16384xf32, #tpu.memory_space<hbm>> -> memref<512xf32, #tpu.memory_space<hbm>>
      %dma_start3A_31 = tpu.memref_slice %arg8[%mul3A_2] : memref<16384xf32, #tpu.memory_space<hbm>> -> memref<512xf32, #tpu.memory_space<hbm>>
      tpu.enqueue_dma source(%arg15 : memref<512xf32, #tpu.memory_space<vmem>>) target(%dma_start3A_31 : memref<512xf32, #tpu.memory_space<hbm>>) target_semaphore(%run_scoped3A : memref<!tpu.dma_semaphore, #tpu.memory_space<semaphore_mem>>)
      %dma_wait3A_32 = tpu.memref_slice %arg8[%mul3A_2] : memref<16384xf32, #tpu.memory_space<hbm>> -> memref<512xf32, #tpu.memory_space<hbm>>
      %dma_wait3A_33 = tpu.memref_slice %arg8[%mul3A_2] : memref<16384xf32, #tpu.memory_space<hbm>> -> memref<512xf32, #tpu.memory_space<hbm>>
      tpu.wait_dma2 semaphore(%run_scoped3A : memref<!tpu.dma_semaphore, #tpu.memory_space<semaphore_mem>>) src(%arg15 : memref<512xf32, #tpu.memory_space<vmem>>) dst(%dma_wait3A_33 : memref<512xf32, #tpu.memory_space<hbm>>)
      tpu.yield
    }) : () -> ()
    return
  }
}

module attributes {stable_mosaic.version = 14 : i64} {
  func.func @_repack_body(%arg0: i32, %arg1: memref<64x12800xf32, #tpu.memory_space<vmem>>, %arg2: memref<64x12800xf32, #tpu.memory_space<vmem>>, %arg3: memref<12800x128xf32, #tpu.memory_space<vmem>>) attributes {dimension_semantics = [#tpu.dimension_semantics<arbitrary>], iteration_bounds = array<i64: 40>, scalar_prefetch = 0 : i64, scratch_operands = 0 : i64, tpu.core_type = #tpu.core_type<tc>, window_params = [{transform_indices = @transform_0, window_bounds = array<i64: 64, 12800>}, {transform_indices = @transform_1, window_bounds = array<i64: 64, 12800>}, {transform_indices = @transform_2, window_bounds = array<i64: 12800, 128>}]} {
    %get3A = arith.constant 0 : index
    %get3A_0 = arith.constant 0 : index
    %get3A_1 = vector.load %arg1[%get3A, %get3A_0] : memref<64x12800xf32, #tpu.memory_space<vmem>>, vector<64x12800xf32>
    %transpose3A = tpu.transpose %get3A_1, [1, 0] : vector<64x12800xf32> -> vector<12800x64xf32>
    %swap3A = arith.constant 0 : index
    %swap3A_2 = arith.constant 0 : index
    %swap3A_3 = vector.load %arg3[%swap3A, %swap3A_2] : memref<12800x128xf32, #tpu.memory_space<vmem>>, vector<12800x64xf32>
    tpu.vector_store %arg3[%swap3A, %swap3A_2], %transpose3A {strides = array<i32>} : memref<12800x128xf32, #tpu.memory_space<vmem>>, vector<12800x64xf32>,
    %get3A_4 = arith.constant 0 : index
    %get3A_5 = arith.constant 0 : index
    %get3A_6 = vector.load %arg2[%get3A_4, %get3A_5] : memref<64x12800xf32, #tpu.memory_space<vmem>>, vector<64x12800xf32>
    %transpose3A_7 = tpu.transpose %get3A_6, [1, 0] : vector<64x12800xf32> -> vector<12800x64xf32>
    %swap3A_8 = arith.constant 0 : index
    %swap3A_9 = arith.constant 64 : index
    %swap3A_10 = vector.load %arg3[%swap3A_8, %swap3A_9] : memref<12800x128xf32, #tpu.memory_space<vmem>>, vector<12800x64xf32>
    tpu.vector_store %arg3[%swap3A_8, %swap3A_9], %transpose3A_7 {strides = array<i32>} : memref<12800x128xf32, #tpu.memory_space<vmem>>, vector<12800x64xf32>,
    return
  }
  func.func @transform_0(%arg0: i32) -> (i32, i32) {
    %c0_i32 = arith.constant 0 : i32
    %c0_i32_0 = arith.constant 0 : i32
    return %c0_i32, %arg0 : i32, i32
  }
  func.func @transform_1(%arg0: i32) -> (i32, i32) {
    %add3A = arith.constant 40 : i32
    %add3A_0 = arith.addi %arg0, %add3A : i32
    %min3A = arith.constant 78 : i32
    %min3A_1 = arith.minsi %add3A_0, %min3A : i32
    %c0_i32 = arith.constant 0 : i32
    %c0_i32_2 = arith.constant 0 : i32
    return %c0_i32, %min3A_1 : i32, i32
  }
  func.func @transform_2(%arg0: i32) -> (i32, i32) {
    %c0_i32 = arith.constant 0 : i32
    %c0_i32_0 = arith.constant 0 : i32
    return %arg0, %c0_i32 : i32, i32
  }
}

</mosaic_0001>

<sc_bundles>
// kernel: kernel.6.cloned.1.call-start
scs
__scs_entry_jumppad:
0x0: {  	(pc) =	sbr.rel $0x88, $3  }
0x1: {  	(tag) =	ssettag $0x0;
	lr =	simm.s32 $0x1  }
0x2: {  	[smem:$0x3F9B] =	sst lr;
	_ =	strace $0xD0000000  }
0x3: {  	_ = 	snop  }
0x4: {  	_ = 	snop  }
0x5: {  	_ = 	snop  }
0x6: {  	_ = 	snop  }
0x7: {  	_ = 	snop  }
__scs_overlays_trampoline_lowered:
0x8: {  	[smem:$0x3FAA] =	sst s0  }
0x9: {  	[smem:$0x3FAB] =	sst s1  }
0xa: {  	[smem:$0x3FAC] =	sst s2  }
0xb: {  	[smem:$0x3FAD] =	sst s3  }
0xc: {  	[smem:$0x3FAE] =	sst s4  }
0xd: {  	[smem:$0x3FAF] =	sst s5  }
0xe: {  	[smem:$0x3FB0] =	sst s6  }
0xf: {  	[smem:$0x3FB1] =	sst s7  }
0x10: {  	[smem:$0x3FB2] =	sst s8  }
0x11: {  	[smem:$0x3FB3] =	sst s9;
	s0 =	simm.s32 @!p0 $0x0  }
0x12: {  	s1 =	sld [smem:$0x3F99];
	s0 =	simm.s32 @p0 $0x1  }
0x13: {  	[smem:$0x3FB4] =	sst s0;
	s0 =	simm.s32 @!p1 $0x0  }
0x14: {  	s2 =	sld [smem:$0x3F98];
	s0 =	simm.s32 @p1 $0x1  }
0x15: {  	[smem:$0x3FB5] =	sst s0;
	s0 =	simm.s32 @!p2 $0x0  }
0x16: {  	s3 =	sld [smem:$0x3FDB];
	s0 =	simm.s32 @p2 $0x1  }
0x17: {  	s4 =	simm.s32 $0x1BF5;
	[smem:$0x3FB7] =	sst s0  }
0x18: {  	s0 =	sld [smem:$0x3F9A];
	_ =	swait.ge [sflag:s4], $0x0  }
0x19: {  	s7 =	sld [smem:$0x3F9B]  }
0x1a: {  	s8 =	sadd.s32 $0xFFFFE003, lr  }
0x1b: {  	s9 =	sadd.s32 $0xFFFFFEF7, lr;
	s5 =	simm.s32 $0xFFFFFFFF;
	p2 =	slt.u32 s8, $0xFFFFF086  }
0x1c: {  	p1 =	slt.u32 s9, $0xF7A;
	s5 =	simm.s32 @!p2 $0x0  }
0x1d: {  	s5 =	simm.s32 @p1 $0x1;
	p0 =	seq.s32 s7, s2  }
0x1e: {  	s7 =	smul.u32 @!p0 $0xF7A, s2;
	p2 =	seq.s32 @!p0 s5, $0x0  }
0x1f: {  	s9 =	smul.u32 $0xF7A, s1;
	s8 =	simm.s32 @!p0 $0x1BF5;
	p2 =	por !p2, p0  }
0x20: {  	[sflag:s8] =	ssyncset.s32 @!p0 $0xFFFFF086;
	s6 =	sadd.s32 @!p0 s3, s7;
	s7 =	simm.s32 @!p0 $0x108  }
0x21: {  	s3 =	sadd.s32 s3, s9;
	s6 =	sadd.s32 @!p0 $0x88, s6;
	s7 =	simm.s32 @p2 $0x1082  }
0x22: {  	[simem:s7], [sflag:s8] =	dma.local @!p0 [hbm:s6], $0xF7A  }
0x23: {  	s9 =	sor.u32 $0xD0000000, s2;
	s6 =	simm.s32 $0x108;
	_ =	swait.ge @!p0 [sflag:s8], $0x0  }
0x24: {  	s3 =	sadd.s32 $0x88, s3;
	s6 =	simm.s32 @!p1 $0x1082;
	[sflag:s4] =	ssyncset.s32 $0xFFFFF086  }
0x25: {  	[simem:s6], [sflag:s4] =	dma.local [hbm:s3], $0xF7A  }
0x26: {  	[smem:$0x3F9B] =	sst s1;
	(tag) =	ssettag s2;
	_ =	strace s9  }
0x27: {  	s1 =	sld [smem:$0x3FAB]  }
0x28: {  	s2 =	sld [smem:$0x3FAC]  }
0x29: {  	s4 =	sld [smem:$0x3FAE]  }
0x2a: {  	p0 =	seq.s32 s5, $0x0;
	s5 =	sld [smem:$0x3FAF]  }
0x2b: {  	s6 =	sld [smem:$0x3FB0]  }
0x2c: {  	s7 =	sld [smem:$0x3FB1]  }
0x2d: {  	s3 =	simm.s32 $0x108;
	s8 =	sld [smem:$0x3FB2]  }
0x2e: {  	s3 =	simm.s32 @!p0 $0x1082;
	s9 =	sld [smem:$0x3FB3]  }
0x2f: {  	lr =	sadd.s32 s0, s3;
	s0 =	sld [smem:$0x3FAA]  }
0x30: {  	s3 =	sld [smem:$0x3FAD]  }
0x31: {  	[smem:$0x3FB6] =	sst s10  }
0x32: {  	s10 =	sld [smem:$0x3FB4];
	_ =	sdelay $0x3  }
0x33: {  	p0 =	seq.s32 s10, $0x1;
	s10 =	sld [smem:$0x3FB6];
	_ =	sdelay $0x3  }
0x34: {  	[smem:$0x3FB6] =	sst s10  }
0x35: {  	s10 =	sld [smem:$0x3FB5];
	_ =	sdelay $0x3  }
0x36: {  	p1 =	seq.s32 s10, $0x1;
	s10 =	sld [smem:$0x3FB6];
	_ =	sdelay $0x3  }
0x37: {  	[smem:$0x3FB6] =	sst s10  }
0x38: {  	s10 =	sld [smem:$0x3FB7]  }
0x39: {  	_ = 	snop;
	(pc) =	sbr.ind lr, $3  }
0x3a: {  	_ = 	snop  }
0x3b: {  	_ = 	snop  }
0x3c: {  	p2 =	seq.s32 s10, $0x1;
	s10 =	sld [smem:$0x3FB6]  }
0x3d: {  	_ =	shalt  }
0x3e: {  	_ =	shalt  }
0x3f: {  	_ =	shalt  }
0x40: {  	_ =	shalt  }
0x41: {  	_ =	shalt  }
0x42: {  	_ =	shalt  }
0x43: {  	_ =	shalt  }
0x44: {  	_ =	shalt  }
0x45: {  	_ =	shalt  }
0x46: {  	_ =	shalt  }
0x47: {  	_ =	shalt  }
0x48: {  	_ =	shalt  }
0x49: {  	_ =	shalt  }
0x4a: {  	_ =	shalt  }
0x4b: {  	_ =	shalt  }
0x4c: {  	_ =	shalt  }
0x4d: {  	_ =	shalt  }
0x4e: {  	_ =	shalt  }
0x4f: {  	_ =	shalt  }
0x50: {  	_ =	shalt  }
0x51: {  	_ =	shalt  }
0x52: {  	_ =	shalt  }
0x53: {  	_ =	shalt  }
0x54: {  	_ =	shalt  }
0x55: {  	_ =	shalt  }
0x56: {  	_ =	shalt  }
0x57: {  	_ =	shalt  }
0x58: {  	_ =	shalt  }
0x59: {  	_ =	shalt  }
0x5a: {  	_ =	shalt  }
0x5b: {  	_ =	shalt  }
0x5c: {  	_ =	shalt  }
0x5d: {  	_ =	shalt  }
0x5e: {  	_ =	shalt  }
0x5f: {  	_ =	shalt  }
0x60: {  	_ =	shalt  }
0x61: {  	_ =	shalt  }
0x62: {  	_ =	shalt  }
0x63: {  	_ =	shalt  }
0x64: {  	_ =	shalt  }
0x65: {  	_ =	shalt  }
0x66: {  	_ =	shalt  }
0x67: {  	_ =	shalt  }
0x68: {  	_ =	shalt  }
0x69: {  	_ =	shalt  }
0x6a: {  	_ =	shalt  }
0x6b: {  	_ =	shalt  }
0x6c: {  	_ =	shalt  }
0x6d: {  	_ =	shalt  }
0x6e: {  	_ =	shalt  }
0x6f: {  	_ =	shalt  }
0x70: {  	_ =	shalt  }
0x71: {  	_ =	shalt  }
0x72: {  	_ =	shalt  }
0x73: {  	_ =	shalt  }
0x74: {  	_ =	shalt  }
0x75: {  	_ =	shalt  }
0x76: {  	_ =	shalt  }
0x77: {  	_ =	shalt  }
0x78: {  	_ =	shalt  }
0x79: {  	_ =	shalt  }
0x7a: {  	_ =	shalt  }
0x7b: {  	_ =	shalt  }
0x7c: {  	_ =	shalt  }
0x7d: {  	_ =	shalt  }
0x7e: {  	_ =	shalt  }
0x7f: {  	_ =	shalt  }
0x80: {  	_ =	shalt  }
0x81: {  	_ =	shalt  }
0x82: {  	_ =	shalt  }
0x83: {  	_ =	shalt  }
0x84: {  	_ =	shalt  }
0x85: {  	_ =	shalt  }
0x86: {  	_ =	shalt  }
0x87: {  	_ =	shalt  }
.Lfunc_end0:
.L_simem_size_0:
called_computation_lowered:
.L_overlay_start_0:
0x88: {  	s2 =	sld [smem:$0x3FD9]  }
0x89: {  	s3 =	sld [smem:$0x3FFE];
	_ =	sdelay $0x1  }
0x8a: {  	s1 =	srdreg.scid  }
0x8b: {  	s0 =	sand.u32 $0x1, s1  }
0x8c: {  	s17 =	sshll.u32 s0, $0xA;
	s2 =	sadd.s32 s3, s2  }
0x8d: {  	s2 =	sadd.s32 s2, s17  }
0x8e: {  	[smem:$0x3FC2] =	sst s2  }
0x8f: {  	_ = 	snop  }
0x90: {  	s2 =	sld [smem:$0x3FC9]  }
0x91: {  	s18 =	sld [smem:$0x3FC8]  }
0x92: {  	s4 =	sld [smem:$0x3FD0];
	(tm) =	ssettm $0x1  }
0x93: {  	s5 =	sld [smem:$0x3FFB];
	_ =	sdelay $0x3  }
0x94: {  	_ =	strace s5  }
0x95: {  	s5 =	sld [smem:$0x3FFC];
	_ =	sdelay $0x3  }
0x96: {  	_ =	strace s5  }
0x97: {  	s5 =	sld [smem:$0x3FFD];
	_ =	sdelay $0x3  }
0x98: {  	_ =	strace s5  }
0x99: {  	_ =	strace $0x8FFFFFFF  }
0x9a: {  	s19 =	sld [smem:$0x3FDB];
	_ =	sdelay $0x1  }
0x9b: {  	s6 =	simm.s32 $_scs_section_size  }
0x9c: {  	s7 =	simm.s32 $_size__tile_overlayer_lowered;
	s8 =	simm.s32 $_tile_overlayer_lowered  }
0x9d: {  	s22 =	simm.s32 $0x1BFF;
	s21 =	sshll.u32 s8, $0x1;
	s5 =	sadd.s32 s6, s19  }
0x9e: {  	s9 =	simm.s32 $0x0;
	s20 =	sshll.u32 s7, $0x1;
	s7 =	sadd.s32 s21, s5  }
0x9f: {  	[timem:s9], [sflag:s22] =	dma.local [hbm:s7], s20  }
0xa0: {  	_ =	swait.ge [sflag:s22], s20  }
0xa1: {  	s6 =	ssub.s32 $0x0, s20;
	[sflag:s22] =	ssyncset.done $0x0  }
0xa2: {  	[sflag:s22] =	ssyncadd.s32 s6;
	_ =	sdelay $0x1  }
0xa3: {  	s23 =	simm.s32 $0x1B8B  }
0xa4: {  	_ =	swait.ge [sflag:s23], $0x1  }
0xa5: {  	[sflag:s23] =	ssyncset.done $0x0  }
0xa6: {  	s25 =	simm.s32 $0x1B8E;
	s24 =	sld [smem:$0x3FFE];
	[sflag:s23] =	ssyncadd.s32 $0xFFFFFFFF  }
0xa7: {  	s26 =	simm.s32 $execute0_lowered;
	[smem:$0x3FD2] =	sst s25  }
0xa8: {  	s7 =	sshll.u32 s26, $0x1;
	_ =	strace $0x80000046;
	[dreg:$0x1] =	wrdreg $0xFFFFFFFF  }
0xa9: {  	s28 =	simm.s32 $_size_execute0_lowered;
	s5 =	sadd.s32 s5, s7;
	[dreg:$0x0] =	wrdreg $0x0  }
0xaa: {  	s7 =	sshll.u32 s28, $0x1;
	[dreg:$0x2] =	wrdreg s5  }
0xab: {  	[dreg:$0x3] =	wrdreg s7  }
0xac: {  	[dreg:$0x4] =	wrdreg $0xC0  }
0xad: {  	_ =	task [dreg:s9], $0x5FFFF  }
0xae: {  	[dreg:$0x1] =	wrdreg $0xFFFFFFFF  }
0xaf: {  	[dreg:$0x0] =	wrdreg $0x60  }
0xb0: {  	[dreg:$0x2] =	wrdreg s4  }
0xb1: {  	[dreg:$0x3] =	wrdreg s2  }
0xb2: {  	[dreg:$0x4] =	wrdreg s18  }
0xb3: {  	[dreg:$0x5] =	wrdreg s24  }
0xb4: {  	[dreg:$0x6] =	wrdreg $0x9  }
0xb5: {  	_ =	task.clear_ibuf [dreg:s9], $0x7FFFF;
	_ =	strace $0x90000046  }
0xb6: {  	s29 =	simm.s32 $0x9;
	_ =	strace $0x80000048  }
0xb7: {  	_ =	swait.ge [sflag:s29], $0x1  }
0xb8: {  	[sflag:s29] =	ssyncadd.s32 $0xFFFFFFFF  }
0xb9: {  	_ =	strace $0x90000048  }
0xba: {  	_ =	sfence  }
0xbb: {  	s30 =	sld [smem:$0x0];
	_ =	sdelay $0x2  }
0xbc: {  	s31 =	sshll.u32 s1, $0xD;
	s1 =	sshrl.u32 s1, $0x2  }
0xbd: {  	s3 =	sand.u32 $0x4000, s31;
	s1 =	sadd.s32 s1, s30  }
0xbe: {  	s0 =	sor.u32 s3, s0;
	s1 =	sshll.u32 s1, $0x11  }
0xbf: {  	s0 =	sor.u32 s1, s0  }
0xc0: {  	s0 =	sadd.s32 $0x8F2B, s0  }
0xc1: {  	[sflag:s0] =	ssyncadd.remote.s32 $0x1  }
0xc2: {  	_ =	sfence.sel $0xFFFF  }
0xc3: {  	[dreg:$0x0] =	wrdreg $0xFFFFFFFF;
	(pc) =	sbr.abs _section_cstart, $3  }
0xc4: {  	[dreg:$0x1] =	wrdreg $0xFFFFFFFF  }
0xc5: {  	_ =	task.clear_ibuf [dreg:s9], $0x2FFFF;
	_ =	strace $0x9FFFFFFF  }
0xc6: {  	(tm) =	ssettm $0x7FFFFFFF  }
0xc7: {  	_ =	shalt  }
tec
execute0_lowered:
.L_overlay_start_1:
0x0: {  	(tag) =	ssettag $0x1  }
0x1: {  	s6 =	rddreg [dreg:$0x0]  }
0x2: {  	s7 =	rddreg [dreg:$0x1]  }
0x3: {  	s8 =	rddreg [dreg:$0x2]  }
0x4: {  	s9 =	rddreg [dreg:$0x3]  }
0x5: {  	s0 =	rddreg [dreg:$0x4]  }
0x6: {  	s2 =	simm.s32 $0x0;
	s3 =	srdreg.scid;
	s1 =	stileid.u32  }
0x7: {  	s15 =	simm.s32 $0x10600;
	s16 =	simm.s32 $0x10800;
	s17 =	simm.s32 $0x600  }
0x8: {  	s18 =	simm.s32 $0x1;
	s19 =	simm.s32 $0x0;
	[smem:$0x7FF] =	sst s2  }
0x9: {  	s10 =	sand.u32 $0x1, s3;
	s3 =	sadd.s32 $0x1400, s9;
	s4 =	sadd.s32 $0x7EFE00, s9  }
0xa: {  	s11 =	sshll.u32 s1, $0xA;
	s5 =	sadd.s32 $0x7D1400, s9;
	s12 =	sshll.u32 s10, $0x9  }
0xb: {  	_ =	strace $0x80000047;
	s10 =	ssub.s32 $0x2, s10;
	s11 =	sor.u32 s12, s11  }
0xc: {  	s31 =	sshrl.u32 s10, $0x1;
	s12 =	sshrl.u32 s11, $0x3;
	s11 =	sshll.u32 s11, $0x4  }
0xd: {  	s14 =	ssub.s32 s10, s31;
	s13 =	sadd.s32 s12, s9;
	s11 =	sadd.s32 s11, s9  }
0xe: {  	s6 =	sadd.s32 s6, s12;
	s7 =	sadd.s32 s7, s12;
	s8 =	sadd.s32 s8, s12  }
0xf: {  	s12 =	simm.s32 $0x2;
	s9 =	sadd.s32 $0x80E800, s13;
	s10 =	sadd.s32 $0x80F000, s11  }
0x10: {  	s11 =	smax.u32 s14, $0x1;
	s13 =	simm.s32 $0x200;
	s14 =	simm.s32 $0x400  }
.LBB2_1:
0x11: {  	[tilespmem:s2], [sflag:$0x2] =	stream.linear.gather [hbm4b:s6+s2], $0x200, $0x38;
	[tilespmem:$0x10A00] =	vst v63  }
0x12: {  	_ =	swait.ge [sflag:s12], $0x200  }
0x13: {  	[sflag:s12] =	ssyncset.done $0x0  }
0x14: {  	[sflag:s12] =	ssyncadd.s32 $0xFFFFFE00  }
0x15: {  	[tilespmem:s13], [sflag:$0x2] =	stream.linear.gather [hbm4b:s7+s2], $0x200, $0x38;
	[tilespmem:$0x10A00] =	vst v63  }
0x16: {  	_ =	swait.ge [sflag:s12], $0x200  }
0x17: {  	[sflag:s12] =	ssyncset.done $0x0  }
0x18: {  	[sflag:s12] =	ssyncadd.s32 $0xFFFFFE00  }
0x19: {  	[tilespmem:s14], [sflag:$0x2] =	stream.linear.gather [hbm4b:s8+s2], $0x200, $0x38;
	[tilespmem:$0x10A00] =	vst v63  }
0x1a: {  	_ =	swait.ge [sflag:s12], $0x200  }
0x1b: {  	[sflag:s12] =	ssyncset.done $0x0  }
0x1c: {  	[sflag:s12] =	ssyncadd.s32 $0xFFFFFE00  }
0x1d: {  	[tilespmem:s15], [sflag:$0x1] =	stream.indirect.gather [hbm4b:s4+s13], $0x1, s13, s13, $0xb8;
	[tilespmem:$0x10A00] =	vst v63  }
0x1e: {  	_ = 	snop  }
0x1f: {  	[tilespmem:s16], [sflag:$0x1] =	stream.indirect.gather [hbm4b:s5+s13], $0x1, s14, s13, $0xb8;
	[tilespmem:$0x10A00] =	vst v63  }
0x20: {  	_ = 	snop  }
0x21: {  	[tilespmem:s17], [sflag:$0x1] =	stream.indirect.gather [hbm4b:s3+s13], $0x80, s2, s13, $0xb8;
	[tilespmem:$0x10A00] =	vst v63  }
0x22: {  	_ =	swait.ge [sflag:s18], $0x200  }
0x23: {  	[sflag:s18] =	ssyncset.done $0x0  }
0x24: {  	[sflag:s18] =	ssyncadd.s32 $0xFFFFFE00  }
0x25: {  	_ =	swait.ge [sflag:s18], $0x200  }
0x26: {  	[sflag:s18] =	ssyncset.done $0x0  }
0x27: {  	s20 =	simm.s32 $0x0;
	[sflag:s18] =	ssyncadd.s32 $0xFFFFFE00  }
0x28: {  	s21 =	simm.s32 $0x40;
	v0 =	vld [tilespmem:s20+$0x10800]  }
.LBB2_2:
0x29: {  	p0 =	sne.s32 s21, $0x7C0;
	v1 =	vld [tilespmem:s20+$0x10600];
	_ =	sdelay $0x2  }
.Ltmp0:
0x2a: {  	(pc) =	sbr.rel @p0 .LBB2_2-.Ltmp0, $4  }
0x2b: {  	_ = 	snop  }
0x2c: {  	v1 =	vadd.f32 v0, v1  }
0x2d: {  	s22 =	sshra.s32 s21, $0x2  }
0x2e: {  	s21 =	sadd.s32 $0x40, s21;
	v0 =	vld [tilespmem:s22+$0x10800];
	[tilespmem:s20+$0x10600] =	vst v1;
	s20 =	smov.u32 s22  }
0x2f: {  	v1 =	vld [tilespmem:s20+$0x10600];
	_ =	sdelay $0x4  }
0x30: {  	v0 =	vadd.f32 v0, v1;
	_ =	sdelay $0x1  }
0x31: {  	[tilespmem:s20+$0x10600] =	vst v0  }
0x32: {  	[hbm4b:s9+s2] =	stream.linear.scatter [tilespmem:s15], [sflag:$0x2], $0x200, $0x38;
	[tilespmem:$0x10A00] =	vst v63  }
0x33: {  	_ =	swait.ge [sflag:s12], $0x200  }
0x34: {  	[sflag:s12] =	ssyncset.done $0x0  }
0x35: {  	[sflag:s12] =	ssyncadd.s32 $0xFFFFFE00  }
0x36: {  	s19 =	sadd.s32 $0x1, s19;
	_ =	swait.ge [sflag:s18], $0x10000  }
0x37: {  	p0 =	sne.s32 s19, s11;
	[sflag:s18] =	ssyncset.done $0x0  }
.Ltmp1:
0x38: {  	[sflag:s18] =	ssyncadd.s32 $0xFFFF0000;
	(pc) =	sbr.rel @p0 .LBB2_1-.Ltmp1, $4  }
0x39: {  	[hbm4b:s10+s2] =	stream.linear.scatter [tilespmem:s17], [sflag:$0x2], $0x10000, $0x38;
	[tilespmem:$0x10A00] =	vst v63  }
0x3a: {  	_ =	swait.ge [sflag:s12], $0x10000  }
0x3b: {  	[sflag:s12] =	ssyncset.done $0x0  }
0x3c: {  	[sflag:s12] =	ssyncadd.s32 $0xFFFF0000  }
0x3d: {  	_ =	sfence.sel $0x180000  }
0x3e: {  	[bflag:$0x0] =	sbarrier.arrive $0xFFFF  }
0x3f: {  	p0 =	sne.s32 s1, $0x0;
	_ =	strace $0x90000047  }
0x40: {  	s0 =	sadd.s32 @!p0 $0x100000, s0;
	[bflag:$0x2] =	sbarrier.arrive $0xFFFF  }
0x41: {  	[sflag:s0] =	ssyncadd.tile.s32 @!p0 $0x1;
	_ =	shalt  }
.Lfunc_end2:
_tile_overlayer_lowered:
.L_overlay_start_2:
0x42: {  	(tag) =	ssettag $0x2  }
0x43: {  	s0 =	rddreg [dreg:$0x0];
	s2 =	stileid.u32  }
0x44: {  	s1 =	rddreg [dreg:$0x1];
	p0 =	sne.s32 s2, $0x0  }
0x45: {  	s3 =	rddreg [dreg:$0x2];
	[bflag:$0x3] =	sbarrier.arrive $0xFFFF;
	s2 =	simm.s32 @!p0 $0x1C02  }
0x46: {  	[timem:s3], [sflag:s2] =	dma.local @!p0 [hbm:s0], s1  }
0x47: {  	s0 =	simm.s32 @!p0 $0x2  }
0x48: {  	_ =	swait.ge @!p0 [sflag:s0], s1  }
0x49: {  	s1 =	ssub.s32 @!p0 $0x0, s1;
	[sflag:s0] =	ssyncset.done @!p0 $0x0  }
0x4a: {  	[sflag:s0] =	ssyncadd.s32 @!p0 s1  }
0x4b: {  	[bflag:$0x3] =	sbarrier.arrive $0xFFFF  }
0x4c: {  	_ =	shalt  }

// kernel: kernel.9.cloned.1.call-start
scs
__scs_entry_jumppad:
0x0: {  	(pc) =	sbr.rel $0x88, $3  }
0x1: {  	(tag) =	ssettag $0x0;
	lr =	simm.s32 $0x1  }
0x2: {  	[smem:$0x3F9B] =	sst lr;
	_ =	strace $0xD0000000  }
0x3: {  	_ = 	snop  }
0x4: {  	_ = 	snop  }
0x5: {  	_ = 	snop  }
0x6: {  	_ = 	snop  }
0x7: {  	_ = 	snop  }
__scs_overlays_trampoline_lowered:
0x8: {  	[smem:$0x3FAA] =	sst s0  }
0x9: {  	[smem:$0x3FAB] =	sst s1  }
0xa: {  	[smem:$0x3FAC] =	sst s2  }
0xb: {  	[smem:$0x3FAD] =	sst s3  }
0xc: {  	[smem:$0x3FAE] =	sst s4  }
0xd: {  	[smem:$0x3FAF] =	sst s5  }
0xe: {  	[smem:$0x3FB0] =	sst s6  }
0xf: {  	[smem:$0x3FB1] =	sst s7  }
0x10: {  	[smem:$0x3FB2] =	sst s8  }
0x11: {  	[smem:$0x3FB3] =	sst s9;
	s0 =	simm.s32 @!p0 $0x0  }
0x12: {  	s1 =	sld [smem:$0x3F99];
	s0 =	simm.s32 @p0 $0x1  }
0x13: {  	[smem:$0x3FB4] =	sst s0;
	s0 =	simm.s32 @!p1 $0x0  }
0x14: {  	s2 =	sld [smem:$0x3F98];
	s0 =	simm.s32 @p1 $0x1  }
0x15: {  	[smem:$0x3FB5] =	sst s0;
	s0 =	simm.s32 @!p2 $0x0  }
0x16: {  	s3 =	sld [smem:$0x3FDB];
	s0 =	simm.s32 @p2 $0x1  }
0x17: {  	s4 =	simm.s32 $0x1BF5;
	[smem:$0x3FB7] =	sst s0  }
0x18: {  	s0 =	sld [smem:$0x3F9A];
	_ =	swait.ge [sflag:s4], $0x0  }
0x19: {  	s7 =	sld [smem:$0x3F9B]  }
0x1a: {  	s8 =	sadd.s32 $0xFFFFE003, lr  }
0x1b: {  	s9 =	sadd.s32 $0xFFFFFEF7, lr;
	s5 =	simm.s32 $0xFFFFFFFF;
	p2 =	slt.u32 s8, $0xFFFFF086  }
0x1c: {  	p1 =	slt.u32 s9, $0xF7A;
	s5 =	simm.s32 @!p2 $0x0  }
0x1d: {  	s5 =	simm.s32 @p1 $0x1;
	p0 =	seq.s32 s7, s2  }
0x1e: {  	s7 =	smul.u32 @!p0 $0xF7A, s2;
	p2 =	seq.s32 @!p0 s5, $0x0  }
0x1f: {  	s9 =	smul.u32 $0xF7A, s1;
	s8 =	simm.s32 @!p0 $0x1BF5;
	p2 =	por !p2, p0  }
0x20: {  	[sflag:s8] =	ssyncset.s32 @!p0 $0xFFFFF086;
	s6 =	sadd.s32 @!p0 s3, s7;
	s7 =	simm.s32 @!p0 $0x108  }
0x21: {  	s3 =	sadd.s32 s3, s9;
	s6 =	sadd.s32 @!p0 $0x88, s6;
	s7 =	simm.s32 @p2 $0x1082  }
0x22: {  	[simem:s7], [sflag:s8] =	dma.local @!p0 [hbm:s6], $0xF7A  }
0x23: {  	s9 =	sor.u32 $0xD0000000, s2;
	s6 =	simm.s32 $0x108;
	_ =	swait.ge @!p0 [sflag:s8], $0x0  }
0x24: {  	s3 =	sadd.s32 $0x88, s3;
	s6 =	simm.s32 @!p1 $0x1082;
	[sflag:s4] =	ssyncset.s32 $0xFFFFF086  }
0x25: {  	[simem:s6], [sflag:s4] =	dma.local [hbm:s3], $0xF7A  }
0x26: {  	[smem:$0x3F9B] =	sst s1;
	(tag) =	ssettag s2;
	_ =	strace s9  }
0x27: {  	s1 =	sld [smem:$0x3FAB]  }
0x28: {  	s2 =	sld [smem:$0x3FAC]  }
0x29: {  	s4 =	sld [smem:$0x3FAE]  }
0x2a: {  	p0 =	seq.s32 s5, $0x0;
	s5 =	sld [smem:$0x3FAF]  }
0x2b: {  	s6 =	sld [smem:$0x3FB0]  }
0x2c: {  	s7 =	sld [smem:$0x3FB1]  }
0x2d: {  	s3 =	simm.s32 $0x108;
	s8 =	sld [smem:$0x3FB2]  }
0x2e: {  	s3 =	simm.s32 @!p0 $0x1082;
	s9 =	sld [smem:$0x3FB3]  }
0x2f: {  	lr =	sadd.s32 s0, s3;
	s0 =	sld [smem:$0x3FAA]  }
0x30: {  	s3 =	sld [smem:$0x3FAD]  }
0x31: {  	[smem:$0x3FB6] =	sst s10  }
0x32: {  	s10 =	sld [smem:$0x3FB4];
	_ =	sdelay $0x3  }
0x33: {  	p0 =	seq.s32 s10, $0x1;
	s10 =	sld [smem:$0x3FB6];
	_ =	sdelay $0x3  }
0x34: {  	[smem:$0x3FB6] =	sst s10  }
0x35: {  	s10 =	sld [smem:$0x3FB5];
	_ =	sdelay $0x3  }
0x36: {  	p1 =	seq.s32 s10, $0x1;
	s10 =	sld [smem:$0x3FB6];
	_ =	sdelay $0x3  }
0x37: {  	[smem:$0x3FB6] =	sst s10  }
0x38: {  	s10 =	sld [smem:$0x3FB7]  }
0x39: {  	_ = 	snop;
	(pc) =	sbr.ind lr, $3  }
0x3a: {  	_ = 	snop  }
0x3b: {  	_ = 	snop  }
0x3c: {  	p2 =	seq.s32 s10, $0x1;
	s10 =	sld [smem:$0x3FB6]  }
0x3d: {  	_ =	shalt  }
0x3e: {  	_ =	shalt  }
0x3f: {  	_ =	shalt  }
0x40: {  	_ =	shalt  }
0x41: {  	_ =	shalt  }
0x42: {  	_ =	shalt  }
0x43: {  	_ =	shalt  }
0x44: {  	_ =	shalt  }
0x45: {  	_ =	shalt  }
0x46: {  	_ =	shalt  }
0x47: {  	_ =	shalt  }
0x48: {  	_ =	shalt  }
0x49: {  	_ =	shalt  }
0x4a: {  	_ =	shalt  }
0x4b: {  	_ =	shalt  }
0x4c: {  	_ =	shalt  }
0x4d: {  	_ =	shalt  }
0x4e: {  	_ =	shalt  }
0x4f: {  	_ =	shalt  }
0x50: {  	_ =	shalt  }
0x51: {  	_ =	shalt  }
0x52: {  	_ =	shalt  }
0x53: {  	_ =	shalt  }
0x54: {  	_ =	shalt  }
0x55: {  	_ =	shalt  }
0x56: {  	_ =	shalt  }
0x57: {  	_ =	shalt  }
0x58: {  	_ =	shalt  }
0x59: {  	_ =	shalt  }
0x5a: {  	_ =	shalt  }
0x5b: {  	_ =	shalt  }
0x5c: {  	_ =	shalt  }
0x5d: {  	_ =	shalt  }
0x5e: {  	_ =	shalt  }
0x5f: {  	_ =	shalt  }
0x60: {  	_ =	shalt  }
0x61: {  	_ =	shalt  }
0x62: {  	_ =	shalt  }
0x63: {  	_ =	shalt  }
0x64: {  	_ =	shalt  }
0x65: {  	_ =	shalt  }
0x66: {  	_ =	shalt  }
0x67: {  	_ =	shalt  }
0x68: {  	_ =	shalt  }
0x69: {  	_ =	shalt  }
0x6a: {  	_ =	shalt  }
0x6b: {  	_ =	shalt  }
0x6c: {  	_ =	shalt  }
0x6d: {  	_ =	shalt  }
0x6e: {  	_ =	shalt  }
0x6f: {  	_ =	shalt  }
0x70: {  	_ =	shalt  }
0x71: {  	_ =	shalt  }
0x72: {  	_ =	shalt  }
0x73: {  	_ =	shalt  }
0x74: {  	_ =	shalt  }
0x75: {  	_ =	shalt  }
0x76: {  	_ =	shalt  }
0x77: {  	_ =	shalt  }
0x78: {  	_ =	shalt  }
0x79: {  	_ =	shalt  }
0x7a: {  	_ =	shalt  }
0x7b: {  	_ =	shalt  }
0x7c: {  	_ =	shalt  }
0x7d: {  	_ =	shalt  }
0x7e: {  	_ =	shalt  }
0x7f: {  	_ =	shalt  }
0x80: {  	_ =	shalt  }
0x81: {  	_ =	shalt  }
0x82: {  	_ =	shalt  }
0x83: {  	_ =	shalt  }
0x84: {  	_ =	shalt  }
0x85: {  	_ =	shalt  }
0x86: {  	_ =	shalt  }
0x87: {  	_ =	shalt  }
.Lfunc_end0:
.L_simem_size_0:
called_computation.1_lowered:
.L_overlay_start_0:
0x88: {  	s2 =	sld [smem:$0x3FD9]  }
0x89: {  	s3 =	sld [smem:$0x3FFE];
	_ =	sdelay $0x1  }
0x8a: {  	s1 =	srdreg.scid  }
0x8b: {  	s0 =	sand.u32 $0x1, s1  }
0x8c: {  	s17 =	sshll.u32 s0, $0xA;
	s2 =	sadd.s32 s3, s2  }
0x8d: {  	s2 =	sadd.s32 s2, s17  }
0x8e: {  	[smem:$0x3FC2] =	sst s2  }
0x8f: {  	_ = 	snop  }
0x90: {  	s2 =	sld [smem:$0x3FD0];
	(tm) =	ssettm $0x1  }
0x91: {  	s18 =	sld [smem:$0x3FFB];
	_ =	sdelay $0x3  }
0x92: {  	_ =	strace s18  }
0x93: {  	s3 =	sld [smem:$0x3FFC];
	_ =	sdelay $0x3  }
0x94: {  	_ =	strace s3  }
0x95: {  	s3 =	sld [smem:$0x3FFD];
	_ =	sdelay $0x3  }
0x96: {  	_ =	strace s3  }
0x97: {  	_ =	strace $0x8FFFFFFF  }
0x98: {  	s19 =	sld [smem:$0x3FDB];
	_ =	sdelay $0x1  }
0x99: {  	s4 =	simm.s32 $_scs_section_size  }
0x9a: {  	s5 =	simm.s32 $_size__tile_overlayer_lowered;
	s6 =	simm.s32 $_tile_overlayer_lowered  }
0x9b: {  	s22 =	simm.s32 $0x1BFF;
	s21 =	sshll.u32 s6, $0x1;
	s3 =	sadd.s32 s4, s19  }
0x9c: {  	s7 =	simm.s32 $0x0;
	s20 =	sshll.u32 s5, $0x1;
	s5 =	sadd.s32 s21, s3  }
0x9d: {  	[timem:s7], [sflag:s22] =	dma.local [hbm:s5], s20  }
0x9e: {  	_ =	swait.ge [sflag:s22], s20  }
0x9f: {  	s4 =	ssub.s32 $0x0, s20;
	[sflag:s22] =	ssyncset.done $0x0  }
0xa0: {  	[sflag:s22] =	ssyncadd.s32 s4;
	_ =	sdelay $0x1  }
0xa1: {  	s23 =	simm.s32 $0x1B8B  }
0xa2: {  	_ =	swait.ge [sflag:s23], $0x1  }
0xa3: {  	[sflag:s23] =	ssyncset.done $0x0  }
0xa4: {  	s25 =	simm.s32 $0x1B8E;
	s24 =	sld [smem:$0x3FFE];
	[sflag:s23] =	ssyncadd.s32 $0xFFFFFFFF  }
0xa5: {  	s26 =	simm.s32 $execute0_lowered;
	[smem:$0x3FD2] =	sst s25  }
0xa6: {  	s5 =	sshll.u32 s26, $0x1;
	_ =	strace $0x80000049;
	[dreg:$0x1] =	wrdreg $0xFFFFFFFF  }
0xa7: {  	s28 =	simm.s32 $_size_execute0_lowered;
	s3 =	sadd.s32 s3, s5;
	[dreg:$0x0] =	wrdreg $0x0  }
0xa8: {  	s5 =	sshll.u32 s28, $0x1;
	[dreg:$0x2] =	wrdreg s3  }
0xa9: {  	[dreg:$0x3] =	wrdreg s5  }
0xaa: {  	[dreg:$0x4] =	wrdreg $0xC0  }
0xab: {  	_ =	task [dreg:s7], $0x5FFFF  }
0xac: {  	[dreg:$0x1] =	wrdreg $0xFFFFFFFF  }
0xad: {  	[dreg:$0x0] =	wrdreg $0x60  }
0xae: {  	[dreg:$0x2] =	wrdreg s24  }
0xaf: {  	[dreg:$0x3] =	wrdreg s2  }
0xb0: {  	[dreg:$0x4] =	wrdreg $0x9  }
0xb1: {  	_ =	task.clear_ibuf [dreg:s7], $0x5FFFF;
	_ =	strace $0x90000049  }
0xb2: {  	s29 =	simm.s32 $0x9;
	_ =	strace $0x8000004B  }
0xb3: {  	_ =	swait.ge [sflag:s29], $0x1  }
0xb4: {  	[sflag:s29] =	ssyncadd.s32 $0xFFFFFFFF  }
0xb5: {  	_ =	strace $0x9000004B  }
0xb6: {  	_ =	sfence  }
0xb7: {  	s30 =	sld [smem:$0x0];
	_ =	sdelay $0x2  }
0xb8: {  	s31 =	sshll.u32 s1, $0xD;
	s1 =	sshrl.u32 s1, $0x2  }
0xb9: {  	s3 =	sand.u32 $0x4000, s31;
	s1 =	sadd.s32 s1, s30  }
0xba: {  	s0 =	sor.u32 s3, s0;
	s1 =	sshll.u32 s1, $0x11  }
0xbb: {  	s0 =	sor.u32 s1, s0  }
0xbc: {  	s0 =	sadd.s32 $0x8F2B, s0  }
0xbd: {  	[sflag:s0] =	ssyncadd.remote.s32 $0x1  }
0xbe: {  	_ =	sfence.sel $0xFFFF  }
0xbf: {  	[dreg:$0x0] =	wrdreg $0xFFFFFFFF;
	(pc) =	sbr.abs _section_cstart, $3  }
0xc0: {  	[dreg:$0x1] =	wrdreg $0xFFFFFFFF  }
0xc1: {  	_ =	task.clear_ibuf [dreg:s7], $0x2FFFF;
	_ =	strace $0x9FFFFFFF  }
0xc2: {  	(tm) =	ssettm $0x7FFFFFFF  }
0xc3: {  	_ =	shalt  }
tec
execute0_lowered:
.L_overlay_start_1:
0x0: {  	(tag) =	ssettag $0x1  }
0x1: {  	s4 =	rddreg [dreg:$0x0]  }
0x2: {  	s9 =	rddreg [dreg:$0x1]  }
0x3: {  	s0 =	rddreg [dreg:$0x2];
	s2 =	simm.s32 $0x0;
	s3 =	srdreg.scid  }
0x4: {  	s1 =	stileid.u32;
	s12 =	simm.s32 $0x600;
	s13 =	simm.s32 $0x100  }
0x5: {  	s14 =	simm.s32 $0x10600;
	s15 =	simm.s32 $0x1;
	s16 =	simm.s32 $0x18A00  }
0x6: {  	v0 =	vlaneseq.u32;
	s17 =	simm.s32 $0x18800;
	s18 =	simm.s32 $0x0;
	s5 =	sand.u32 $0x1, s3  }
0x7: {  	[smem:$0x7FF] =	sst s2;
	s6 =	sshll.u32 s1, $0xA;
	v0 =	vmul.u32 $0x10, v0;
	s7 =	sshll.u32 s5, $0x9  }
0x8: {  	s3 =	sadd.s32 $0x84F000, s4;
	s5 =	ssub.s32 $0x2, s5;
	s6 =	sor.u32 s7, s6  }
0x9: {  	_ =	strace $0x8000004A;
	s30 =	sshrl.u32 s5, $0x1;
	v1 =	vor.u32 $0x1, v0;
	v2 =	vor.u32 $0x2, v0;
	v3 =	vor.u32 $0x3, v0;
	s7 =	sshll.u32 s6, $0x4  }
0xa: {  	v4 =	vor.u32 $0x4, v0;
	v5 =	vor.u32 $0x5, v0;
	v6 =	vor.u32 $0x6, v0;
	s10 =	sshrl.u32 s6, $0x3;
	s11 =	ssub.s32 s5, s30;
	s8 =	sadd.s32 s7, s4  }
0xb: {  	v7 =	vor.u32 $0x7, v0;
	v9 =	vor.u32 $0x9, v0;
	v10 =	vor.u32 $0xA, v0;
	s31 =	sadd.s32 s10, s4;
	s9 =	sadd.s32 s9, s10;
	s10 =	smax.u32 s11, $0x1  }
0xc: {  	v11 =	vor.u32 $0xB, v0;
	v12 =	vor.u32 $0xC, v0;
	v13 =	vor.u32 $0xD, v0;
	s11 =	simm.s32 $0x2;
	s4 =	sadd.s32 $0x101F800, s31;
	s5 =	sadd.s32 $0xC00, s31  }
0xd: {  	v8 =	vor.u32 $0x8, v0;
	v14 =	vor.u32 $0xE, v0;
	v15 =	vor.u32 $0xF, v0;
	s6 =	sadd.s32 $0x101F000, s31;
	s7 =	sadd.s32 $0x80E800, s31;
	s8 =	sadd.s32 $0x80F000, s8  }
.LBB2_1:
0xe: {  	[tilespmem:s2], [sflag:$0x2] =	stream.linear.gather [hbm4b:s4+s2], $0x200, $0x38;
	[tilespmem:$0x18B00] =	vst v63  }
0xf: {  	_ =	swait.ge [sflag:s11], $0x200  }
0x10: {  	[sflag:s11] =	ssyncset.done $0x0  }
0x11: {  	s19 =	simm.s32 $0x200;
	[sflag:s11] =	ssyncadd.s32 $0xFFFFFE00  }
0x12: {  	[tilespmem:s19], [sflag:$0x2] =	stream.linear.gather [hbm4b:s5+s2], $0x200, $0x38;
	[tilespmem:$0x18B00] =	vst v63  }
0x13: {  	_ =	swait.ge [sflag:s11], $0x200  }
0x14: {  	[sflag:s11] =	ssyncset.done $0x0  }
0x15: {  	s20 =	simm.s32 $0x400;
	[sflag:s11] =	ssyncadd.s32 $0xFFFFFE00  }
0x16: {  	[tilespmem:s20], [sflag:$0x2] =	stream.linear.gather [hbm4b:s6+s2], $0x200, $0x38;
	[tilespmem:$0x18B00] =	vst v63  }
0x17: {  	_ =	swait.ge [sflag:s11], $0x200  }
0x18: {  	[sflag:s11] =	ssyncset.done $0x0  }
0x19: {  	s21 =	simm.s32 $0x18600;
	[sflag:s11] =	ssyncadd.s32 $0xFFFFFE00  }
0x1a: {  	[tilespmem:s21], [sflag:$0x2] =	stream.linear.gather [hbm4b:s7+s2], $0x200, $0x38;
	[tilespmem:$0x18B00] =	vst v63  }
0x1b: {  	_ =	swait.ge [sflag:s11], $0x200  }
0x1c: {  	[sflag:s11] =	ssyncset.done $0x0  }
0x1d: {  	[sflag:s11] =	ssyncadd.s32 $0xFFFFFE00  }
0x1e: {  	[tilespmem:s12], [sflag:$0x2] =	stream.linear.gather [hbm4b:s8+s2], $0x10000, $0x38;
	[tilespmem:$0x18B00] =	vst v63  }
0x1f: {  	_ =	swait.ge [sflag:s11], $0x10000  }
0x20: {  	[sflag:s11] =	ssyncset.done $0x0  }
0x21: {  	[sflag:s11] =	ssyncadd.s32 $0xFFFF0000  }
0x22: {  	[tilespmem:s14], [sflag:$0x1] =	stream.indirect.gather [hbm4b:s3+s13], $0x80, s2, s13, $0xb8;
	[tilespmem:$0x18B00] =	vst v63  }
0x23: {  	_ =	swait.ge [sflag:s15], $0x8000  }
0x24: {  	[sflag:s15] =	ssyncset.done $0x0  }
0x25: {  	s22 =	simm.s32 $0x18800;
	s23 =	simm.s32 $0x0;
	[sflag:s15] =	ssyncadd.s32 $0xFFFF8000  }
.LBB2_2:
0x26: {  	v17 =	vld [tilespmem:s19+$0x0];
	_ =	sdelay $0x1  }
0x27: {  	v16 =	vld [tilespmem:s20+$0x0];
	_ =	sdelay $0x2  }
0x28: {  	(v2sf) =	vpush v17, $0x0;
	_ =	sdelay $0x1  }
0x29: {  	(v2sf) =	vpush v16, $0x0;
	_ =	sdelay $0xc  }
0x2a: {  	s24 =	spop (v2sf)  }
0x2b: {  	s25 =	sshll.u32 s24, $0x2  }
0x2c: {  	(v2sf) =	vpush v17, $0x1;
	s26 =	spop (v2sf);
	s24 =	sand.u32 $0x7, s24;
	s25 =	sand.u32 $0xFFFFFFE0, s25  }
0x2d: {  	s24 =	sshll.u32 s24, $0x2;
	s28 =	sand.u32 $0x7, s26;
	s26 =	sshll.u32 s26, $0x2  }
0x2e: {  	(v2sf) =	vpush v16, $0x1;
	s24 =	sor.u32 s24, s25;
	s29 =	sand.u32 $0xFFFFFFE0, s26  }
0x2f: {  	s30 =	sshll.u32 s28, $0x2;
	s31 =	sshra.s32 s24, $0x2;
	s24 =	sshra.s32 s23, $0x2  }
0x30: {  	s25 =	sor.u32 s30, s29;
	s28 =	sadd.s32 s24, s31  }
0x31: {  	s25 =	sshra.s32 s25, $0x2;
	v18 =	vld [tilespmem:s28+$0x600]  }
0x32: {  	s25 =	sadd.s32 s24, s25;
	v20 =	vld [tilespmem:s28+$0x610]  }
0x33: {  	v19 =	vld [tilespmem:s25+$0x10600];
	s25 =	sadd.s32 $0x10600, s25  }
0x34: {  	v21 =	vld [tilespmem:s25+$0x10]  }
0x35: {  	v22 =	vld [tilespmem:s28+$0x620]  }
0x36: {  	v23 =	vld [tilespmem:s25+$0x20]  }
0x37: {  	v24 =	vld [tilespmem:s28+$0x630]  }
0x38: {  	v25 =	vld [tilespmem:s25+$0x30]  }
0x39: {  	v18 =	vmul.f32 v19, v18;
	v56 =	vmul.f32 v21, v20;
	_ =	sdelay $0x1  }
0x3a: {  	v57 =	vmul.f32 v23, v22;
	v18 =	vadd.f32 v56, v18;
	s29 =	spop (v2sf)  }
0x3b: {  	s25 =	sshll.u32 s29, $0x2  }
0x3c: {  	v58 =	vmul.f32 v25, v24;
	(v2sf) =	vpush v17, $0x2;
	s30 =	spop (v2sf);
	s31 =	sand.u32 $0x7, s29;
	v18 =	vadd.f32 v57, v18;
	s25 =	sand.u32 $0xFFFFFFE0, s25  }
0x3d: {  	s29 =	sand.u32 $0x7, s30;
	s26 =	sshll.u32 s30, $0x2;
	s28 =	sshll.u32 s31, $0x2  }
0x3e: {  	(v2sf) =	vpush v16, $0x2;
	s26 =	sand.u32 $0xFFFFFFE0, s26;
	s29 =	sshll.u32 s29, $0x2;
	s25 =	sor.u32 s28, s25;
	v18 =	vadd.f32 v58, v18  }
0x3f: {  	s26 =	sor.u32 s29, s26;
	s25 =	sshra.s32 s25, $0x2  }
0x40: {  	s26 =	sshra.s32 s26, $0x2;
	s25 =	sadd.s32 s24, s25;
	[tilespmem:$0x18A00] =	vst v18  }
0x41: {  	s26 =	sadd.s32 s24, s26;
	v18 =	vld [tilespmem:s25+$0x680]  }
0x42: {  	s26 =	sadd.s32 $0x10600, s26;
	v60 =	vld [tilespmem:s25+$0x690]  }
0x43: {  	v59 =	vld [tilespmem:s26+$0x80]  }
0x44: {  	v61 =	vld [tilespmem:s26+$0x90]  }
0x45: {  	v62 =	vld [tilespmem:s25+$0x6A0]  }
0x46: {  	v63 =	vld [tilespmem:s26+$0xA0]  }
0x47: {  	v28 =	vld [tilespmem:s25+$0x6B0]  }
0x48: {  	v29 =	vld [tilespmem:s26+$0xB0]  }
0x49: {  	v18 =	vmul.f32 v59, v18;
	v30 =	vmul.f32 v61, v60;
	_ =	sdelay $0x1  }
0x4a: {  	v31 =	vmul.f32 v63, v62;
	v18 =	vadd.f32 v30, v18;
	s29 =	spop (v2sf)  }
0x4b: {  	s25 =	sshll.u32 s29, $0x2  }
0x4c: {  	v32 =	vmul.f32 v29, v28;
	(v2sf) =	vpush v17, $0x3;
	s26 =	spop (v2sf);
	s30 =	sand.u32 $0x7, s29;
	v18 =	vadd.f32 v31, v18;
	s25 =	sand.u32 $0xFFFFFFE0, s25  }
0x4d: {  	s31 =	sand.u32 $0x7, s26;
	s26 =	sshll.u32 s26, $0x2;
	s28 =	sshll.u32 s30, $0x2  }
0x4e: {  	(v2sf) =	vpush v16, $0x3;
	s26 =	sand.u32 $0xFFFFFFE0, s26;
	s29 =	sshll.u32 s31, $0x2;
	s25 =	sor.u32 s28, s25;
	v18 =	vadd.f32 v32, v18  }
0x4f: {  	s26 =	sor.u32 s29, s26;
	s25 =	sshra.s32 s25, $0x2  }
0x50: {  	s26 =	sshra.s32 s26, $0x2;
	s25 =	sadd.s32 s24, s25;
	[tilespmem:$0x18A10] =	vst v18  }
0x51: {  	s26 =	sadd.s32 s24, s26;
	v18 =	vld [tilespmem:s25+$0x700]  }
0x52: {  	s26 =	sadd.s32 $0x10600, s26;
	v34 =	vld [tilespmem:s25+$0x710]  }
0x53: {  	v33 =	vld [tilespmem:s26+$0x100]  }
0x54: {  	v35 =	vld [tilespmem:s26+$0x110]  }
0x55: {  	v36 =	vld [tilespmem:s25+$0x720]  }
0x56: {  	v37 =	vld [tilespmem:s26+$0x120]  }
0x57: {  	v38 =	vld [tilespmem:s25+$0x730]  }
0x58: {  	v39 =	vld [tilespmem:s26+$0x130]  }
0x59: {  	v18 =	vmul.f32 v33, v18;
	v40 =	vmul.f32 v35, v34;
	_ =	sdelay $0x1  }
0x5a: {  	v41 =	vmul.f32 v37, v36;
	v18 =	vadd.f32 v40, v18;
	s29 =	spop (v2sf)  }
0x5b: {  	s25 =	sshll.u32 s29, $0x2  }
0x5c: {  	v42 =	vmul.f32 v39, v38;
	(v2sf) =	vpush v17, $0x4;
	s26 =	spop (v2sf);
	s30 =	sand.u32 $0x7, s29;
	v18 =	vadd.f32 v41, v18;
	s25 =	sand.u32 $0xFFFFFFE0, s25  }
0x5d: {  	s31 =	sand.u32 $0x7, s26;
	s26 =	sshll.u32 s26, $0x2;
	s28 =	sshll.u32 s30, $0x2  }
0x5e: {  	(v2sf) =	vpush v16, $0x4;
	s26 =	sand.u32 $0xFFFFFFE0, s26;
	s29 =	sshll.u32 s31, $0x2;
	s25 =	sor.u32 s28, s25;
	v18 =	vadd.f32 v42, v18  }
0x5f: {  	s26 =	sor.u32 s29, s26;
	s25 =	sshra.s32 s25, $0x2  }
0x60: {  	s26 =	sshra.s32 s26, $0x2;
	s25 =	sadd.s32 s24, s25;
	[tilespmem:$0x18A20] =	vst v18  }
0x61: {  	s26 =	sadd.s32 s24, s26;
	v18 =	vld [tilespmem:s25+$0x780]  }
0x62: {  	s26 =	sadd.s32 $0x10600, s26;
	v44 =	vld [tilespmem:s25+$0x790]  }
0x63: {  	v43 =	vld [tilespmem:s26+$0x180]  }
0x64: {  	v45 =	vld [tilespmem:s26+$0x190]  }
0x65: {  	v46 =	vld [tilespmem:s25+$0x7A0]  }
0x66: {  	v47 =	vld [tilespmem:s26+$0x1A0]  }
0x67: {  	v48 =	vld [tilespmem:s25+$0x7B0]  }
0x68: {  	v49 =	vld [tilespmem:s26+$0x1B0]  }
0x69: {  	v18 =	vmul.f32 v43, v18;
	v50 =	vmul.f32 v45, v44;
	_ =	sdelay $0x1  }
0x6a: {  	v51 =	vmul.f32 v47, v46;
	v18 =	vadd.f32 v50, v18;
	s29 =	spop (v2sf)  }
0x6b: {  	s25 =	sshll.u32 s29, $0x2  }
0x6c: {  	v52 =	vmul.f32 v49, v48;
	(v2sf) =	vpush v17, $0x5;
	s26 =	spop (v2sf);
	s30 =	sand.u32 $0x7, s29;
	v18 =	vadd.f32 v51, v18;
	s25 =	sand.u32 $0xFFFFFFE0, s25  }
0x6d: {  	s31 =	sand.u32 $0x7, s26;
	s26 =	sshll.u32 s26, $0x2;
	s28 =	sshll.u32 s30, $0x2  }
0x6e: {  	(v2sf) =	vpush v16, $0x5;
	s26 =	sand.u32 $0xFFFFFFE0, s26;
	s29 =	sshll.u32 s31, $0x2;
	s25 =	sor.u32 s28, s25;
	v18 =	vadd.f32 v52, v18  }
0x6f: {  	s26 =	sor.u32 s29, s26;
	s25 =	sshra.s32 s25, $0x2  }
0x70: {  	s26 =	sshra.s32 s26, $0x2;
	s25 =	sadd.s32 s24, s25;
	[tilespmem:$0x18A30] =	vst v18  }
0x71: {  	s26 =	sadd.s32 s24, s26;
	v18 =	vld [tilespmem:s25+$0x800]  }
0x72: {  	s26 =	sadd.s32 $0x10600, s26;
	v54 =	vld [tilespmem:s25+$0x810]  }
0x73: {  	v53 =	vld [tilespmem:s26+$0x200]  }
0x74: {  	v55 =	vld [tilespmem:s26+$0x210]  }
0x75: {  	v56 =	vld [tilespmem:s25+$0x820]  }
0x76: {  	v57 =	vld [tilespmem:s26+$0x220]  }
0x77: {  	v58 =	vld [tilespmem:s25+$0x830]  }
0x78: {  	v59 =	vld [tilespmem:s26+$0x230]  }
0x79: {  	v18 =	vmul.f32 v53, v18;
	v60 =	vmul.f32 v55, v54;
	_ =	sdelay $0x1  }
0x7a: {  	v61 =	vmul.f32 v57, v56;
	v18 =	vadd.f32 v60, v18;
	s29 =	spop (v2sf)  }
0x7b: {  	s25 =	sshll.u32 s29, $0x2  }
0x7c: {  	v62 =	vmul.f32 v59, v58;
	(v2sf) =	vpush v17, $0x6;
	s26 =	spop (v2sf);
	s30 =	sand.u32 $0x7, s29;
	v18 =	vadd.f32 v61, v18;
	s25 =	sand.u32 $0xFFFFFFE0, s25  }
0x7d: {  	s31 =	sand.u32 $0x7, s26;
	s26 =	sshll.u32 s26, $0x2;
	s28 =	sshll.u32 s30, $0x2  }
0x7e: {  	(v2sf) =	vpush v16, $0x6;
	s26 =	sand.u32 $0xFFFFFFE0, s26;
	s29 =	sshll.u32 s31, $0x2;
	s25 =	sor.u32 s28, s25;
	v18 =	vadd.f32 v62, v18  }
0x7f: {  	s26 =	sor.u32 s29, s26;
	s25 =	sshra.s32 s25, $0x2  }
0x80: {  	s26 =	sshra.s32 s26, $0x2;
	s25 =	sadd.s32 s24, s25;
	[tilespmem:$0x18A40] =	vst v18  }
0x81: {  	s26 =	sadd.s32 s24, s26;
	v18 =	vld [tilespmem:s25+$0x880]  }
0x82: {  	s26 =	sadd.s32 $0x10600, s26;
	v28 =	vld [tilespmem:s25+$0x890]  }
0x83: {  	v63 =	vld [tilespmem:s26+$0x280]  }
0x84: {  	v29 =	vld [tilespmem:s26+$0x290]  }
0x85: {  	v30 =	vld [tilespmem:s25+$0x8A0]  }
0x86: {  	v31 =	vld [tilespmem:s26+$0x2A0]  }
0x87: {  	v32 =	vld [tilespmem:s25+$0x8B0]  }
0x88: {  	v33 =	vld [tilespmem:s26+$0x2B0]  }
0x89: {  	v18 =	vmul.f32 v63, v18;
	v34 =	vmul.f32 v29, v28;
	_ =	sdelay $0x1  }
0x8a: {  	v35 =	vmul.f32 v31, v30;
	v18 =	vadd.f32 v34, v18;
	s29 =	spop (v2sf)  }
0x8b: {  	s25 =	sshll.u32 s29, $0x2  }
0x8c: {  	v36 =	vmul.f32 v33, v32;
	(v2sf) =	vpush v17, $0x7;
	s26 =	spop (v2sf);
	s30 =	sand.u32 $0x7, s29;
	v18 =	vadd.f32 v35, v18;
	s25 =	sand.u32 $0xFFFFFFE0, s25  }
0x8d: {  	s31 =	sand.u32 $0x7, s26;
	s26 =	sshll.u32 s26, $0x2;
	s28 =	sshll.u32 s30, $0x2  }
0x8e: {  	(v2sf) =	vpush v16, $0x7;
	s26 =	sand.u32 $0xFFFFFFE0, s26;
	s29 =	sshll.u32 s31, $0x2;
	s25 =	sor.u32 s28, s25;
	v18 =	vadd.f32 v36, v18  }
0x8f: {  	s26 =	sor.u32 s29, s26;
	s25 =	sshra.s32 s25, $0x2  }
0x90: {  	s26 =	sshra.s32 s26, $0x2;
	s25 =	sadd.s32 s24, s25;
	[tilespmem:$0x18A50] =	vst v18  }
0x91: {  	s26 =	sadd.s32 s24, s26;
	v18 =	vld [tilespmem:s25+$0x900]  }
0x92: {  	s26 =	sadd.s32 $0x10600, s26;
	v38 =	vld [tilespmem:s25+$0x910]  }
0x93: {  	v37 =	vld [tilespmem:s26+$0x300]  }
0x94: {  	v39 =	vld [tilespmem:s26+$0x310]  }
0x95: {  	v40 =	vld [tilespmem:s25+$0x920]  }
0x96: {  	v41 =	vld [tilespmem:s26+$0x320]  }
0x97: {  	v42 =	vld [tilespmem:s25+$0x930]  }
0x98: {  	v43 =	vld [tilespmem:s26+$0x330]  }
0x99: {  	v18 =	vmul.f32 v37, v18;
	v44 =	vmul.f32 v39, v38;
	_ =	sdelay $0x1  }
0x9a: {  	v45 =	vmul.f32 v41, v40;
	v18 =	vadd.f32 v44, v18;
	s29 =	spop (v2sf)  }
0x9b: {  	s25 =	sshll.u32 s29, $0x2  }
0x9c: {  	v46 =	vmul.f32 v43, v42;
	(v2sf) =	vpush v17, $0x8;
	s26 =	spop (v2sf);
	s30 =	sand.u32 $0x7, s29;
	v18 =	vadd.f32 v45, v18;
	s25 =	sand.u32 $0xFFFFFFE0, s25  }
0x9d: {  	s31 =	sand.u32 $0x7, s26;
	s26 =	sshll.u32 s26, $0x2;
	s28 =	sshll.u32 s30, $0x2  }
0x9e: {  	(v2sf) =	vpush v16, $0x8;
	s26 =	sand.u32 $0xFFFFFFE0, s26;
	s29 =	sshll.u32 s31, $0x2;
	s25 =	sor.u32 s28, s25;
	v18 =	vadd.f32 v46, v18  }
0x9f: {  	s26 =	sor.u32 s29, s26;
	s25 =	sshra.s32 s25, $0x2  }
0xa0: {  	s26 =	sshra.s32 s26, $0x2;
	s25 =	sadd.s32 s24, s25;
	[tilespmem:$0x18A60] =	vst v18  }
0xa1: {  	s26 =	sadd.s32 s24, s26;
	v18 =	vld [tilespmem:s25+$0x980]  }
0xa2: {  	s26 =	sadd.s32 $0x10600, s26;
	v48 =	vld [tilespmem:s25+$0x990]  }
0xa3: {  	v47 =	vld [tilespmem:s26+$0x380]  }
0xa4: {  	v49 =	vld [tilespmem:s26+$0x390]  }
0xa5: {  	v50 =	vld [tilespmem:s25+$0x9A0]  }
0xa6: {  	v51 =	vld [tilespmem:s26+$0x3A0]  }
0xa7: {  	v52 =	vld [tilespmem:s25+$0x9B0]  }
0xa8: {  	v53 =	vld [tilespmem:s26+$0x3B0]  }
0xa9: {  	v18 =	vmul.f32 v47, v18;
	v54 =	vmul.f32 v49, v48;
	_ =	sdelay $0x1  }
0xaa: {  	v55 =	vmul.f32 v51, v50;
	v18 =	vadd.f32 v54, v18;
	s29 =	spop (v2sf)  }
0xab: {  	s25 =	sshll.u32 s29, $0x2  }
0xac: {  	v56 =	vmul.f32 v53, v52;
	(v2sf) =	vpush v17, $0x9;
	s26 =	spop (v2sf);
	s30 =	sand.u32 $0x7, s29;
	v18 =	vadd.f32 v55, v18;
	s25 =	sand.u32 $0xFFFFFFE0, s25  }
0xad: {  	s31 =	sand.u32 $0x7, s26;
	s26 =	sshll.u32 s26, $0x2;
	s28 =	sshll.u32 s30, $0x2  }
0xae: {  	(v2sf) =	vpush v16, $0x9;
	s26 =	sand.u32 $0xFFFFFFE0, s26;
	s29 =	sshll.u32 s31, $0x2;
	s25 =	sor.u32 s28, s25;
	v18 =	vadd.f32 v56, v18  }
0xaf: {  	s26 =	sor.u32 s29, s26;
	s25 =	sshra.s32 s25, $0x2  }
0xb0: {  	s26 =	sshra.s32 s26, $0x2;
	s25 =	sadd.s32 s24, s25;
	[tilespmem:$0x18A70] =	vst v18  }
0xb1: {  	s26 =	sadd.s32 s24, s26;
	v18 =	vld [tilespmem:s25+$0xA00]  }
0xb2: {  	s26 =	sadd.s32 $0x10600, s26;
	v58 =	vld [tilespmem:s25+$0xA10]  }
0xb3: {  	v57 =	vld [tilespmem:s26+$0x400]  }
0xb4: {  	v59 =	vld [tilespmem:s26+$0x410]  }
0xb5: {  	v60 =	vld [tilespmem:s25+$0xA20]  }
0xb6: {  	v61 =	vld [tilespmem:s26+$0x420]  }
0xb7: {  	v62 =	vld [tilespmem:s25+$0xA30]  }
0xb8: {  	v63 =	vld [tilespmem:s26+$0x430]  }
0xb9: {  	v18 =	vmul.f32 v57, v18;
	v21 =	vmul.f32 v59, v58;
	_ =	sdelay $0x1  }
0xba: {  	v26 =	vmul.f32 v61, v60;
	v18 =	vadd.f32 v21, v18;
	s29 =	spop (v2sf)  }
0xbb: {  	s25 =	sshll.u32 s29, $0x2  }
0xbc: {  	v27 =	vmul.f32 v63, v62;
	(v2sf) =	vpush v17, $0xA;
	s26 =	spop (v2sf);
	s30 =	sand.u32 $0x7, s29;
	v18 =	vadd.f32 v26, v18;
	s25 =	sand.u32 $0xFFFFFFE0, s25  }
0xbd: {  	s31 =	sand.u32 $0x7, s26;
	s26 =	sshll.u32 s26, $0x2;
	s28 =	sshll.u32 s30, $0x2  }
0xbe: {  	(v2sf) =	vpush v16, $0xA;
	s26 =	sand.u32 $0xFFFFFFE0, s26;
	s29 =	sshll.u32 s31, $0x2;
	s25 =	sor.u32 s28, s25;
	v18 =	vadd.f32 v27, v18  }
0xbf: {  	s26 =	sor.u32 s29, s26;
	s25 =	sshra.s32 s25, $0x2  }
0xc0: {  	s26 =	sshra.s32 s26, $0x2;
	s25 =	sadd.s32 s24, s25;
	[tilespmem:$0x18A80] =	vst v18  }
0xc1: {  	s26 =	sadd.s32 s24, s26;
	v18 =	vld [tilespmem:s25+$0xA80]  }
0xc2: {  	s26 =	sadd.s32 $0x10600, s26;
	v29 =	vld [tilespmem:s25+$0xA90]  }
0xc3: {  	v28 =	vld [tilespmem:s26+$0x480]  }
0xc4: {  	v30 =	vld [tilespmem:s26+$0x490]  }
0xc5: {  	v31 =	vld [tilespmem:s25+$0xAA0]  }
0xc6: {  	v32 =	vld [tilespmem:s26+$0x4A0]  }
0xc7: {  	v33 =	vld [tilespmem:s25+$0xAB0]  }
0xc8: {  	v34 =	vld [tilespmem:s26+$0x4B0]  }
0xc9: {  	v18 =	vmul.f32 v28, v18;
	v35 =	vmul.f32 v30, v29;
	_ =	sdelay $0x1  }
0xca: {  	v36 =	vmul.f32 v32, v31;
	v18 =	vadd.f32 v35, v18;
	s29 =	spop (v2sf)  }
0xcb: {  	s25 =	sshll.u32 s29, $0x2  }
0xcc: {  	v37 =	vmul.f32 v34, v33;
	(v2sf) =	vpush v17, $0xB;
	s26 =	spop (v2sf);
	s30 =	sand.u32 $0x7, s29;
	v18 =	vadd.f32 v36, v18;
	s25 =	sand.u32 $0xFFFFFFE0, s25  }
0xcd: {  	s31 =	sand.u32 $0x7, s26;
	s26 =	sshll.u32 s26, $0x2;
	s28 =	sshll.u32 s30, $0x2  }
0xce: {  	(v2sf) =	vpush v16, $0xB;
	s26 =	sand.u32 $0xFFFFFFE0, s26;
	s29 =	sshll.u32 s31, $0x2;
	s25 =	sor.u32 s28, s25;
	v18 =	vadd.f32 v37, v18  }
0xcf: {  	s26 =	sor.u32 s29, s26;
	s25 =	sshra.s32 s25, $0x2  }
0xd0: {  	s26 =	sshra.s32 s26, $0x2;
	s25 =	sadd.s32 s24, s25;
	[tilespmem:$0x18A90] =	vst v18  }
0xd1: {  	s26 =	sadd.s32 s24, s26;
	v18 =	vld [tilespmem:s25+$0xB00]  }
0xd2: {  	s26 =	sadd.s32 $0x10600, s26;
	v39 =	vld [tilespmem:s25+$0xB10]  }
0xd3: {  	v38 =	vld [tilespmem:s26+$0x500]  }
0xd4: {  	v40 =	vld [tilespmem:s26+$0x510]  }
0xd5: {  	v41 =	vld [tilespmem:s25+$0xB20]  }
0xd6: {  	v42 =	vld [tilespmem:s26+$0x520]  }
0xd7: {  	v43 =	vld [tilespmem:s25+$0xB30]  }
0xd8: {  	v44 =	vld [tilespmem:s26+$0x530]  }
0xd9: {  	v18 =	vmul.f32 v38, v18;
	v45 =	vmul.f32 v40, v39;
	_ =	sdelay $0x1  }
0xda: {  	v46 =	vmul.f32 v42, v41;
	v18 =	vadd.f32 v45, v18;
	s29 =	spop (v2sf)  }
0xdb: {  	s25 =	sshll.u32 s29, $0x2  }
0xdc: {  	v47 =	vmul.f32 v44, v43;
	(v2sf) =	vpush v17, $0xC;
	s26 =	spop (v2sf);
	s30 =	sand.u32 $0x7, s29;
	v18 =	vadd.f32 v46, v18;
	s25 =	sand.u32 $0xFFFFFFE0, s25  }
0xdd: {  	s31 =	sand.u32 $0x7, s26;
	s26 =	sshll.u32 s26, $0x2;
	s28 =	sshll.u32 s30, $0x2  }
0xde: {  	(v2sf) =	vpush v16, $0xC;
	s26 =	sand.u32 $0xFFFFFFE0, s26;
	s29 =	sshll.u32 s31, $0x2;
	s25 =	sor.u32 s28, s25;
	v18 =	vadd.f32 v47, v18  }
0xdf: {  	s26 =	sor.u32 s29, s26;
	s25 =	sshra.s32 s25, $0x2  }
0xe0: {  	s26 =	sshra.s32 s26, $0x2;
	s25 =	sadd.s32 s24, s25;
	[tilespmem:$0x18AA0] =	vst v18  }
0xe1: {  	s26 =	sadd.s32 s24, s26;
	v18 =	vld [tilespmem:s25+$0xB80]  }
0xe2: {  	s26 =	sadd.s32 $0x10600, s26;
	v49 =	vld [tilespmem:s25+$0xB90]  }
0xe3: {  	v48 =	vld [tilespmem:s26+$0x580]  }
0xe4: {  	v50 =	vld [tilespmem:s26+$0x590]  }
0xe5: {  	v51 =	vld [tilespmem:s25+$0xBA0]  }
0xe6: {  	v52 =	vld [tilespmem:s26+$0x5A0]  }
0xe7: {  	v53 =	vld [tilespmem:s25+$0xBB0]  }
0xe8: {  	v54 =	vld [tilespmem:s26+$0x5B0]  }
0xe9: {  	v18 =	vmul.f32 v48, v18;
	v55 =	vmul.f32 v50, v49;
	_ =	sdelay $0x1  }
0xea: {  	v56 =	vmul.f32 v52, v51;
	v18 =	vadd.f32 v55, v18;
	s29 =	spop (v2sf)  }
0xeb: {  	s25 =	sshll.u32 s29, $0x2  }
0xec: {  	v57 =	vmul.f32 v54, v53;
	(v2sf) =	vpush v17, $0xD;
	s26 =	spop (v2sf);
	s30 =	sand.u32 $0x7, s29;
	v18 =	vadd.f32 v56, v18;
	s25 =	sand.u32 $0xFFFFFFE0, s25  }
0xed: {  	s31 =	sand.u32 $0x7, s26;
	s26 =	sshll.u32 s26, $0x2;
	s28 =	sshll.u32 s30, $0x2  }
0xee: {  	(v2sf) =	vpush v16, $0xD;
	s26 =	sand.u32 $0xFFFFFFE0, s26;
	s29 =	sshll.u32 s31, $0x2;
	s25 =	sor.u32 s28, s25;
	v18 =	vadd.f32 v57, v18  }
0xef: {  	s26 =	sor.u32 s29, s26;
	s25 =	sshra.s32 s25, $0x2  }
0xf0: {  	s26 =	sshra.s32 s26, $0x2;
	s25 =	sadd.s32 s24, s25;
	[tilespmem:$0x18AB0] =	vst v18  }
0xf1: {  	s26 =	sadd.s32 s24, s26;
	v18 =	vld [tilespmem:s25+$0xC00]  }
0xf2: {  	s26 =	sadd.s32 $0x10600, s26;
	v59 =	vld [tilespmem:s25+$0xC10]  }
0xf3: {  	v58 =	vld [tilespmem:s26+$0x600]  }
0xf4: {  	v60 =	vld [tilespmem:s26+$0x610]  }
0xf5: {  	v61 =	vld [tilespmem:s25+$0xC20]  }
0xf6: {  	v62 =	vld [tilespmem:s26+$0x620]  }
0xf7: {  	v63 =	vld [tilespmem:s25+$0xC30]  }
0xf8: {  	v28 =	vld [tilespmem:s26+$0x630]  }
0xf9: {  	v18 =	vmul.f32 v58, v18;
	v29 =	vmul.f32 v60, v59;
	_ =	sdelay $0x1  }
0xfa: {  	v30 =	vmul.f32 v62, v61;
	v18 =	vadd.f32 v29, v18;
	s29 =	spop (v2sf)  }
0xfb: {  	s25 =	sshll.u32 s29, $0x2  }
0xfc: {  	v31 =	vmul.f32 v28, v63;
	(v2sf) =	vpush v17, $0xE;
	s26 =	spop (v2sf);
	s30 =	sand.u32 $0x7, s29;
	v18 =	vadd.f32 v30, v18;
	s25 =	sand.u32 $0xFFFFFFE0, s25  }
0xfd: {  	s31 =	sand.u32 $0x7, s26;
	s26 =	sshll.u32 s26, $0x2;
	s28 =	sshll.u32 s30, $0x2  }
0xfe: {  	(v2sf) =	vpush v16, $0xE;
	s26 =	sand.u32 $0xFFFFFFE0, s26;
	s29 =	sshll.u32 s31, $0x2;
	s25 =	sor.u32 s28, s25;
	v18 =	vadd.f32 v31, v18  }
0xff: {  	s26 =	sor.u32 s29, s26;
	s25 =	sshra.s32 s25, $0x2  }
0x100: {  	s26 =	sshra.s32 s26, $0x2;
	s25 =	sadd.s32 s24, s25;
	[tilespmem:$0x18AC0] =	vst v18  }
0x101: {  	s26 =	sadd.s32 s24, s26;
	v18 =	vld [tilespmem:s25+$0xC80]  }
0x102: {  	s26 =	sadd.s32 $0x10600, s26;
	v33 =	vld [tilespmem:s25+$0xC90]  }
0x103: {  	v32 =	vld [tilespmem:s26+$0x680]  }
0x104: {  	v34 =	vld [tilespmem:s26+$0x690]  }
0x105: {  	v35 =	vld [tilespmem:s25+$0xCA0]  }
0x106: {  	v36 =	vld [tilespmem:s26+$0x6A0]  }
0x107: {  	v37 =	vld [tilespmem:s25+$0xCB0]  }
0x108: {  	v38 =	vld [tilespmem:s26+$0x6B0]  }
0x109: {  	v18 =	vmul.f32 v32, v18;
	v39 =	vmul.f32 v34, v33;
	_ =	sdelay $0x1  }
0x10a: {  	v40 =	vmul.f32 v36, v35;
	v18 =	vadd.f32 v39, v18;
	s29 =	spop (v2sf)  }
0x10b: {  	s25 =	sshll.u32 s29, $0x2  }
0x10c: {  	v41 =	vmul.f32 v38, v37;
	(v2sf) =	vpush v17, $0xF;
	s26 =	spop (v2sf);
	s30 =	sand.u32 $0x7, s29;
	v18 =	vadd.f32 v40, v18;
	s25 =	sand.u32 $0xFFFFFFE0, s25  }
0x10d: {  	s31 =	sand.u32 $0x7, s26;
	s26 =	sshll.u32 s26, $0x2;
	s28 =	sshll.u32 s30, $0x2  }
0x10e: {  	(v2sf) =	vpush v16, $0xF;
	s26 =	sand.u32 $0xFFFFFFE0, s26;
	s29 =	sshll.u32 s31, $0x2;
	s25 =	sor.u32 s28, s25;
	v16 =	vadd.f32 v41, v18  }
0x10f: {  	s26 =	sor.u32 s29, s26;
	s25 =	sshra.s32 s25, $0x2  }
0x110: {  	s26 =	sshra.s32 s26, $0x2;
	s25 =	sadd.s32 s24, s25;
	[tilespmem:$0x18AD0] =	vst v16  }
0x111: {  	s26 =	sadd.s32 s24, s26;
	v16 =	vld [tilespmem:s25+$0xD00]  }
0x112: {  	s26 =	sadd.s32 $0x10600, s26;
	v42 =	vld [tilespmem:s25+$0xD10]  }
0x113: {  	v17 =	vld [tilespmem:s26+$0x700]  }
0x114: {  	v43 =	vld [tilespmem:s26+$0x710]  }
0x115: {  	v44 =	vld [tilespmem:s25+$0xD20]  }
0x116: {  	v45 =	vld [tilespmem:s26+$0x720]  }
0x117: {  	v46 =	vld [tilespmem:s25+$0xD30]  }
0x118: {  	v47 =	vld [tilespmem:s26+$0x730]  }
0x119: {  	v16 =	vmul.f32 v17, v16;
	v17 =	vmul.f32 v43, v42;
	_ =	sdelay $0x1  }
0x11a: {  	s29 =	spop (v2sf);
	v16 =	vadd.f32 v17, v16;
	v17 =	vmul.f32 v45, v44  }
0x11b: {  	s25 =	sshll.u32 s29, $0x2  }
0x11c: {  	s26 =	spop (v2sf);
	s30 =	sand.u32 $0x7, s29;
	v16 =	vadd.f32 v17, v16;
	v17 =	vmul.f32 v47, v46;
	s25 =	sand.u32 $0xFFFFFFE0, s25  }
0x11d: {  	s31 =	sand.u32 $0x7, s26;
	s26 =	sshll.u32 s26, $0x2;
	s28 =	sshll.u32 s30, $0x2  }
0x11e: {  	s26 =	sand.u32 $0xFFFFFFE0, s26;
	s29 =	sshll.u32 s31, $0x2;
	s25 =	sor.u32 s28, s25;
	v16 =	vadd.f32 v17, v16  }
0x11f: {  	s26 =	sor.u32 s29, s26;
	s25 =	sshra.s32 s25, $0x2  }
0x120: {  	s26 =	sshra.s32 s26, $0x2;
	s25 =	sadd.s32 s24, s25;
	[tilespmem:$0x18AE0] =	vst v16  }
0x121: {  	s24 =	sadd.s32 s24, s26;
	v16 =	vld [tilespmem:s25+$0xD80]  }
0x122: {  	s24 =	sadd.s32 $0x10600, s24;
	v48 =	vld [tilespmem:s25+$0xD90]  }
0x123: {  	v17 =	vld [tilespmem:s24+$0x780]  }
0x124: {  	v49 =	vld [tilespmem:s24+$0x790]  }
0x125: {  	v50 =	vld [tilespmem:s25+$0xDA0]  }
0x126: {  	v51 =	vld [tilespmem:s24+$0x7A0]  }
0x127: {  	v52 =	vld [tilespmem:s25+$0xDB0]  }
0x128: {  	v53 =	vld [tilespmem:s24+$0x7B0]  }
0x129: {  	v16 =	vmul.f32 v17, v16;
	v17 =	vmul.f32 v49, v48;
	_ =	sdelay $0x1  }
0x12a: {  	v16 =	vadd.f32 v17, v16;
	v17 =	vmul.f32 v51, v50;
	_ =	sdelay $0x1  }
0x12b: {  	v16 =	vadd.f32 v17, v16;
	v17 =	vmul.f32 v53, v52;
	_ =	sdelay $0x1  }
0x12c: {  	v16 =	vadd.f32 v17, v16;
	_ =	sdelay $0x1  }
0x12d: {  	[tilespmem:$0x18AF0] =	vst v16  }
0x12e: {  	v16 =	vld [tilespmem:s21+$0x0]  }
0x12f: {  	v17 =	vld.idx.msk [tilespmem:v0+s16+$0x0], $0xffff;
	_ =	sdelay $0x1  }
0x130: {  	v54 =	vld.idx.msk [tilespmem:v1+s16+$0x0], $0xffff;
	_ =	sdelay $0x1  }
0x131: {  	v55 =	vld.idx.msk [tilespmem:v2+s16+$0x0], $0xffff  }
0x132: {  	v16 =	vadd.f32 v17, v16  }
0x133: {  	v17 =	vld.idx.msk [tilespmem:v3+s16+$0x0], $0xffff  }
0x134: {  	v16 =	vadd.f32 v54, v16  }
0x135: {  	v56 =	vld.idx.msk [tilespmem:v4+s16+$0x0], $0xffff  }
0x136: {  	v16 =	vadd.f32 v55, v16  }
0x137: {  	v57 =	vld.idx.msk [tilespmem:v5+s16+$0x0], $0xffff  }
0x138: {  	v16 =	vadd.f32 v17, v16  }
0x139: {  	v17 =	vld.idx.msk [tilespmem:v6+s16+$0x0], $0xffff  }
0x13a: {  	v16 =	vadd.f32 v56, v16  }
0x13b: {  	v58 =	vld.idx.msk [tilespmem:v7+s16+$0x0], $0xffff  }
0x13c: {  	v16 =	vadd.f32 v57, v16  }
0x13d: {  	v59 =	vld.idx.msk [tilespmem:v8+s16+$0x0], $0xffff  }
0x13e: {  	v16 =	vadd.f32 v17, v16  }
0x13f: {  	v17 =	vld.idx.msk [tilespmem:v9+s16+$0x0], $0xffff  }
0x140: {  	v16 =	vadd.f32 v58, v16  }
0x141: {  	v60 =	vld.idx.msk [tilespmem:v10+s16+$0x0], $0xffff  }
0x142: {  	v16 =	vadd.f32 v59, v16  }
0x143: {  	v61 =	vld.idx.msk [tilespmem:v11+s16+$0x0], $0xffff  }
0x144: {  	v16 =	vadd.f32 v17, v16  }
0x145: {  	v17 =	vld.idx.msk [tilespmem:v12+s16+$0x0], $0xffff  }
0x146: {  	v16 =	vadd.f32 v60, v16  }
0x147: {  	v62 =	vld.idx.msk [tilespmem:v13+s16+$0x0], $0xffff  }
0x148: {  	v16 =	vadd.f32 v61, v16  }
0x149: {  	v63 =	vld.idx.msk [tilespmem:v14+s16+$0x0], $0xffff  }
0x14a: {  	v16 =	vadd.f32 v17, v16  }
0x14b: {  	v17 =	vld.idx.msk [tilespmem:v15+s16+$0x0], $0xffff  }
0x14c: {  	v16 =	vadd.f32 v62, v16  }
0x14d: {  	p0 =	sne.s32 s23, $0x1E000  }
.Ltmp0:
0x14e: {  	v16 =	vadd.f32 v63, v16;
	(pc) =	sbr.rel @p0 .LBB2_2-.Ltmp0, $4  }
0x14f: {  	_ = 	snop  }
0x150: {  	v16 =	vadd.f32 v17, v16  }
0x151: {  	s19 =	sadd.s32 $0x10, s19;
	s20 =	sadd.s32 $0x10, s20  }
0x152: {  	s23 =	sadd.s32 $0x2000, s23;
	s21 =	sadd.s32 $0x10, s21;
	[tilespmem:s22+$0x0] =	vst v16;
	s22 =	sadd.s32 $0x10, s22  }
0x153: {  	[tilespmem:s14], [sflag:$0x1] =	stream.indirect.gather [hbm4b:s3+s13], $0x80, s13, s13, $0xb8;
	[tilespmem:$0x18B00] =	vst v63  }
0x154: {  	s19 =	simm.s32 $0x0;
	_ =	swait.ge [sflag:s15], $0x8000  }
0x155: {  	s20 =	simm.s32 $0x300;
	s21 =	simm.s32 $0x500;
	[sflag:s15] =	ssyncset.done $0x0  }
0x156: {  	s22 =	simm.s32 $0x18700;
	s23 =	simm.s32 $0x18900;
	[sflag:s15] =	ssyncadd.s32 $0xFFFF8000  }
.LBB2_4:
0x157: {  	v17 =	vld [tilespmem:s20+$0x0];
	_ =	sdelay $0x1  }
0x158: {  	v16 =	vld [tilespmem:s21+$0x0];
	_ =	sdelay $0x2  }
0x159: {  	(v2sf) =	vpush v17, $0x0;
	_ =	sdelay $0x1  }
0x15a: {  	(v2sf) =	vpush v16, $0x0;
	_ =	sdelay $0xc  }
0x15b: {  	s24 =	spop (v2sf)  }
0x15c: {  	s25 =	sshll.u32 s24, $0x2  }
0x15d: {  	(v2sf) =	vpush v17, $0x1;
	s26 =	spop (v2sf);
	s24 =	sand.u32 $0x7, s24;
	s25 =	sand.u32 $0xFFFFFFE0, s25  }
0x15e: {  	s24 =	sshll.u32 s24, $0x2;
	s28 =	sand.u32 $0x7, s26;
	s26 =	sshll.u32 s26, $0x2  }
0x15f: {  	(v2sf) =	vpush v16, $0x1;
	s24 =	sor.u32 s24, s25;
	s29 =	sand.u32 $0xFFFFFFE0, s26  }
0x160: {  	s30 =	sshll.u32 s28, $0x2;
	s31 =	sshra.s32 s24, $0x2;
	s24 =	sshra.s32 s19, $0x2  }
0x161: {  	s25 =	sor.u32 s30, s29;
	s28 =	sadd.s32 s24, s31  }
0x162: {  	s25 =	sshra.s32 s25, $0x2;
	v18 =	vld [tilespmem:s28+$0x8600]  }
0x163: {  	s25 =	sadd.s32 s24, s25;
	v20 =	vld [tilespmem:s28+$0x8610]  }
0x164: {  	v19 =	vld [tilespmem:s25+$0x10600];
	s25 =	sadd.s32 $0x10600, s25  }
0x165: {  	v21 =	vld [tilespmem:s25+$0x10]  }
0x166: {  	v22 =	vld [tilespmem:s28+$0x8620]  }
0x167: {  	v23 =	vld [tilespmem:s25+$0x20]  }
0x168: {  	v24 =	vld [tilespmem:s28+$0x8630]  }
0x169: {  	v25 =	vld [tilespmem:s25+$0x30]  }
0x16a: {  	v18 =	vmul.f32 v19, v18;
	v56 =	vmul.f32 v21, v20;
	_ =	sdelay $0x1  }
0x16b: {  	v57 =	vmul.f32 v23, v22;
	v18 =	vadd.f32 v56, v18;
	s29 =	spop (v2sf)  }
0x16c: {  	s25 =	sshll.u32 s29, $0x2  }
0x16d: {  	v58 =	vmul.f32 v25, v24;
	(v2sf) =	vpush v17, $0x2;
	s30 =	spop (v2sf);
	s31 =	sand.u32 $0x7, s29;
	v18 =	vadd.f32 v57, v18;
	s25 =	sand.u32 $0xFFFFFFE0, s25  }
0x16e: {  	s29 =	sand.u32 $0x7, s30;
	s26 =	sshll.u32 s30, $0x2;
	s28 =	sshll.u32 s31, $0x2  }
0x16f: {  	(v2sf) =	vpush v16, $0x2;
	s26 =	sand.u32 $0xFFFFFFE0, s26;
	s29 =	sshll.u32 s29, $0x2;
	s25 =	sor.u32 s28, s25;
	v18 =	vadd.f32 v58, v18  }
0x170: {  	s26 =	sor.u32 s29, s26;
	s25 =	sshra.s32 s25, $0x2  }
0x171: {  	s26 =	sshra.s32 s26, $0x2;
	s25 =	sadd.s32 s24, s25;
	[tilespmem:$0x18A00] =	vst v18  }
0x172: {  	s26 =	sadd.s32 s24, s26;
	v18 =	vld [tilespmem:s25+$0x8680]  }
0x173: {  	s26 =	sadd.s32 $0x10600, s26;
	v60 =	vld [tilespmem:s25+$0x8690]  }
0x174: {  	v59 =	vld [tilespmem:s26+$0x80]  }
0x175: {  	v61 =	vld [tilespmem:s26+$0x90]  }
0x176: {  	v62 =	vld [tilespmem:s25+$0x86A0]  }
0x177: {  	v63 =	vld [tilespmem:s26+$0xA0]  }
0x178: {  	v28 =	vld [tilespmem:s25+$0x86B0]  }
0x179: {  	v29 =	vld [tilespmem:s26+$0xB0]  }
0x17a: {  	v18 =	vmul.f32 v59, v18;
	v30 =	vmul.f32 v61, v60;
	_ =	sdelay $0x1  }
0x17b: {  	v31 =	vmul.f32 v63, v62;
	v18 =	vadd.f32 v30, v18;
	s29 =	spop (v2sf)  }
0x17c: {  	s25 =	sshll.u32 s29, $0x2  }
0x17d: {  	v32 =	vmul.f32 v29, v28;
	(v2sf) =	vpush v17, $0x3;
	s26 =	spop (v2sf);
	s30 =	sand.u32 $0x7, s29;
	v18 =	vadd.f32 v31, v18;
	s25 =	sand.u32 $0xFFFFFFE0, s25  }
0x17e: {  	s31 =	sand.u32 $0x7, s26;
	s26 =	sshll.u32 s26, $0x2;
	s28 =	sshll.u32 s30, $0x2  }
0x17f: {  	(v2sf) =	vpush v16, $0x3;
	s26 =	sand.u32 $0xFFFFFFE0, s26;
	s29 =	sshll.u32 s31, $0x2;
	s25 =	sor.u32 s28, s25;
	v18 =	vadd.f32 v32, v18  }
0x180: {  	s26 =	sor.u32 s29, s26;
	s25 =	sshra.s32 s25, $0x2  }
0x181: {  	s26 =	sshra.s32 s26, $0x2;
	s25 =	sadd.s32 s24, s25;
	[tilespmem:$0x18A10] =	vst v18  }
0x182: {  	s26 =	sadd.s32 s24, s26;
	v18 =	vld [tilespmem:s25+$0x8700]  }
0x183: {  	s26 =	sadd.s32 $0x10600, s26;
	v34 =	vld [tilespmem:s25+$0x8710]  }
0x184: {  	v33 =	vld [tilespmem:s26+$0x100]  }
0x185: {  	v35 =	vld [tilespmem:s26+$0x110]  }
0x186: {  	v36 =	vld [tilespmem:s25+$0x8720]  }
0x187: {  	v37 =	vld [tilespmem:s26+$0x120]  }
0x188: {  	v38 =	vld [tilespmem:s25+$0x8730]  }
0x189: {  	v39 =	vld [tilespmem:s26+$0x130]  }
0x18a: {  	v18 =	vmul.f32 v33, v18;
	v40 =	vmul.f32 v35, v34;
	_ =	sdelay $0x1  }
0x18b: {  	v41 =	vmul.f32 v37, v36;
	v18 =	vadd.f32 v40, v18;
	s29 =	spop (v2sf)  }
0x18c: {  	s25 =	sshll.u32 s29, $0x2  }
0x18d: {  	v42 =	vmul.f32 v39, v38;
	(v2sf) =	vpush v17, $0x4;
	s26 =	spop (v2sf);
	s30 =	sand.u32 $0x7, s29;
	v18 =	vadd.f32 v41, v18;
	s25 =	sand.u32 $0xFFFFFFE0, s25  }
0x18e: {  	s31 =	sand.u32 $0x7, s26;
	s26 =	sshll.u32 s26, $0x2;
	s28 =	sshll.u32 s30, $0x2  }
0x18f: {  	(v2sf) =	vpush v16, $0x4;
	s26 =	sand.u32 $0xFFFFFFE0, s26;
	s29 =	sshll.u32 s31, $0x2;
	s25 =	sor.u32 s28, s25;
	v18 =	vadd.f32 v42, v18  }
0x190: {  	s26 =	sor.u32 s29, s26;
	s25 =	sshra.s32 s25, $0x2  }
0x191: {  	s26 =	sshra.s32 s26, $0x2;
	s25 =	sadd.s32 s24, s25;
	[tilespmem:$0x18A20] =	vst v18  }
0x192: {  	s26 =	sadd.s32 s24, s26;
	v18 =	vld [tilespmem:s25+$0x8780]  }
0x193: {  	s26 =	sadd.s32 $0x10600, s26;
	v44 =	vld [tilespmem:s25+$0x8790]  }
0x194: {  	v43 =	vld [tilespmem:s26+$0x180]  }
0x195: {  	v45 =	vld [tilespmem:s26+$0x190]  }
0x196: {  	v46 =	vld [tilespmem:s25+$0x87A0]  }
0x197: {  	v47 =	vld [tilespmem:s26+$0x1A0]  }
0x198: {  	v48 =	vld [tilespmem:s25+$0x87B0]  }
0x199: {  	v49 =	vld [tilespmem:s26+$0x1B0]  }
0x19a: {  	v18 =	vmul.f32 v43, v18;
	v50 =	vmul.f32 v45, v44;
	_ =	sdelay $0x1  }
0x19b: {  	v51 =	vmul.f32 v47, v46;
	v18 =	vadd.f32 v50, v18;
	s29 =	spop (v2sf)  }
0x19c: {  	s25 =	sshll.u32 s29, $0x2  }
0x19d: {  	v52 =	vmul.f32 v49, v48;
	(v2sf) =	vpush v17, $0x5;
	s26 =	spop (v2sf);
	s30 =	sand.u32 $0x7, s29;
	v18 =	vadd.f32 v51, v18;
	s25 =	sand.u32 $0xFFFFFFE0, s25  }
0x19e: {  	s31 =	sand.u32 $0x7, s26;
	s26 =	sshll.u32 s26, $0x2;
	s28 =	sshll.u32 s30, $0x2  }
0x19f: {  	(v2sf) =	vpush v16, $0x5;
	s26 =	sand.u32 $0xFFFFFFE0, s26;
	s29 =	sshll.u32 s31, $0x2;
	s25 =	sor.u32 s28, s25;
	v18 =	vadd.f32 v52, v18  }
0x1a0: {  	s26 =	sor.u32 s29, s26;
	s25 =	sshra.s32 s25, $0x2  }
0x1a1: {  	s26 =	sshra.s32 s26, $0x2;
	s25 =	sadd.s32 s24, s25;
	[tilespmem:$0x18A30] =	vst v18  }
0x1a2: {  	s26 =	sadd.s32 s24, s26;
	v18 =	vld [tilespmem:s25+$0x8800]  }
0x1a3: {  	s26 =	sadd.s32 $0x10600, s26;
	v54 =	vld [tilespmem:s25+$0x8810]  }
0x1a4: {  	v53 =	vld [tilespmem:s26+$0x200]  }
0x1a5: {  	v55 =	vld [tilespmem:s26+$0x210]  }
0x1a6: {  	v56 =	vld [tilespmem:s25+$0x8820]  }
0x1a7: {  	v57 =	vld [tilespmem:s26+$0x220]  }
0x1a8: {  	v58 =	vld [tilespmem:s25+$0x8830]  }
0x1a9: {  	v59 =	vld [tilespmem:s26+$0x230]  }
0x1aa: {  	v18 =	vmul.f32 v53, v18;
	v60 =	vmul.f32 v55, v54;
	_ =	sdelay $0x1  }
0x1ab: {  	v61 =	vmul.f32 v57, v56;
	v18 =	vadd.f32 v60, v18;
	s29 =	spop (v2sf)  }
0x1ac: {  	s25 =	sshll.u32 s29, $0x2  }
0x1ad: {  	v62 =	vmul.f32 v59, v58;
	(v2sf) =	vpush v17, $0x6;
	s26 =	spop (v2sf);
	s30 =	sand.u32 $0x7, s29;
	v18 =	vadd.f32 v61, v18;
	s25 =	sand.u32 $0xFFFFFFE0, s25  }
0x1ae: {  	s31 =	sand.u32 $0x7, s26;
	s26 =	sshll.u32 s26, $0x2;
	s28 =	sshll.u32 s30, $0x2  }
0x1af: {  	(v2sf) =	vpush v16, $0x6;
	s26 =	sand.u32 $0xFFFFFFE0, s26;
	s29 =	sshll.u32 s31, $0x2;
	s25 =	sor.u32 s28, s25;
	v18 =	vadd.f32 v62, v18  }
0x1b0: {  	s26 =	sor.u32 s29, s26;
	s25 =	sshra.s32 s25, $0x2  }
0x1b1: {  	s26 =	sshra.s32 s26, $0x2;
	s25 =	sadd.s32 s24, s25;
	[tilespmem:$0x18A40] =	vst v18  }
0x1b2: {  	s26 =	sadd.s32 s24, s26;
	v18 =	vld [tilespmem:s25+$0x8880]  }
0x1b3: {  	s26 =	sadd.s32 $0x10600, s26;
	v28 =	vld [tilespmem:s25+$0x8890]  }
0x1b4: {  	v63 =	vld [tilespmem:s26+$0x280]  }
0x1b5: {  	v29 =	vld [tilespmem:s26+$0x290]  }
0x1b6: {  	v30 =	vld [tilespmem:s25+$0x88A0]  }
0x1b7: {  	v31 =	vld [tilespmem:s26+$0x2A0]  }
0x1b8: {  	v32 =	vld [tilespmem:s25+$0x88B0]  }
0x1b9: {  	v33 =	vld [tilespmem:s26+$0x2B0]  }
0x1ba: {  	v18 =	vmul.f32 v63, v18;
	v34 =	vmul.f32 v29, v28;
	_ =	sdelay $0x1  }
0x1bb: {  	v35 =	vmul.f32 v31, v30;
	v18 =	vadd.f32 v34, v18;
	s29 =	spop (v2sf)  }
0x1bc: {  	s25 =	sshll.u32 s29, $0x2  }
0x1bd: {  	v36 =	vmul.f32 v33, v32;
	(v2sf) =	vpush v17, $0x7;
	s26 =	spop (v2sf);
	s30 =	sand.u32 $0x7, s29;
	v18 =	vadd.f32 v35, v18;
	s25 =	sand.u32 $0xFFFFFFE0, s25  }
0x1be: {  	s31 =	sand.u32 $0x7, s26;
	s26 =	sshll.u32 s26, $0x2;
	s28 =	sshll.u32 s30, $0x2  }
0x1bf: {  	(v2sf) =	vpush v16, $0x7;
	s26 =	sand.u32 $0xFFFFFFE0, s26;
	s29 =	sshll.u32 s31, $0x2;
	s25 =	sor.u32 s28, s25;
	v18 =	vadd.f32 v36, v18  }
0x1c0: {  	s26 =	sor.u32 s29, s26;
	s25 =	sshra.s32 s25, $0x2  }
0x1c1: {  	s26 =	sshra.s32 s26, $0x2;
	s25 =	sadd.s32 s24, s25;
	[tilespmem:$0x18A50] =	vst v18  }
0x1c2: {  	s26 =	sadd.s32 s24, s26;
	v18 =	vld [tilespmem:s25+$0x8900]  }
0x1c3: {  	s26 =	sadd.s32 $0x10600, s26;
	v38 =	vld [tilespmem:s25+$0x8910]  }
0x1c4: {  	v37 =	vld [tilespmem:s26+$0x300]  }
0x1c5: {  	v39 =	vld [tilespmem:s26+$0x310]  }
0x1c6: {  	v40 =	vld [tilespmem:s25+$0x8920]  }
0x1c7: {  	v41 =	vld [tilespmem:s26+$0x320]  }
0x1c8: {  	v42 =	vld [tilespmem:s25+$0x8930]  }
0x1c9: {  	v43 =	vld [tilespmem:s26+$0x330]  }
0x1ca: {  	v18 =	vmul.f32 v37, v18;
	v44 =	vmul.f32 v39, v38;
	_ =	sdelay $0x1  }
0x1cb: {  	v45 =	vmul.f32 v41, v40;
	v18 =	vadd.f32 v44, v18;
	s29 =	spop (v2sf)  }
0x1cc: {  	s25 =	sshll.u32 s29, $0x2  }
0x1cd: {  	v46 =	vmul.f32 v43, v42;
	(v2sf) =	vpush v17, $0x8;
	s26 =	spop (v2sf);
	s30 =	sand.u32 $0x7, s29;
	v18 =	vadd.f32 v45, v18;
	s25 =	sand.u32 $0xFFFFFFE0, s25  }
0x1ce: {  	s31 =	sand.u32 $0x7, s26;
	s26 =	sshll.u32 s26, $0x2;
	s28 =	sshll.u32 s30, $0x2  }
0x1cf: {  	(v2sf) =	vpush v16, $0x8;
	s26 =	sand.u32 $0xFFFFFFE0, s26;
	s29 =	sshll.u32 s31, $0x2;
	s25 =	sor.u32 s28, s25;
	v18 =	vadd.f32 v46, v18  }
0x1d0: {  	s26 =	sor.u32 s29, s26;
	s25 =	sshra.s32 s25, $0x2  }
0x1d1: {  	s26 =	sshra.s32 s26, $0x2;
	s25 =	sadd.s32 s24, s25;
	[tilespmem:$0x18A60] =	vst v18  }
0x1d2: {  	s26 =	sadd.s32 s24, s26;
	v18 =	vld [tilespmem:s25+$0x8980]  }
0x1d3: {  	s26 =	sadd.s32 $0x10600, s26;
	v48 =	vld [tilespmem:s25+$0x8990]  }
0x1d4: {  	v47 =	vld [tilespmem:s26+$0x380]  }
0x1d5: {  	v49 =	vld [tilespmem:s26+$0x390]  }
0x1d6: {  	v50 =	vld [tilespmem:s25+$0x89A0]  }
0x1d7: {  	v51 =	vld [tilespmem:s26+$0x3A0]  }
0x1d8: {  	v52 =	vld [tilespmem:s25+$0x89B0]  }
0x1d9: {  	v53 =	vld [tilespmem:s26+$0x3B0]  }
0x1da: {  	v18 =	vmul.f32 v47, v18;
	v54 =	vmul.f32 v49, v48;
	_ =	sdelay $0x1  }
0x1db: {  	v55 =	vmul.f32 v51, v50;
	v18 =	vadd.f32 v54, v18;
	s29 =	spop (v2sf)  }
0x1dc: {  	s25 =	sshll.u32 s29, $0x2  }
0x1dd: {  	v56 =	vmul.f32 v53, v52;
	(v2sf) =	vpush v17, $0x9;
	s26 =	spop (v2sf);
	s30 =	sand.u32 $0x7, s29;
	v18 =	vadd.f32 v55, v18;
	s25 =	sand.u32 $0xFFFFFFE0, s25  }
0x1de: {  	s31 =	sand.u32 $0x7, s26;
	s26 =	sshll.u32 s26, $0x2;
	s28 =	sshll.u32 s30, $0x2  }
0x1df: {  	(v2sf) =	vpush v16, $0x9;
	s26 =	sand.u32 $0xFFFFFFE0, s26;
	s29 =	sshll.u32 s31, $0x2;
	s25 =	sor.u32 s28, s25;
	v18 =	vadd.f32 v56, v18  }
0x1e0: {  	s26 =	sor.u32 s29, s26;
	s25 =	sshra.s32 s25, $0x2  }
0x1e1: {  	s26 =	sshra.s32 s26, $0x2;
	s25 =	sadd.s32 s24, s25;
	[tilespmem:$0x18A70] =	vst v18  }
0x1e2: {  	s26 =	sadd.s32 s24, s26;
	v18 =	vld [tilespmem:s25+$0x8A00]  }
0x1e3: {  	s26 =	sadd.s32 $0x10600, s26;
	v58 =	vld [tilespmem:s25+$0x8A10]  }
0x1e4: {  	v57 =	vld [tilespmem:s26+$0x400]  }
0x1e5: {  	v59 =	vld [tilespmem:s26+$0x410]  }
0x1e6: {  	v60 =	vld [tilespmem:s25+$0x8A20]  }
0x1e7: {  	v61 =	vld [tilespmem:s26+$0x420]  }
0x1e8: {  	v62 =	vld [tilespmem:s25+$0x8A30]  }
0x1e9: {  	v63 =	vld [tilespmem:s26+$0x430]  }
0x1ea: {  	v18 =	vmul.f32 v57, v18;
	v21 =	vmul.f32 v59, v58;
	_ =	sdelay $0x1  }
0x1eb: {  	v26 =	vmul.f32 v61, v60;
	v18 =	vadd.f32 v21, v18;
	s29 =	spop (v2sf)  }
0x1ec: {  	s25 =	sshll.u32 s29, $0x2  }
0x1ed: {  	v27 =	vmul.f32 v63, v62;
	(v2sf) =	vpush v17, $0xA;
	s26 =	spop (v2sf);
	s30 =	sand.u32 $0x7, s29;
	v18 =	vadd.f32 v26, v18;
	s25 =	sand.u32 $0xFFFFFFE0, s25  }
0x1ee: {  	s31 =	sand.u32 $0x7, s26;
	s26 =	sshll.u32 s26, $0x2;
	s28 =	sshll.u32 s30, $0x2  }
0x1ef: {  	(v2sf) =	vpush v16, $0xA;
	s26 =	sand.u32 $0xFFFFFFE0, s26;
	s29 =	sshll.u32 s31, $0x2;
	s25 =	sor.u32 s28, s25;
	v18 =	vadd.f32 v27, v18  }
0x1f0: {  	s26 =	sor.u32 s29, s26;
	s25 =	sshra.s32 s25, $0x2  }
0x1f1: {  	s26 =	sshra.s32 s26, $0x2;
	s25 =	sadd.s32 s24, s25;
	[tilespmem:$0x18A80] =	vst v18  }
0x1f2: {  	s26 =	sadd.s32 s24, s26;
	v18 =	vld [tilespmem:s25+$0x8A80]  }
0x1f3: {  	s26 =	sadd.s32 $0x10600, s26;
	v29 =	vld [tilespmem:s25+$0x8A90]  }
0x1f4: {  	v28 =	vld [tilespmem:s26+$0x480]  }
0x1f5: {  	v30 =	vld [tilespmem:s26+$0x490]  }
0x1f6: {  	v31 =	vld [tilespmem:s25+$0x8AA0]  }
0x1f7: {  	v32 =	vld [tilespmem:s26+$0x4A0]  }
0x1f8: {  	v33 =	vld [tilespmem:s25+$0x8AB0]  }
0x1f9: {  	v34 =	vld [tilespmem:s26+$0x4B0]  }
0x1fa: {  	v18 =	vmul.f32 v28, v18;
	v35 =	vmul.f32 v30, v29;
	_ =	sdelay $0x1  }
0x1fb: {  	v36 =	vmul.f32 v32, v31;
	v18 =	vadd.f32 v35, v18;
	s29 =	spop (v2sf)  }
0x1fc: {  	s25 =	sshll.u32 s29, $0x2  }
0x1fd: {  	v37 =	vmul.f32 v34, v33;
	(v2sf) =	vpush v17, $0xB;
	s26 =	spop (v2sf);
	s30 =	sand.u32 $0x7, s29;
	v18 =	vadd.f32 v36, v18;
	s25 =	sand.u32 $0xFFFFFFE0, s25  }
0x1fe: {  	s31 =	sand.u32 $0x7, s26;
	s26 =	sshll.u32 s26, $0x2;
	s28 =	sshll.u32 s30, $0x2  }
0x1ff: {  	(v2sf) =	vpush v16, $0xB;
	s26 =	sand.u32 $0xFFFFFFE0, s26;
	s29 =	sshll.u32 s31, $0x2;
	s25 =	sor.u32 s28, s25;
	v18 =	vadd.f32 v37, v18  }
0x200: {  	s26 =	sor.u32 s29, s26;
	s25 =	sshra.s32 s25, $0x2  }
0x201: {  	s26 =	sshra.s32 s26, $0x2;
	s25 =	sadd.s32 s24, s25;
	[tilespmem:$0x18A90] =	vst v18  }
0x202: {  	s26 =	sadd.s32 s24, s26;
	v18 =	vld [tilespmem:s25+$0x8B00]  }
0x203: {  	s26 =	sadd.s32 $0x10600, s26;
	v39 =	vld [tilespmem:s25+$0x8B10]  }
0x204: {  	v38 =	vld [tilespmem:s26+$0x500]  }
0x205: {  	v40 =	vld [tilespmem:s26+$0x510]  }
0x206: {  	v41 =	vld [tilespmem:s25+$0x8B20]  }
0x207: {  	v42 =	vld [tilespmem:s26+$0x520]  }
0x208: {  	v43 =	vld [tilespmem:s25+$0x8B30]  }
0x209: {  	v44 =	vld [tilespmem:s26+$0x530]  }
0x20a: {  	v18 =	vmul.f32 v38, v18;
	v45 =	vmul.f32 v40, v39;
	_ =	sdelay $0x1  }
0x20b: {  	v46 =	vmul.f32 v42, v41;
	v18 =	vadd.f32 v45, v18;
	s29 =	spop (v2sf)  }
0x20c: {  	s25 =	sshll.u32 s29, $0x2  }
0x20d: {  	v47 =	vmul.f32 v44, v43;
	(v2sf) =	vpush v17, $0xC;
	s26 =	spop (v2sf);
	s30 =	sand.u32 $0x7, s29;
	v18 =	vadd.f32 v46, v18;
	s25 =	sand.u32 $0xFFFFFFE0, s25  }
0x20e: {  	s31 =	sand.u32 $0x7, s26;
	s26 =	sshll.u32 s26, $0x2;
	s28 =	sshll.u32 s30, $0x2  }
0x20f: {  	(v2sf) =	vpush v16, $0xC;
	s26 =	sand.u32 $0xFFFFFFE0, s26;
	s29 =	sshll.u32 s31, $0x2;
	s25 =	sor.u32 s28, s25;
	v18 =	vadd.f32 v47, v18  }
0x210: {  	s26 =	sor.u32 s29, s26;
	s25 =	sshra.s32 s25, $0x2  }
0x211: {  	s26 =	sshra.s32 s26, $0x2;
	s25 =	sadd.s32 s24, s25;
	[tilespmem:$0x18AA0] =	vst v18  }
0x212: {  	s26 =	sadd.s32 s24, s26;
	v18 =	vld [tilespmem:s25+$0x8B80]  }
0x213: {  	s26 =	sadd.s32 $0x10600, s26;
	v49 =	vld [tilespmem:s25+$0x8B90]  }
0x214: {  	v48 =	vld [tilespmem:s26+$0x580]  }
0x215: {  	v50 =	vld [tilespmem:s26+$0x590]  }
0x216: {  	v51 =	vld [tilespmem:s25+$0x8BA0]  }
0x217: {  	v52 =	vld [tilespmem:s26+$0x5A0]  }
0x218: {  	v53 =	vld [tilespmem:s25+$0x8BB0]  }
0x219: {  	v54 =	vld [tilespmem:s26+$0x5B0]  }
0x21a: {  	v18 =	vmul.f32 v48, v18;
	v55 =	vmul.f32 v50, v49;
	_ =	sdelay $0x1  }
0x21b: {  	v56 =	vmul.f32 v52, v51;
	v18 =	vadd.f32 v55, v18;
	s29 =	spop (v2sf)  }
0x21c: {  	s25 =	sshll.u32 s29, $0x2  }
0x21d: {  	v57 =	vmul.f32 v54, v53;
	(v2sf) =	vpush v17, $0xD;
	s26 =	spop (v2sf);
	s30 =	sand.u32 $0x7, s29;
	v18 =	vadd.f32 v56, v18;
	s25 =	sand.u32 $0xFFFFFFE0, s25  }
0x21e: {  	s31 =	sand.u32 $0x7, s26;
	s26 =	sshll.u32 s26, $0x2;
	s28 =	sshll.u32 s30, $0x2  }
0x21f: {  	(v2sf) =	vpush v16, $0xD;
	s26 =	sand.u32 $0xFFFFFFE0, s26;
	s29 =	sshll.u32 s31, $0x2;
	s25 =	sor.u32 s28, s25;
	v18 =	vadd.f32 v57, v18  }
0x220: {  	s26 =	sor.u32 s29, s26;
	s25 =	sshra.s32 s25, $0x2  }
0x221: {  	s26 =	sshra.s32 s26, $0x2;
	s25 =	sadd.s32 s24, s25;
	[tilespmem:$0x18AB0] =	vst v18  }
0x222: {  	s26 =	sadd.s32 s24, s26;
	v18 =	vld [tilespmem:s25+$0x8C00]  }
0x223: {  	s26 =	sadd.s32 $0x10600, s26;
	v59 =	vld [tilespmem:s25+$0x8C10]  }
0x224: {  	v58 =	vld [tilespmem:s26+$0x600]  }
0x225: {  	v60 =	vld [tilespmem:s26+$0x610]  }
0x226: {  	v61 =	vld [tilespmem:s25+$0x8C20]  }
0x227: {  	v62 =	vld [tilespmem:s26+$0x620]  }
0x228: {  	v63 =	vld [tilespmem:s25+$0x8C30]  }
0x229: {  	v28 =	vld [tilespmem:s26+$0x630]  }
0x22a: {  	v18 =	vmul.f32 v58, v18;
	v29 =	vmul.f32 v60, v59;
	_ =	sdelay $0x1  }
0x22b: {  	v30 =	vmul.f32 v62, v61;
	v18 =	vadd.f32 v29, v18;
	s29 =	spop (v2sf)  }
0x22c: {  	s25 =	sshll.u32 s29, $0x2  }
0x22d: {  	v31 =	vmul.f32 v28, v63;
	(v2sf) =	vpush v17, $0xE;
	s26 =	spop (v2sf);
	s30 =	sand.u32 $0x7, s29;
	v18 =	vadd.f32 v30, v18;
	s25 =	sand.u32 $0xFFFFFFE0, s25  }
0x22e: {  	s31 =	sand.u32 $0x7, s26;
	s26 =	sshll.u32 s26, $0x2;
	s28 =	sshll.u32 s30, $0x2  }
0x22f: {  	(v2sf) =	vpush v16, $0xE;
	s26 =	sand.u32 $0xFFFFFFE0, s26;
	s29 =	sshll.u32 s31, $0x2;
	s25 =	sor.u32 s28, s25;
	v18 =	vadd.f32 v31, v18  }
0x230: {  	s26 =	sor.u32 s29, s26;
	s25 =	sshra.s32 s25, $0x2  }
0x231: {  	s26 =	sshra.s32 s26, $0x2;
	s25 =	sadd.s32 s24, s25;
	[tilespmem:$0x18AC0] =	vst v18  }
0x232: {  	s26 =	sadd.s32 s24, s26;
	v18 =	vld [tilespmem:s25+$0x8C80]  }
0x233: {  	s26 =	sadd.s32 $0x10600, s26;
	v33 =	vld [tilespmem:s25+$0x8C90]  }
0x234: {  	v32 =	vld [tilespmem:s26+$0x680]  }
0x235: {  	v34 =	vld [tilespmem:s26+$0x690]  }
0x236: {  	v35 =	vld [tilespmem:s25+$0x8CA0]  }
0x237: {  	v36 =	vld [tilespmem:s26+$0x6A0]  }
0x238: {  	v37 =	vld [tilespmem:s25+$0x8CB0]  }
0x239: {  	v38 =	vld [tilespmem:s26+$0x6B0]  }
0x23a: {  	v18 =	vmul.f32 v32, v18;
	v39 =	vmul.f32 v34, v33;
	_ =	sdelay $0x1  }
0x23b: {  	v40 =	vmul.f32 v36, v35;
	v18 =	vadd.f32 v39, v18;
	s29 =	spop (v2sf)  }
0x23c: {  	s25 =	sshll.u32 s29, $0x2  }
0x23d: {  	v41 =	vmul.f32 v38, v37;
	(v2sf) =	vpush v17, $0xF;
	s26 =	spop (v2sf);
	s30 =	sand.u32 $0x7, s29;
	v18 =	vadd.f32 v40, v18;
	s25 =	sand.u32 $0xFFFFFFE0, s25  }
0x23e: {  	s31 =	sand.u32 $0x7, s26;
	s26 =	sshll.u32 s26, $0x2;
	s28 =	sshll.u32 s30, $0x2  }
0x23f: {  	(v2sf) =	vpush v16, $0xF;
	s26 =	sand.u32 $0xFFFFFFE0, s26;
	s29 =	sshll.u32 s31, $0x2;
	s25 =	sor.u32 s28, s25;
	v16 =	vadd.f32 v41, v18  }
0x240: {  	s26 =	sor.u32 s29, s26;
	s25 =	sshra.s32 s25, $0x2  }
0x241: {  	s26 =	sshra.s32 s26, $0x2;
	s25 =	sadd.s32 s24, s25;
	[tilespmem:$0x18AD0] =	vst v16  }
0x242: {  	s26 =	sadd.s32 s24, s26;
	v16 =	vld [tilespmem:s25+$0x8D00]  }
0x243: {  	s26 =	sadd.s32 $0x10600, s26;
	v42 =	vld [tilespmem:s25+$0x8D10]  }
0x244: {  	v17 =	vld [tilespmem:s26+$0x700]  }
0x245: {  	v43 =	vld [tilespmem:s26+$0x710]  }
0x246: {  	v44 =	vld [tilespmem:s25+$0x8D20]  }
0x247: {  	v45 =	vld [tilespmem:s26+$0x720]  }
0x248: {  	v46 =	vld [tilespmem:s25+$0x8D30]  }
0x249: {  	v47 =	vld [tilespmem:s26+$0x730]  }
0x24a: {  	v16 =	vmul.f32 v17, v16;
	v17 =	vmul.f32 v43, v42;
	_ =	sdelay $0x1  }
0x24b: {  	s29 =	spop (v2sf);
	v16 =	vadd.f32 v17, v16;
	v17 =	vmul.f32 v45, v44  }
0x24c: {  	s25 =	sshll.u32 s29, $0x2  }
0x24d: {  	s26 =	spop (v2sf);
	s30 =	sand.u32 $0x7, s29;
	v16 =	vadd.f32 v17, v16;
	v17 =	vmul.f32 v47, v46;
	s25 =	sand.u32 $0xFFFFFFE0, s25  }
0x24e: {  	s31 =	sand.u32 $0x7, s26;
	s26 =	sshll.u32 s26, $0x2;
	s28 =	sshll.u32 s30, $0x2  }
0x24f: {  	s26 =	sand.u32 $0xFFFFFFE0, s26;
	s29 =	sshll.u32 s31, $0x2;
	s25 =	sor.u32 s28, s25;
	v16 =	vadd.f32 v17, v16  }
0x250: {  	s26 =	sor.u32 s29, s26;
	s25 =	sshra.s32 s25, $0x2  }
0x251: {  	s26 =	sshra.s32 s26, $0x2;
	s25 =	sadd.s32 s24, s25;
	[tilespmem:$0x18AE0] =	vst v16  }
0x252: {  	s24 =	sadd.s32 s24, s26;
	v16 =	vld [tilespmem:s25+$0x8D80]  }
0x253: {  	s24 =	sadd.s32 $0x10600, s24;
	v48 =	vld [tilespmem:s25+$0x8D90]  }
0x254: {  	v17 =	vld [tilespmem:s24+$0x780]  }
0x255: {  	v49 =	vld [tilespmem:s24+$0x790]  }
0x256: {  	v50 =	vld [tilespmem:s25+$0x8DA0]  }
0x257: {  	v51 =	vld [tilespmem:s24+$0x7A0]  }
0x258: {  	v52 =	vld [tilespmem:s25+$0x8DB0]  }
0x259: {  	v53 =	vld [tilespmem:s24+$0x7B0]  }
0x25a: {  	v16 =	vmul.f32 v17, v16;
	v17 =	vmul.f32 v49, v48;
	_ =	sdelay $0x1  }
0x25b: {  	v16 =	vadd.f32 v17, v16;
	v17 =	vmul.f32 v51, v50;
	_ =	sdelay $0x1  }
0x25c: {  	v16 =	vadd.f32 v17, v16;
	v17 =	vmul.f32 v53, v52;
	_ =	sdelay $0x1  }
0x25d: {  	v16 =	vadd.f32 v17, v16;
	_ =	sdelay $0x1  }
0x25e: {  	[tilespmem:$0x18AF0] =	vst v16  }
0x25f: {  	v16 =	vld [tilespmem:s22+$0x0]  }
0x260: {  	v17 =	vld.idx.msk [tilespmem:v0+s16+$0x0], $0xffff;
	_ =	sdelay $0x1  }
0x261: {  	v54 =	vld.idx.msk [tilespmem:v1+s16+$0x0], $0xffff;
	_ =	sdelay $0x1  }
0x262: {  	v55 =	vld.idx.msk [tilespmem:v2+s16+$0x0], $0xffff  }
0x263: {  	v16 =	vadd.f32 v17, v16  }
0x264: {  	v17 =	vld.idx.msk [tilespmem:v3+s16+$0x0], $0xffff  }
0x265: {  	v16 =	vadd.f32 v54, v16  }
0x266: {  	v56 =	vld.idx.msk [tilespmem:v4+s16+$0x0], $0xffff  }
0x267: {  	v16 =	vadd.f32 v55, v16  }
0x268: {  	v57 =	vld.idx.msk [tilespmem:v5+s16+$0x0], $0xffff  }
0x269: {  	v16 =	vadd.f32 v17, v16  }
0x26a: {  	v17 =	vld.idx.msk [tilespmem:v6+s16+$0x0], $0xffff  }
0x26b: {  	v16 =	vadd.f32 v56, v16  }
0x26c: {  	v58 =	vld.idx.msk [tilespmem:v7+s16+$0x0], $0xffff  }
0x26d: {  	v16 =	vadd.f32 v57, v16  }
0x26e: {  	v59 =	vld.idx.msk [tilespmem:v8+s16+$0x0], $0xffff  }
0x26f: {  	v16 =	vadd.f32 v17, v16  }
0x270: {  	v17 =	vld.idx.msk [tilespmem:v9+s16+$0x0], $0xffff  }
0x271: {  	v16 =	vadd.f32 v58, v16  }
0x272: {  	v60 =	vld.idx.msk [tilespmem:v10+s16+$0x0], $0xffff  }
0x273: {  	v16 =	vadd.f32 v59, v16  }
0x274: {  	v61 =	vld.idx.msk [tilespmem:v11+s16+$0x0], $0xffff  }
0x275: {  	v16 =	vadd.f32 v17, v16  }
0x276: {  	v17 =	vld.idx.msk [tilespmem:v12+s16+$0x0], $0xffff  }
0x277: {  	v16 =	vadd.f32 v60, v16  }
0x278: {  	v62 =	vld.idx.msk [tilespmem:v13+s16+$0x0], $0xffff  }
0x279: {  	v16 =	vadd.f32 v61, v16  }
0x27a: {  	v63 =	vld.idx.msk [tilespmem:v14+s16+$0x0], $0xffff  }
0x27b: {  	v16 =	vadd.f32 v17, v16  }
0x27c: {  	v17 =	vld.idx.msk [tilespmem:v15+s16+$0x0], $0xffff  }
0x27d: {  	v16 =	vadd.f32 v62, v16  }
0x27e: {  	p0 =	sne.s32 s19, $0x1E000  }
.Ltmp1:
0x27f: {  	v16 =	vadd.f32 v63, v16;
	(pc) =	sbr.rel @p0 .LBB2_4-.Ltmp1, $4  }
0x280: {  	_ = 	snop  }
0x281: {  	v16 =	vadd.f32 v17, v16  }
0x282: {  	s20 =	sadd.s32 $0x10, s20;
	s21 =	sadd.s32 $0x10, s21  }
0x283: {  	s19 =	sadd.s32 $0x2000, s19;
	s22 =	sadd.s32 $0x10, s22;
	[tilespmem:s23+$0x0] =	vst v16;
	s23 =	sadd.s32 $0x10, s23  }
0x284: {  	s18 =	sadd.s32 $0x1, s18  }
0x285: {  	p0 =	sne.s32 s18, s10  }
.Ltmp2:
0x286: {  	_ = 	snop;
	(pc) =	sbr.rel @p0 .LBB2_1-.Ltmp2, $4  }
0x287: {  	[hbm4b:s9+s2] =	stream.linear.scatter [tilespmem:s17], [sflag:$0x2], $0x200, $0x38;
	[tilespmem:$0x18B00] =	vst v63  }
0x288: {  	_ =	swait.ge [sflag:s11], $0x200  }
0x289: {  	[sflag:s11] =	ssyncset.done $0x0  }
0x28a: {  	[sflag:s11] =	ssyncadd.s32 $0xFFFFFE00  }
0x28b: {  	_ =	sfence.sel $0x180000  }
0x28c: {  	[bflag:$0x0] =	sbarrier.arrive $0xFFFF  }
0x28d: {  	p0 =	sne.s32 s1, $0x0;
	_ =	strace $0x9000004A  }
0x28e: {  	s0 =	sadd.s32 @!p0 $0x100000, s0;
	[bflag:$0x2] =	sbarrier.arrive $0xFFFF  }
0x28f: {  	[sflag:s0] =	ssyncadd.tile.s32 @!p0 $0x1;
	_ =	shalt  }
.Lfunc_end2:
_tile_overlayer_lowered:
.L_overlay_start_2:
0x290: {  	(tag) =	ssettag $0x2  }
0x291: {  	s0 =	rddreg [dreg:$0x0];
	s2 =	stileid.u32  }
0x292: {  	s1 =	rddreg [dreg:$0x1];
	p0 =	sne.s32 s2, $0x0  }
0x293: {  	s3 =	rddreg [dreg:$0x2];
	[bflag:$0x3] =	sbarrier.arrive $0xFFFF;
	s2 =	simm.s32 @!p0 $0x1C02  }
0x294: {  	[timem:s3], [sflag:s2] =	dma.local @!p0 [hbm:s0], s1  }
0x295: {  	s0 =	simm.s32 @!p0 $0x2  }
0x296: {  	_ =	swait.ge @!p0 [sflag:s0], s1  }
0x297: {  	s1 =	ssub.s32 @!p0 $0x0, s1;
	[sflag:s0] =	ssyncset.done @!p0 $0x0  }
0x298: {  	[sflag:s0] =	ssyncadd.s32 @!p0 s1  }
0x299: {  	[bflag:$0x3] =	sbarrier.arrive $0xFFFF  }
0x29a: {  	_ =	shalt  }

</sc_bundles>
